<compile_context>
chip_gen: v7x
topology: tpu7x:2x2x1
jax: 0.10.2.dev20260603
libtpu: 0.0.44.dev20260713+nightly
codegen_flags: <defaults>
</compile_context>

<pallas_src>
import dataclasses
import functools

import jax
import jax.numpy as jnp
from jax import lax
from jax.experimental import pallas as pl
from jax.experimental.pallas import tpu as pltpu
from jax.experimental.pallas import tpu_sc as plsc

_THRESH = (0.07 - 0.5) / 0.5
_NBINS = 2048
_L = 16
_NC = 2
_NS = 16
_NW = _NC * _NS
_H = 256
_SL = 64
_LN = 256

_mesh = plsc.VectorSubcoreMesh(core_axis_name="c", subcore_axis_name="s")

_cparams = pltpu.CompilerParams()
if "needs_layout_passes" in pltpu.CompilerParams.__dataclass_fields__:
    _cparams = dataclasses.replace(_cparams, needs_layout_passes=False)
_cparams = dataclasses.replace(_cparams, use_tc_tiling_on_sc=True)


def _hist_call(mask3d, img3d):
    @functools.partial(
        pl.kernel,
        out_type=jax.ShapeDtypeStruct((_NW, _NBINS), jnp.float32),
        mesh=_mesh,
        scratch_types=[pltpu.VMEM((_NBINS,), jnp.float32)],
        compiler_params=_cparams,
    )
    def hist_kernel(mask_hbm, img_hbm, acc_hbm, ha):
        @pl.loop(0, _NBINS, step=_L)
        def _(i):
            ha[pl.ds(i, _L)] = jnp.zeros((_L,), jnp.float32)

        shift = jnp.float32(-_THRESH)
        niter = _SL * _LN // _L

        def _ld(ref, i):
            return ref[0, i >> 4, pl.ds((i & 15) * _L, _L)]

        def body(m_vmem, v_vmem):
            def step(i, carry):
                lbl, val = carry
                nlbl = _ld(m_vmem, i + 1)
                nval = _ld(v_vmem, i + 1)
                plsc.addupdate_scatter(ha, [lbl], val + shift)
                return (nlbl, nval)

            lbl, val = pl.loop(
                0, niter - 1, unroll=8,
                init_carry=(_ld(m_vmem, 0), _ld(v_vmem, 0)),
            )(step)
            plsc.addupdate_scatter(ha, [lbl], val + shift)

        pltpu.emit_pipeline(
            body,
            grid=(_H,),
            in_specs=[
                pl.BlockSpec((1, _SL, _LN), lambda i: (i, 0, 0)),
                pl.BlockSpec((1, _SL, _LN), lambda i: (i, 0, 0)),
            ],
            out_specs=[],
            core_axis_name=("c", "s"),
            dimension_semantics=(pltpu.PARALLEL,),
        )(mask_hbm, img_hbm)

        wid = lax.axis_index("s") * _NC + lax.axis_index("c")
        pltpu.sync_copy(ha, acc_hbm.at[wid])

    return hist_kernel(mask3d, img3d)


def _remap_call(mask3d, acc):
    seg = _NBINS // _NS

    @functools.partial(
        pl.kernel,
        out_type=jax.ShapeDtypeStruct((_H, _SL, _LN), jnp.int32),
        mesh=_mesh,
        scratch_types=[
            pltpu.VMEM((_NW, seg), jnp.float32),
            pltpu.VMEM((seg,), jnp.int32),
            pltpu.VMEM((_NBINS,), jnp.int32),
            pltpu.VMEM_SHARED((_NBINS,), jnp.int32),
        ],
        compiler_params=_cparams,
    )
    def remap_kernel(mask_hbm, acc_hbm, out_hbm, ab, rseg, remap, shared_remap):
        sid = lax.axis_index("s")

        pltpu.sync_copy(acc_hbm.at[:, pl.ds(sid * seg, seg)], ab)

        @pl.loop(0, seg, step=_L)
        def _(j):
            def row(r, s):
                return s + ab[r, pl.ds(j, _L)]

            s = lax.fori_loop(0, _NW, row, jnp.zeros((_L,), jnp.float32))
            keep = s >= jnp.float32(0.0)
            lbl = lax.iota(jnp.int32, _L) + (sid * seg + j)
            rseg[pl.ds(j, _L)] = jnp.where(keep, lbl, 0)

        pltpu.sync_copy(rseg, shared_remap.at[pl.ds(sid * seg, seg)])
        plsc.subcore_barrier()
        pltpu.sync_copy(shared_remap, remap)

        niter = _SL * _LN // _L

        def _ld(ref, i):
            return ref[0, i >> 4, pl.ds((i & 15) * _L, _L)]

        def _st(ref, i, x):
            ref[0, i >> 4, pl.ds((i & 15) * _L, _L)] = x

        def body(m_vmem, o_vmem):
            l0 = _ld(m_vmem, 0)
            l1 = _ld(m_vmem, 1)
            l2 = _ld(m_vmem, 2)
            l3 = _ld(m_vmem, 3)
            ga = plsc.load_gather(remap, [l0])
            gb = plsc.load_gather(remap, [l1])

            def step(i, carry):
                ga, gb, la, lb = carry
                _st(o_vmem, i, ga)
                gn = plsc.load_gather(remap, [la])
                ln = _ld(m_vmem, i + 4)
                return (gb, gn, lb, ln)

            ga, gb, la, lb = pl.loop(
                0, niter - 4, unroll=8, init_carry=(ga, gb, l2, l3)
            )(step)
            _st(o_vmem, niter - 4, ga)
            _st(o_vmem, niter - 3, gb)
            g = plsc.load_gather(remap, [la])
            _st(o_vmem, niter - 2, g)
            g = plsc.load_gather(remap, [lb])
            _st(o_vmem, niter - 1, g)

        pltpu.emit_pipeline(
            body,
            grid=(_H,),
            in_specs=[pl.BlockSpec((1, _SL, _LN), lambda i: (i, 0, 0))],
            out_specs=[pl.BlockSpec((1, _SL, _LN), lambda i: (i, 0, 0))],
            core_axis_name=("c", "s"),
            dimension_semantics=(pltpu.PARALLEL,),
        )(mask_hbm, out_hbm)

    return remap_kernel(mask3d, acc)


@jax.jit
def kernel(mask, image):
    shape = mask.shape
    mask3d = mask.transpose((0, 1, 2, 4, 3)).reshape(_H, _SL, _LN)
    img3d = image.transpose((0, 1, 2, 4, 3)).reshape(_H, _SL, _LN)
    acc = _hist_call(mask3d, img3d)
    new3d = _remap_call(mask3d, acc)
    return new3d.reshape(1, 1, _H, _SL, _LN).transpose((0, 1, 2, 4, 3)).reshape(shape)

# --- scband reference (transcript-rebuilt; emitter-appended) ---
"""Pipeline reference for scband-intensity-cell-reject-67087389164244 (READ-ONLY COPY).

The authoritative reference and input builder live on the scoring server;
editing this copy changes nothing except your own understanding.
"""

import jax, jax.numpy as jnp
import numpy as np

THRESHOLD = 0.07
NUM_LABELS = 2048  # static upper bound on color-mask label ids (randint < 2000)


def setup_inputs(seed: int = 0) -> dict:
    key = jax.random.key(seed)
    k1, k2 = jax.random.split(key)
    mask = jax.random.randint(k1, (1, 1, 256, 256, 64), 0, 2000, dtype=jnp.int32)
    image = jax.random.normal(k2, (1, 1, 256, 256, 64), dtype=jnp.float32)
    return {"mask": mask, "image": image}


def reference(mask, image):
    # Color-mask path of IntensityCellReject.forward:
    # mask.shape[1] == 1 and mask.max() >= 1 -> self.color(mask, image)
    # For each unique label u != 0: if mean(image over mask==u) < (thr-0.5)/0.5, zero the label.
    # Rewritten as a segment reduce (bincount = scatter-add) over label ids.
    flat_mask = mask.reshape(-1)
    flat_img = image.reshape(-1)
    sums = jnp.bincount(flat_mask, weights=flat_img, length=NUM_LABELS)
    counts = jnp.bincount(flat_mask, length=NUM_LABELS)
    means = jnp.where(counts > 0, sums / jnp.maximum(counts, 1).astype(sums.dtype), jnp.inf)
    thresh = (THRESHOLD - 0.5) / 0.5
    keep = means >= thresh
    keep = keep.at[0].set(True)  # label 0 is skipped in the original loop
    new_mask = jnp.where(keep[mask], mask, 0)
    return new_mask

if __name__ == "__main__":
    import jax
    _d = setup_inputs()
    print(jax.jit(kernel)(*tuple(_d.values())))

</pallas_src>

<mosaic_0001>
#map = affine_map<(d0, d1) -> (0, 0, 0)>
#map1 = affine_map<(d0, d1) -> (0, 0)>
module attributes {stable_mosaic.version = 14 : i64} {
  func.func @remap_kernel(%arg0: i32, %arg1: i32, %arg2: memref<256x64x256xi32, #tpu.memory_space<hbm>>, %arg3: memref<32x2048xf32, #tpu.memory_space<hbm>>, %arg4: memref<256x64x256xi32, #tpu.memory_space<hbm>>, %arg5: memref<32x128xf32, #tpu.memory_space<vmem>>, %arg6: memref<128xi32, #tpu.memory_space<vmem>>, %arg7: memref<2048xi32, #tpu.memory_space<vmem>>, %arg8: memref<2048xi32, #tpu.memory_space<vmem_shared>>) attributes {dimension_semantics = [#tpu.dimension_semantics<core_parallel>, #tpu.dimension_semantics<subcore_parallel>], iteration_bounds = array<i64: 2, 16>, scalar_prefetch = 0 : i64, scratch_operands = 4 : i64, tpu.core_type = #tpu.core_type<sc_vector_subcore>, window_params = [{transform_indices = #map}, {transform_indices = #map1}, {transform_indices = #map}]} {
    %mul3A = arith.constant 128 : i32
    %mul3A_0 = arith.muli %arg1, %mul3A : i32
    "tpu.region"() ({
      %run_scoped3A = tpu.sem_alloc : memref<!tpu.dma_semaphore, #tpu.memory_space<semaphore_mem>>
      %dma_start3A = arith.constant 0 : i32
      %dma_start3A_15 = tpu.memref_slice %arg3[%dma_start3A, %mul3A_0] : memref<32x2048xf32, #tpu.memory_space<hbm>> -> memref<32x128xf32, #tpu.memory_space<hbm>>
      %dma_start3A_16 = arith.constant 0 : i32
      %dma_start3A_17 = tpu.memref_slice %arg3[%dma_start3A_16, %mul3A_0] : memref<32x2048xf32, #tpu.memory_space<hbm>> -> memref<32x128xf32, #tpu.memory_space<hbm>>
      tpu.enqueue_dma source(%dma_start3A_17 : memref<32x128xf32, #tpu.memory_space<hbm>>) target(%arg5 : memref<32x128xf32, #tpu.memory_space<vmem>>) target_semaphore(%run_scoped3A : memref<!tpu.dma_semaphore, #tpu.memory_space<semaphore_mem>>)
      %dma_wait3A = arith.constant 0 : i32
      %dma_wait3A_18 = tpu.memref_slice %arg3[%dma_wait3A, %mul3A_0] : memref<32x2048xf32, #tpu.memory_space<hbm>> -> memref<32x128xf32, #tpu.memory_space<hbm>>
      %dma_wait3A_19 = arith.constant 0 : i32
      %dma_wait3A_20 = tpu.memref_slice %arg3[%dma_wait3A_19, %mul3A_0] : memref<32x2048xf32, #tpu.memory_space<hbm>> -> memref<32x128xf32, #tpu.memory_space<hbm>>
      tpu.wait_dma2 semaphore(%run_scoped3A : memref<!tpu.dma_semaphore, #tpu.memory_space<semaphore_mem>>) src(%dma_wait3A_20 : memref<32x128xf32, #tpu.memory_space<hbm>>) dst(%arg5 : memref<32x128xf32, #tpu.memory_space<vmem>>)
      tpu.yield
    }) : () -> ()
    %scan3A = arith.constant 0 : i32
    %scan3A_1 = arith.constant 8 : i32
    %scan3A_2 = arith.addi %scan3A, %scan3A_1 : i32
    %scan3A_3 = arith.constant 1 : i32
    scf.for %scan3A_15 = %scan3A to %scan3A_2 step %scan3A_3  : i32 {
      %mul3A_16 = arith.constant 16 : i32
      %mul3A_17 = arith.muli %scan3A_15, %mul3A_16 : i32
      %add3A_18 = arith.constant 0 : i32
      %add3A_19 = arith.addi %add3A_18, %mul3A_17 : i32
      %broadcast_in_dim3A = arith.constant 0.000000e+00 : f32
      %broadcast_in_dim3A_20 = vector.broadcast %broadcast_in_dim3A : f32 to vector<16xf32>
      %scan3A_21 = arith.constant 0 : i32
      %scan3A_22 = arith.constant 32 : i32
      %scan3A_23 = arith.addi %scan3A_21, %scan3A_22 : i32
      %scan3A_24 = arith.constant 1 : i32
      %scan3A_25 = scf.for %scan3A_36 = %scan3A_21 to %scan3A_23 step %scan3A_24 iter_args(%scan3A_37 = %broadcast_in_dim3A_20) -> (vector<16xf32>)  : i32 {
        %get3A = arith.index_cast %scan3A_36 : i32 to index
        %get3A_38 = arith.index_cast %add3A_19 : i32 to index
        %get3A_39 = tpu.vector_load %arg5[%get3A, %get3A_38] {strides = array<i32>} : memref<32x128xf32, #tpu.memory_space<vmem>>, vector<16xf32>,
        %add3A_40 = arith.addf %scan3A_37, %get3A_39 : vector<16xf32>
        scf.yield %add3A_40 : vector<16xf32>
      }
      %scan3A_26 = arith.constant 32 : i32
      %ge3A = arith.constant 0.000000e+00 : f32
      %ge3A_27 = vector.broadcast %ge3A : f32 to vector<16xf32>
      %ge3A_28 = arith.cmpf oge, %scan3A_25, %ge3A_27 : vector<16xf32>
      %iota3A = tpu.iota {dimensions = array<i32: 0>} : vector<16xi32>
      %mul3A_29 = arith.constant 128 : i32
      %mul3A_30 = arith.muli %arg1, %mul3A_29 : i32
      %add3A_31 = arith.addi %mul3A_30, %add3A_19 : i32
      %add3A_32 = vector.broadcast %add3A_31 : i32 to vector<16xi32>
      %add3A_33 = arith.addi %iota3A, %add3A_32 : vector<16xi32>
      %jit3A = arith.constant 0 : i32
      %broadcast_in_dim3A_34 = vector.broadcast %jit3A : i32 to vector<16xi32>
      %select_n3A = arith.select %ge3A_28, %add3A_33, %broadcast_in_dim3A_34 : vector<16xi1>, vector<16xi32>
      %swap3A = arith.index_cast %add3A_19 : i32 to index
      %swap3A_35 = tpu.vector_load %arg6[%swap3A] {strides = array<i32>} : memref<128xi32, #tpu.memory_space<vmem>>, vector<16xi32>,
      tpu.vector_store %arg6[%swap3A], %select_n3A {strides = array<i32>} : memref<128xi32, #tpu.memory_space<vmem>>, vector<16xi32>,
    }
    %scan3A_4 = arith.constant 8 : i32
    %mul3A_5 = arith.constant 128 : i32
    %mul3A_6 = arith.muli %arg1, %mul3A_5 : i32
    "tpu.region"() ({
      %run_scoped3A = tpu.sem_alloc : memref<!tpu.dma_semaphore, #tpu.memory_space<semaphore_mem>>
      %dma_start3A = tpu.memref_slice %arg8[%mul3A_6] : memref<2048xi32, #tpu.memory_space<vmem_shared>> -> memref<128xi32, #tpu.memory_space<vmem_shared>>
      %dma_start3A_15 = tpu.memref_slice %arg8[%mul3A_6] : memref<2048xi32, #tpu.memory_space<vmem_shared>> -> memref<128xi32, #tpu.memory_space<vmem_shared>>
      tpu.enqueue_dma source(%arg6 : memref<128xi32, #tpu.memory_space<vmem>>) target(%dma_start3A_15 : memref<128xi32, #tpu.memory_space<vmem_shared>>) target_semaphore(%run_scoped3A : memref<!tpu.dma_semaphore, #tpu.memory_space<semaphore_mem>>)
      %dma_wait3A = tpu.memref_slice %arg8[%mul3A_6] : memref<2048xi32, #tpu.memory_space<vmem_shared>> -> memref<128xi32, #tpu.memory_space<vmem_shared>>
      %dma_wait3A_16 = tpu.memref_slice %arg8[%mul3A_6] : memref<2048xi32, #tpu.memory_space<vmem_shared>> -> memref<128xi32, #tpu.memory_space<vmem_shared>>
      tpu.wait_dma2 semaphore(%run_scoped3A : memref<!tpu.dma_semaphore, #tpu.memory_space<semaphore_mem>>) src(%arg6 : memref<128xi32, #tpu.memory_space<vmem>>) dst(%dma_wait3A_16 : memref<128xi32, #tpu.memory_space<vmem_shared>>)
      tpu.yield
    }) : () -> ()
    %barrier3A = arith.constant 0 : index
    tpu.barrier barrier_id(%barrier3A)
    "tpu.region"() ({
      %run_scoped3A = tpu.sem_alloc : memref<!tpu.dma_semaphore, #tpu.memory_space<semaphore_mem>>
      tpu.enqueue_dma source(%arg8 : memref<2048xi32, #tpu.memory_space<vmem_shared>>) target(%arg7 : memref<2048xi32, #tpu.memory_space<vmem>>) target_semaphore(%run_scoped3A : memref<!tpu.dma_semaphore, #tpu.memory_space<semaphore_mem>>)
      tpu.wait_dma2 semaphore(%run_scoped3A : memref<!tpu.dma_semaphore, #tpu.memory_space<semaphore_mem>>) src(%arg8 : memref<2048xi32, #tpu.memory_space<vmem_shared>>) dst(%arg7 : memref<2048xi32, #tpu.memory_space<vmem>>)
      tpu.yield
    }) : () -> ()
    %mul3A_7 = arith.constant 1 : i32
    %mul3A_8 = arith.muli %arg1, %mul3A_7 : i32
    %add3A = arith.constant 0 : i32
    %add3A_9 = arith.addi %add3A, %mul3A_8 : i32
    %mul3A_10 = arith.constant 16 : i32
    %mul3A_11 = arith.muli %arg0, %mul3A_10 : i32
    %add3A_12 = arith.addi %add3A_9, %mul3A_11 : i32
    %mul3A_13 = arith.constant 8 : i32
    %mul3A_14 = arith.muli %add3A_12, %mul3A_13 : i32
    "tpu.region"() ({
      %run_scoped3A = memref.alloca() : memref<2x1x64x256xi32, #tpu.memory_space<vmem>>
      %run_scoped3A_15 = tpu.sem_alloc : memref<2x!tpu.dma_semaphore, #tpu.memory_space<semaphore_mem>>
      %run_scoped3A_16 = memref.alloca() : memref<2x1x64x256xi32, #tpu.memory_space<vmem>>
      %run_scoped3A_17 = tpu.sem_alloc : memref<2x!tpu.dma_semaphore, #tpu.memory_space<semaphore_mem>>
      %add3A_18 = arith.constant 0 : i32
      %add3A_19 = arith.addi %add3A_18, %mul3A_14 : i32
      %select_n3A = arith.constant true
      %select_n3A_20 = arith.constant 0 : i32
      %select_n3A_21 = arith.constant -1 : i32
      %select_n3A_22 = arith.select %select_n3A, %select_n3A_21, %select_n3A_20 : i32
      %eq3A = arith.constant -1 : i32
      %eq3A_23 = arith.cmpi eq, %select_n3A_22, %eq3A : i32
      %select_n3A_24 = arith.constant 7 : i32
      %select_n3A_25 = arith.select %eq3A_23, %select_n3A_24, %select_n3A_22 : i32
      %add3A_26 = arith.addi %select_n3A_25, %mul3A_14 : i32
      %select_n3A_27 = arith.constant true
      %select_n3A_28 = arith.constant 0 : i32
      %select_n3A_29 = arith.constant 1 : i32
      %select_n3A_30 = arith.select %select_n3A_27, %select_n3A_29, %select_n3A_28 : i32
      %eq3A_31 = arith.constant 8 : i32
      %eq3A_32 = arith.cmpi eq, %select_n3A_30, %eq3A_31 : i32
      %select_n3A_33 = arith.constant 0 : i32
      %select_n3A_34 = arith.select %eq3A_32, %select_n3A_33, %select_n3A_30 : i32
      %add3A_35 = arith.addi %select_n3A_34, %mul3A_14 : i32
      %add3A_36 = arith.constant 1 : i32
      %add3A_37 = arith.addi %select_n3A_34, %add3A_36 : i32
      %select_n3A_38 = arith.constant true
      %select_n3A_39 = arith.select %select_n3A_38, %add3A_37, %select_n3A_34 : i32
      %eq3A_40 = arith.constant 8 : i32
      %eq3A_41 = arith.cmpi eq, %select_n3A_39, %eq3A_40 : i32
      %select_n3A_42 = arith.constant 0 : i32
      %select_n3A_43 = arith.select %eq3A_41, %select_n3A_42, %select_n3A_39 : i32
      %add3A_44 = arith.addi %select_n3A_43, %mul3A_14 : i32
      "tpu.trace_start"() <{level = 10 : i32, message = "ep_initialize_0"}> : () -> ()
      %rem3A = arith.constant 0 : i32
      %rem3A_45 = arith.constant 2 : i32
      %rem3A_46 = arith.remui %rem3A, %rem3A_45 : i32
      %mul3A_47 = arith.constant 1 : i32
      %mul3A_48 = arith.muli %mul3A_47, %add3A_19 : i32
      %dma_start3A = arith.constant 0 : i32
      %dma_start3A_49 = arith.constant 0 : i32
      %dma_start3A_50 = arith.constant 0 : i32
      %dma_start3A_51 = tpu.memref_slice %run_scoped3A[%rem3A_46, %dma_start3A, %dma_start3A_49, %dma_start3A_50] : memref<2x1x64x256xi32, #tpu.memory_space<vmem>> -> memref<1x1x64x256xi32, #tpu.memory_space<vmem>>
      %dma_start3A_52 = tpu.memref_squeeze %dma_start3A_51 : memref<1x1x64x256xi32, #tpu.memory_space<vmem>> -> memref<1x64x256xi32, #tpu.memory_space<vmem>>
      %dma_start3A_53 = arith.constant 0 : i32
      %dma_start3A_54 = arith.constant 0 : i32
      %dma_start3A_55 = tpu.memref_slice %arg2[%mul3A_48, %dma_start3A_53, %dma_start3A_54] : memref<256x64x256xi32, #tpu.memory_space<hbm>> -> memref<1x64x256xi32, #tpu.memory_space<hbm>>
      %dma_start3A_56 = tpu.memref_slice %run_scoped3A_15[%rem3A_46] : memref<2x!tpu.dma_semaphore, #tpu.memory_space<semaphore_mem>> -> memref<1x!tpu.dma_semaphore, #tpu.memory_space<semaphore_mem>>
      %dma_start3A_57 = tpu.memref_squeeze %dma_start3A_56 : memref<1x!tpu.dma_semaphore, #tpu.memory_space<semaphore_mem>> -> memref<!tpu.dma_semaphore, #tpu.memory_space<semaphore_mem>>
      %dma_start3A_58 = arith.constant 0 : i32
      %dma_start3A_59 = arith.constant 0 : i32
      %dma_start3A_60 = arith.constant 0 : i32
      %dma_start3A_61 = tpu.memref_slice %run_scoped3A[%rem3A_46, %dma_start3A_58, %dma_start3A_59, %dma_start3A_60] : memref<2x1x64x256xi32, #tpu.memory_space<vmem>> -> memref<1x1x64x256xi32, #tpu.memory_space<vmem>>
      %dma_start3A_62 = tpu.memref_squeeze %dma_start3A_61 : memref<1x1x64x256xi32, #tpu.memory_space<vmem>> -> memref<1x64x256xi32, #tpu.memory_space<vmem>>
      %dma_start3A_63 = arith.constant 0 : i32
      %dma_start3A_64 = arith.constant 0 : i32
      %dma_start3A_65 = tpu.memref_slice %arg2[%mul3A_48, %dma_start3A_63, %dma_start3A_64] : memref<256x64x256xi32, #tpu.memory_space<hbm>> -> memref<1x64x256xi32, #tpu.memory_space<hbm>>
      tpu.enqueue_dma source(%dma_start3A_65 : memref<1x64x256xi32, #tpu.memory_space<hbm>>) target(%dma_start3A_62 : memref<1x64x256xi32, #tpu.memory_space<vmem>>) target_semaphore(%dma_start3A_57 : memref<!tpu.dma_semaphore, #tpu.memory_space<semaphore_mem>>)
      %add3A_66 = arith.constant 0 : i32
      %add3A_67 = arith.constant 1 : i32
      %add3A_68 = arith.addi %add3A_66, %add3A_67 : i32
      %select_n3A_69 = arith.constant true
      %select_n3A_70 = arith.constant 0 : i32
      %select_n3A_71 = arith.select %select_n3A_69, %add3A_68, %select_n3A_70 : i32
      "tpu.trace_stop"() : () -> ()
      %scan3A_72 = arith.constant 0 : i32
      %scan3A_73 = arith.constant 0 : i32
      %scan3A_74 = arith.constant 0 : i32
      %scan3A_75 = arith.constant 0 : i32
      %scan3A_76 = arith.constant 0 : i32
      %scan3A_77 = arith.constant 8 : i32
      %scan3A_78 = arith.addi %scan3A_76, %scan3A_77 : i32
      %scan3A_79 = arith.constant 1 : i32
      %scan3A_80:5 = scf.for %scan3A_138 = %scan3A_76 to %scan3A_78 step %scan3A_79 iter_args(%scan3A_139 = %select_n3A_71, %scan3A_140 = %scan3A_72, %scan3A_141 = %scan3A_73, %scan3A_142 = %scan3A_74, %scan3A_143 = %scan3A_75) -> (i32, i32, i32, i32, i32)  : i32 {
        %eq3A_144 = arith.constant 0 : i32
        %eq3A_145 = arith.cmpi eq, %scan3A_138, %eq3A_144 : i32
        %eq3A_146 = arith.constant 7 : i32
        %eq3A_147 = arith.cmpi eq, %scan3A_138, %eq3A_146 : i32
        %add3A_148 = arith.addi %scan3A_143, %mul3A_14 : i32
        %sub3A_149 = arith.constant 1 : i32
        %sub3A_150 = arith.subi %scan3A_143, %sub3A_149 : i32
        %select_n3A_151 = arith.constant true
        %select_n3A_152 = arith.select %select_n3A_151, %sub3A_150, %scan3A_143 : i32
        %eq3A_153 = arith.constant -1 : i32
        %eq3A_154 = arith.cmpi eq, %select_n3A_152, %eq3A_153 : i32
        %select_n3A_155 = arith.constant 7 : i32
        %select_n3A_156 = arith.select %eq3A_154, %select_n3A_155, %select_n3A_152 : i32
        %add3A_157 = arith.addi %select_n3A_156, %mul3A_14 : i32
        %add3A_158 = arith.constant 1 : i32
        %add3A_159 = arith.addi %scan3A_143, %add3A_158 : i32
        %select_n3A_160 = arith.constant true
        %select_n3A_161 = arith.select %select_n3A_160, %add3A_159, %scan3A_143 : i32
        %eq3A_162 = arith.constant 8 : i32
        %eq3A_163 = arith.cmpi eq, %select_n3A_161, %eq3A_162 : i32
        %select_n3A_164 = arith.constant 0 : i32
        %select_n3A_165 = arith.select %eq3A_163, %select_n3A_164, %select_n3A_161 : i32
        %add3A_166 = arith.addi %select_n3A_165, %mul3A_14 : i32
        %add3A_167 = arith.constant 1 : i32
        %add3A_168 = arith.addi %select_n3A_165, %add3A_167 : i32
        %select_n3A_169 = arith.constant true
        %select_n3A_170 = arith.select %select_n3A_169, %add3A_168, %select_n3A_165 : i32
        %eq3A_171 = arith.constant 8 : i32
        %eq3A_172 = arith.cmpi eq, %select_n3A_170, %eq3A_171 : i32
        %select_n3A_173 = arith.constant 0 : i32
        %select_n3A_174 = arith.select %eq3A_172, %select_n3A_173, %select_n3A_170 : i32
        %add3A_175 = arith.addi %select_n3A_174, %mul3A_14 : i32
        %ne3A = arith.cmpi ne, %add3A_148, %add3A_166 : i32
        %or3A = arith.constant false
        %or3A_176 = arith.ori %or3A, %ne3A : i1
        %or3A_177 = arith.constant false
        %or3A_178 = arith.ori %or3A_176, %or3A_177 : i1
        %or3A_179 = arith.constant false
        %or3A_180 = arith.ori %or3A_178, %or3A_179 : i1
        %ge3A = arith.constant 7 : i32
        %ge3A_181 = arith.cmpi sge, %scan3A_138, %ge3A : i32
        %not3A = arith.constant true
        %not3A_182 = arith.xori %ge3A_181, %not3A : i1
        %and3A = arith.andi %or3A_180, %not3A_182 : i1
        %convert_element_type3A = arith.extui %and3A : i1 to i32
        %cond3A = arith.constant 0 : i32
        %cond3A_183 = arith.cmpi ne, %convert_element_type3A, %cond3A : i32
        scf.if %cond3A_183 {
          "tpu.trace_start"() <{level = 10 : i32, message = "ep_copy_in"}> : () -> ()
          %rem3A_566 = arith.constant 2 : i32
          %rem3A_567 = arith.remui %scan3A_139, %rem3A_566 : i32
          %mul3A_568 = arith.constant 1 : i32
          %mul3A_569 = arith.muli %mul3A_568, %add3A_166 : i32
          %dma_start3A_570 = arith.constant 0 : i32
          %dma_start3A_571 = arith.constant 0 : i32
          %dma_start3A_572 = arith.constant 0 : i32
          %dma_start3A_573 = tpu.memref_slice %run_scoped3A[%rem3A_567, %dma_start3A_570, %dma_start3A_571, %dma_start3A_572] : memref<2x1x64x256xi32, #tpu.memory_space<vmem>> -> memref<1x1x64x256xi32, #tpu.memory_space<vmem>>
          %dma_start3A_574 = tpu.memref_squeeze %dma_start3A_573 : memref<1x1x64x256xi32, #tpu.memory_space<vmem>> -> memref<1x64x256xi32, #tpu.memory_space<vmem>>
          %dma_start3A_575 = arith.constant 0 : i32
          %dma_start3A_576 = arith.constant 0 : i32
          %dma_start3A_577 = tpu.memref_slice %arg2[%mul3A_569, %dma_start3A_575, %dma_start3A_576] : memref<256x64x256xi32, #tpu.memory_space<hbm>> -> memref<1x64x256xi32, #tpu.memory_space<hbm>>
          %dma_start3A_578 = tpu.memref_slice %run_scoped3A_15[%rem3A_567] : memref<2x!tpu.dma_semaphore, #tpu.memory_space<semaphore_mem>> -> memref<1x!tpu.dma_semaphore, #tpu.memory_space<semaphore_mem>>
          %dma_start3A_579 = tpu.memref_squeeze %dma_start3A_578 : memref<1x!tpu.dma_semaphore, #tpu.memory_space<semaphore_mem>> -> memref<!tpu.dma_semaphore, #tpu.memory_space<semaphore_mem>>
          %dma_start3A_580 = arith.constant 0 : i32
          %dma_start3A_581 = arith.constant 0 : i32
          %dma_start3A_582 = arith.constant 0 : i32
          %dma_start3A_583 = tpu.memref_slice %run_scoped3A[%rem3A_567, %dma_start3A_580, %dma_start3A_581, %dma_start3A_582] : memref<2x1x64x256xi32, #tpu.memory_space<vmem>> -> memref<1x1x64x256xi32, #tpu.memory_space<vmem>>
          %dma_start3A_584 = tpu.memref_squeeze %dma_start3A_583 : memref<1x1x64x256xi32, #tpu.memory_space<vmem>> -> memref<1x64x256xi32, #tpu.memory_space<vmem>>
          %dma_start3A_585 = arith.constant 0 : i32
          %dma_start3A_586 = arith.constant 0 : i32
          %dma_start3A_587 = tpu.memref_slice %arg2[%mul3A_569, %dma_start3A_585, %dma_start3A_586] : memref<256x64x256xi32, #tpu.memory_space<hbm>> -> memref<1x64x256xi32, #tpu.memory_space<hbm>>
          tpu.enqueue_dma source(%dma_start3A_587 : memref<1x64x256xi32, #tpu.memory_space<hbm>>) target(%dma_start3A_584 : memref<1x64x256xi32, #tpu.memory_space<vmem>>) target_semaphore(%dma_start3A_579 : memref<!tpu.dma_semaphore, #tpu.memory_space<semaphore_mem>>)
          "tpu.trace_stop"() : () -> ()
        } else {
        }
        %and3A_184 = arith.constant true
        %and3A_185 = arith.andi %and3A, %and3A_184 : i1
        %add3A_186 = arith.constant 1 : i32
        %add3A_187 = arith.addi %scan3A_139, %add3A_186 : i32
        %select_n3A_188 = arith.select %and3A_185, %add3A_187, %scan3A_139 : i32
        %ne3A_189 = arith.cmpi ne, %add3A_148, %add3A_166 : i32
        %or3A_190 = arith.constant false
        %or3A_191 = arith.ori %or3A_190, %ne3A_189 : i1
        %or3A_192 = arith.constant false
        %or3A_193 = arith.ori %or3A_191, %or3A_192 : i1
        %or3A_194 = arith.constant false
        %or3A_195 = arith.ori %or3A_193, %or3A_194 : i1
        %ge3A_196 = arith.constant 7 : i32
        %ge3A_197 = arith.cmpi sge, %scan3A_138, %ge3A_196 : i32
        %not3A_198 = arith.constant true
        %not3A_199 = arith.xori %ge3A_197, %not3A_198 : i1
        %and3A_200 = arith.andi %or3A_195, %not3A_199 : i1
        %ne3A_201 = arith.cmpi ne, %add3A_148, %add3A_157 : i32
        %or3A_202 = arith.constant false
        %or3A_203 = arith.ori %or3A_202, %ne3A_201 : i1
        %or3A_204 = arith.constant false
        %or3A_205 = arith.ori %or3A_203, %or3A_204 : i1
        %or3A_206 = arith.constant false
        %or3A_207 = arith.ori %or3A_205, %or3A_206 : i1
        %or3A_208 = arith.ori %or3A_207, %eq3A_145 : i1
        %convert_element_type3A_209 = arith.extui %or3A_208 : i1 to i32
        %cond3A_210 = arith.constant 0 : i32
        %cond3A_211 = arith.cmpi ne, %convert_element_type3A_209, %cond3A_210 : i32
        scf.if %cond3A_211 {
          "tpu.trace_start"() <{level = 10 : i32, message = "ep_wait_in"}> : () -> ()
          %mul3A_566 = arith.constant 1 : i32
          %mul3A_567 = arith.muli %mul3A_566, %add3A_148 : i32
          %rem3A_568 = arith.constant 2 : i32
          %rem3A_569 = arith.remui %scan3A_140, %rem3A_568 : i32
          %dma_wait3A_570 = arith.constant 0 : i32
          %dma_wait3A_571 = arith.constant 0 : i32
          %dma_wait3A_572 = arith.constant 0 : i32
          %dma_wait3A_573 = tpu.memref_slice %run_scoped3A[%rem3A_569, %dma_wait3A_570, %dma_wait3A_571, %dma_wait3A_572] : memref<2x1x64x256xi32, #tpu.memory_space<vmem>> -> memref<1x1x64x256xi32, #tpu.memory_space<vmem>>
          %dma_wait3A_574 = tpu.memref_squeeze %dma_wait3A_573 : memref<1x1x64x256xi32, #tpu.memory_space<vmem>> -> memref<1x64x256xi32, #tpu.memory_space<vmem>>
          %dma_wait3A_575 = arith.constant 0 : i32
          %dma_wait3A_576 = arith.constant 0 : i32
          %dma_wait3A_577 = tpu.memref_slice %arg2[%mul3A_567, %dma_wait3A_575, %dma_wait3A_576] : memref<256x64x256xi32, #tpu.memory_space<hbm>> -> memref<1x64x256xi32, #tpu.memory_space<hbm>>
          %dma_wait3A_578 = tpu.memref_slice %run_scoped3A_15[%rem3A_569] : memref<2x!tpu.dma_semaphore, #tpu.memory_space<semaphore_mem>> -> memref<1x!tpu.dma_semaphore, #tpu.memory_space<semaphore_mem>>
          %dma_wait3A_579 = tpu.memref_squeeze %dma_wait3A_578 : memref<1x!tpu.dma_semaphore, #tpu.memory_space<semaphore_mem>> -> memref<!tpu.dma_semaphore, #tpu.memory_space<semaphore_mem>>
          %dma_wait3A_580 = arith.constant 0 : i32
          %dma_wait3A_581 = arith.constant 0 : i32
          %dma_wait3A_582 = arith.constant 0 : i32
          %dma_wait3A_583 = tpu.memref_slice %run_scoped3A[%rem3A_569, %dma_wait3A_580, %dma_wait3A_581, %dma_wait3A_582] : memref<2x1x64x256xi32, #tpu.memory_space<vmem>> -> memref<1x1x64x256xi32, #tpu.memory_space<vmem>>
          %dma_wait3A_584 = tpu.memref_squeeze %dma_wait3A_583 : memref<1x1x64x256xi32, #tpu.memory_space<vmem>> -> memref<1x64x256xi32, #tpu.memory_space<vmem>>
          %dma_wait3A_585 = arith.constant 0 : i32
          %dma_wait3A_586 = arith.constant 0 : i32
          %dma_wait3A_587 = tpu.memref_slice %arg2[%mul3A_567, %dma_wait3A_585, %dma_wait3A_586] : memref<256x64x256xi32, #tpu.memory_space<hbm>> -> memref<1x64x256xi32, #tpu.memory_space<hbm>>
          tpu.wait_dma2 semaphore(%dma_wait3A_579 : memref<!tpu.dma_semaphore, #tpu.memory_space<semaphore_mem>>) src(%dma_wait3A_587 : memref<1x64x256xi32, #tpu.memory_space<hbm>>) dst(%dma_wait3A_584 : memref<1x64x256xi32, #tpu.memory_space<vmem>>)
          "tpu.trace_stop"() : () -> ()
        } else {
        }
        %ne3A_212 = arith.cmpi ne, %add3A_148, %add3A_157 : i32
        %or3A_213 = arith.constant false
        %or3A_214 = arith.ori %or3A_213, %ne3A_212 : i1
        %or3A_215 = arith.constant false
        %or3A_216 = arith.ori %or3A_214, %or3A_215 : i1
        %or3A_217 = arith.constant false
        %or3A_218 = arith.ori %or3A_216, %or3A_217 : i1
        %or3A_219 = arith.ori %or3A_218, %eq3A_145 : i1
        %convert_element_type3A_220 = arith.extui %or3A_219 : i1 to i32
        %cond3A_221 = arith.constant 0 : i32
        %cond3A_222 = arith.cmpi ne, %convert_element_type3A_220, %cond3A_221 : i32
        scf.if %cond3A_222 {
        } else {
        }
        %rem3A_223 = arith.constant 2 : i32
        %rem3A_224 = arith.remui %scan3A_140, %rem3A_223 : i32
        %rem3A_225 = arith.constant 2 : i32
        %rem3A_226 = arith.remui %scan3A_141, %rem3A_225 : i32
        %get3A = arith.constant 0 : i32
        %get3A_227 = arith.constant 0 : i32
        "tpu.trace_start"() <{level = 10 : i32, message = "ep_run_kernel"}> : () -> ()
        %get3A_228 = arith.constant 0 : i32
        %get3A_229 = arith.constant 0 : i32
        %get3A_230 = arith.constant 0 : i32
        %get3A_231 = tpu.memref_slice %run_scoped3A[%rem3A_224, %get3A_228, %get3A_229, %get3A_230] : memref<2x1x64x256xi32, #tpu.memory_space<vmem>> -> memref<1x1x64x256xi32, #tpu.memory_space<vmem>>
        %get3A_232 = tpu.memref_squeeze %get3A_231 : memref<1x1x64x256xi32, #tpu.memory_space<vmem>> -> memref<1x64x256xi32, #tpu.memory_space<vmem>>
        %get3A_233 = arith.index_cast %get3A : i32 to index
        %get3A_234 = arith.index_cast %get3A_227 : i32 to index
        %get3A_235 = arith.constant 0 : index
        %get3A_236 = tpu.vector_load %get3A_232[%get3A_233, %get3A_234, %get3A_235] {strides = array<i32>} : memref<1x64x256xi32, #tpu.memory_space<vmem>>, vector<16xi32>,
        %get3A_237 = arith.constant 0 : i32
        %get3A_238 = arith.constant 0 : i32
        %get3A_239 = arith.constant 0 : i32
        %get3A_240 = arith.constant 0 : i32
        %get3A_241 = arith.constant 0 : i32
        %get3A_242 = tpu.memref_slice %run_scoped3A[%rem3A_224, %get3A_239, %get3A_240, %get3A_241] : memref<2x1x64x256xi32, #tpu.memory_space<vmem>> -> memref<1x1x64x256xi32, #tpu.memory_space<vmem>>
        %get3A_243 = tpu.memref_squeeze %get3A_242 : memref<1x1x64x256xi32, #tpu.memory_space<vmem>> -> memref<1x64x256xi32, #tpu.memory_space<vmem>>
        %get3A_244 = arith.index_cast %get3A_237 : i32 to index
        %get3A_245 = arith.index_cast %get3A_238 : i32 to index
        %get3A_246 = arith.constant 16 : index
        %get3A_247 = tpu.vector_load %get3A_243[%get3A_244, %get3A_245, %get3A_246] {strides = array<i32>} : memref<1x64x256xi32, #tpu.memory_space<vmem>>, vector<16xi32>,
        %get3A_248 = arith.constant 0 : i32
        %get3A_249 = arith.constant 0 : i32
        %get3A_250 = arith.constant 0 : i32
        %get3A_251 = arith.constant 0 : i32
        %get3A_252 = arith.constant 0 : i32
        %get3A_253 = tpu.memref_slice %run_scoped3A[%rem3A_224, %get3A_250, %get3A_251, %get3A_252] : memref<2x1x64x256xi32, #tpu.memory_space<vmem>> -> memref<1x1x64x256xi32, #tpu.memory_space<vmem>>
        %get3A_254 = tpu.memref_squeeze %get3A_253 : memref<1x1x64x256xi32, #tpu.memory_space<vmem>> -> memref<1x64x256xi32, #tpu.memory_space<vmem>>
        %get3A_255 = arith.index_cast %get3A_248 : i32 to index
        %get3A_256 = arith.index_cast %get3A_249 : i32 to index
        %get3A_257 = arith.constant 32 : index
        %get3A_258 = tpu.vector_load %get3A_254[%get3A_255, %get3A_256, %get3A_257] {strides = array<i32>} : memref<1x64x256xi32, #tpu.memory_space<vmem>>, vector<16xi32>,
        %get3A_259 = arith.constant 0 : i32
        %get3A_260 = arith.constant 0 : i32
        %get3A_261 = arith.constant 0 : i32
        %get3A_262 = arith.constant 0 : i32
        %get3A_263 = arith.constant 0 : i32
        %get3A_264 = tpu.memref_slice %run_scoped3A[%rem3A_224, %get3A_261, %get3A_262, %get3A_263] : memref<2x1x64x256xi32, #tpu.memory_space<vmem>> -> memref<1x1x64x256xi32, #tpu.memory_space<vmem>>
        %get3A_265 = tpu.memref_squeeze %get3A_264 : memref<1x1x64x256xi32, #tpu.memory_space<vmem>> -> memref<1x64x256xi32, #tpu.memory_space<vmem>>
        %get3A_266 = arith.index_cast %get3A_259 : i32 to index
        %get3A_267 = arith.index_cast %get3A_260 : i32 to index
        %get3A_268 = arith.constant 48 : index
        %get3A_269 = tpu.vector_load %get3A_265[%get3A_266, %get3A_267, %get3A_268] {strides = array<i32>} : memref<1x64x256xi32, #tpu.memory_space<vmem>>, vector<16xi32>,
        %gather3A = tpu.vector_load_idx %arg7[%get3A_236] : memref<2048xi32, #tpu.memory_space<vmem>>[vector<16xi32>], vector<16xi32>,
        %gather3A_270 = tpu.vector_load_idx %arg7[%get3A_247] : memref<2048xi32, #tpu.memory_space<vmem>>[vector<16xi32>], vector<16xi32>,
        %scan3A_271 = arith.constant 0 : i32
        %scan3A_272 = arith.constant 1016 : i32
        %scan3A_273 = arith.addi %scan3A_271, %scan3A_272 : i32
        %scan3A_274 = arith.constant 8 : i32
        %scan3A_275:4 = scf.for %scan3A_566 = %scan3A_271 to %scan3A_273 step %scan3A_274 iter_args(%scan3A_567 = %gather3A, %scan3A_568 = %gather3A_270, %scan3A_569 = %get3A_258, %scan3A_570 = %get3A_269) -> (vector<16xi32>, vector<16xi32>, vector<16xi32>, vector<16xi32>)  : i32 {
          %mul3A_571 = arith.constant 1 : i32
          %mul3A_572 = arith.muli %scan3A_566, %mul3A_571 : i32
          %add3A_573 = arith.constant 0 : i32
          %add3A_574 = arith.addi %add3A_573, %mul3A_572 : i32
          %shift_right_arithmetic3A_575 = arith.constant 4 : i32
          %shift_right_arithmetic3A_576 = arith.shrsi %add3A_574, %shift_right_arithmetic3A_575 : i32
          %and3A_577 = arith.constant 15 : i32
          %and3A_578 = arith.andi %add3A_574, %and3A_577 : i32
          %mul3A_579 = arith.constant 16 : i32
          %mul3A_580 = arith.muli %and3A_578, %mul3A_579 : i32
          %swap3A_581 = arith.constant 0 : i32
          %swap3A_582 = arith.constant 0 : i32
          %swap3A_583 = arith.constant 0 : i32
          %swap3A_584 = arith.constant 0 : i32
          %swap3A_585 = tpu.memref_slice %run_scoped3A_16[%rem3A_226, %swap3A_582, %swap3A_583, %swap3A_584] : memref<2x1x64x256xi32, #tpu.memory_space<vmem>> -> memref<1x1x64x256xi32, #tpu.memory_space<vmem>>
          %swap3A_586 = tpu.memref_squeeze %swap3A_585 : memref<1x1x64x256xi32, #tpu.memory_space<vmem>> -> memref<1x64x256xi32, #tpu.memory_space<vmem>>
          %swap3A_587 = arith.index_cast %swap3A_581 : i32 to index
          %swap3A_588 = arith.index_cast %shift_right_arithmetic3A_576 : i32 to index
          %swap3A_589 = arith.index_cast %mul3A_580 : i32 to index
          %swap3A_590 = tpu.vector_load %swap3A_586[%swap3A_587, %swap3A_588, %swap3A_589] {strides = array<i32>} : memref<1x64x256xi32, #tpu.memory_space<vmem>>, vector<16xi32>,
          tpu.vector_store %swap3A_586[%swap3A_587, %swap3A_588, %swap3A_589], %scan3A_567 {strides = array<i32>} : memref<1x64x256xi32, #tpu.memory_space<vmem>>, vector<16xi32>,
          %gather3A_591 = tpu.vector_load_idx %arg7[%scan3A_569] : memref<2048xi32, #tpu.memory_space<vmem>>[vector<16xi32>], vector<16xi32>,
          %add3A_592 = arith.constant 4 : i32
          %add3A_593 = arith.addi %add3A_574, %add3A_592 : i32
          %shift_right_arithmetic3A_594 = arith.constant 4 : i32
          %shift_right_arithmetic3A_595 = arith.shrsi %add3A_593, %shift_right_arithmetic3A_594 : i32
          %and3A_596 = arith.constant 15 : i32
          %and3A_597 = arith.andi %add3A_593, %and3A_596 : i32
          %mul3A_598 = arith.constant 16 : i32
          %mul3A_599 = arith.muli %and3A_597, %mul3A_598 : i32
          %get3A_600 = arith.constant 0 : i32
          %get3A_601 = arith.constant 0 : i32
          %get3A_602 = arith.constant 0 : i32
          %get3A_603 = arith.constant 0 : i32
          %get3A_604 = tpu.memref_slice %run_scoped3A[%rem3A_224, %get3A_601, %get3A_602, %get3A_603] : memref<2x1x64x256xi32, #tpu.memory_space<vmem>> -> memref<1x1x64x256xi32, #tpu.memory_space<vmem>>
          %get3A_605 = tpu.memref_squeeze %get3A_604 : memref<1x1x64x256xi32, #tpu.memory_space<vmem>> -> memref<1x64x256xi32, #tpu.memory_space<vmem>>
          %get3A_606 = arith.index_cast %get3A_600 : i32 to index
          %get3A_607 = arith.index_cast %shift_right_arithmetic3A_595 : i32 to index
          %get3A_608 = arith.index_cast %mul3A_599 : i32 to index
          %get3A_609 = tpu.vector_load %get3A_605[%get3A_606, %get3A_607, %get3A_608] {strides = array<i32>} : memref<1x64x256xi32, #tpu.memory_space<vmem>>, vector<16xi32>,
          %scan3A_610 = arith.constant 1 : i32
          %scan3A_611 = arith.addi %scan3A_566, %scan3A_610 : i32
          %mul3A_612 = arith.constant 1 : i32
          %mul3A_613 = arith.muli %scan3A_611, %mul3A_612 : i32
          %add3A_614 = arith.constant 0 : i32
          %add3A_615 = arith.addi %add3A_614, %mul3A_613 : i32
          %shift_right_arithmetic3A_616 = arith.constant 4 : i32
          %shift_right_arithmetic3A_617 = arith.shrsi %add3A_615, %shift_right_arithmetic3A_616 : i32
          %and3A_618 = arith.constant 15 : i32
          %and3A_619 = arith.andi %add3A_615, %and3A_618 : i32
          %mul3A_620 = arith.constant 16 : i32
          %mul3A_621 = arith.muli %and3A_619, %mul3A_620 : i32
          %swap3A_622 = arith.constant 0 : i32
          %swap3A_623 = arith.constant 0 : i32
          %swap3A_624 = arith.constant 0 : i32
          %swap3A_625 = arith.constant 0 : i32
          %swap3A_626 = tpu.memref_slice %run_scoped3A_16[%rem3A_226, %swap3A_623, %swap3A_624, %swap3A_625] : memref<2x1x64x256xi32, #tpu.memory_space<vmem>> -> memref<1x1x64x256xi32, #tpu.memory_space<vmem>>
          %swap3A_627 = tpu.memref_squeeze %swap3A_626 : memref<1x1x64x256xi32, #tpu.memory_space<vmem>> -> memref<1x64x256xi32, #tpu.memory_space<vmem>>
          %swap3A_628 = arith.index_cast %swap3A_622 : i32 to index
          %swap3A_629 = arith.index_cast %shift_right_arithmetic3A_617 : i32 to index
          %swap3A_630 = arith.index_cast %mul3A_621 : i32 to index
          %swap3A_631 = tpu.vector_load %swap3A_627[%swap3A_628, %swap3A_629, %swap3A_630] {strides = array<i32>} : memref<1x64x256xi32, #tpu.memory_space<vmem>>, vector<16xi32>,
          tpu.vector_store %swap3A_627[%swap3A_628, %swap3A_629, %swap3A_630], %scan3A_568 {strides = array<i32>} : memref<1x64x256xi32, #tpu.memory_space<vmem>>, vector<16xi32>,
          %gather3A_632 = tpu.vector_load_idx %arg7[%scan3A_570] : memref<2048xi32, #tpu.memory_space<vmem>>[vector<16xi32>], vector<16xi32>,
          %add3A_633 = arith.constant 4 : i32
          %add3A_634 = arith.addi %add3A_615, %add3A_633 : i32
          %shift_right_arithmetic3A_635 = arith.constant 4 : i32
          %shift_right_arithmetic3A_636 = arith.shrsi %add3A_634, %shift_right_arithmetic3A_635 : i32
          %and3A_637 = arith.constant 15 : i32
          %and3A_638 = arith.andi %add3A_634, %and3A_637 : i32
          %mul3A_639 = arith.constant 16 : i32
          %mul3A_640 = arith.muli %and3A_638, %mul3A_639 : i32
          %get3A_641 = arith.constant 0 : i32
          %get3A_642 = arith.constant 0 : i32
          %get3A_643 = arith.constant 0 : i32
          %get3A_644 = arith.constant 0 : i32
          %get3A_645 = tpu.memref_slice %run_scoped3A[%rem3A_224, %get3A_642, %get3A_643, %get3A_644] : memref<2x1x64x256xi32, #tpu.memory_space<vmem>> -> memref<1x1x64x256xi32, #tpu.memory_space<vmem>>
          %get3A_646 = tpu.memref_squeeze %get3A_645 : memref<1x1x64x256xi32, #tpu.memory_space<vmem>> -> memref<1x64x256xi32, #tpu.memory_space<vmem>>
          %get3A_647 = arith.index_cast %get3A_641 : i32 to index
          %get3A_648 = arith.index_cast %shift_right_arithmetic3A_636 : i32 to index
          %get3A_649 = arith.index_cast %mul3A_640 : i32 to index
          %get3A_650 = tpu.vector_load %get3A_646[%get3A_647, %get3A_648, %get3A_649] {strides = array<i32>} : memref<1x64x256xi32, #tpu.memory_space<vmem>>, vector<16xi32>,
          %scan3A_651 = arith.constant 2 : i32
          %scan3A_652 = arith.addi %scan3A_566, %scan3A_651 : i32
          %mul3A_653 = arith.constant 1 : i32
          %mul3A_654 = arith.muli %scan3A_652, %mul3A_653 : i32
          %add3A_655 = arith.constant 0 : i32
          %add3A_656 = arith.addi %add3A_655, %mul3A_654 : i32
          %shift_right_arithmetic3A_657 = arith.constant 4 : i32
          %shift_right_arithmetic3A_658 = arith.shrsi %add3A_656, %shift_right_arithmetic3A_657 : i32
          %and3A_659 = arith.constant 15 : i32
          %and3A_660 = arith.andi %add3A_656, %and3A_659 : i32
          %mul3A_661 = arith.constant 16 : i32
          %mul3A_662 = arith.muli %and3A_660, %mul3A_661 : i32
          %swap3A_663 = arith.constant 0 : i32
          %swap3A_664 = arith.constant 0 : i32
          %swap3A_665 = arith.constant 0 : i32
          %swap3A_666 = arith.constant 0 : i32
          %swap3A_667 = tpu.memref_slice %run_scoped3A_16[%rem3A_226, %swap3A_664, %swap3A_665, %swap3A_666] : memref<2x1x64x256xi32, #tpu.memory_space<vmem>> -> memref<1x1x64x256xi32, #tpu.memory_space<vmem>>
          %swap3A_668 = tpu.memref_squeeze %swap3A_667 : memref<1x1x64x256xi32, #tpu.memory_space<vmem>> -> memref<1x64x256xi32, #tpu.memory_space<vmem>>
          %swap3A_669 = arith.index_cast %swap3A_663 : i32 to index
          %swap3A_670 = arith.index_cast %shift_right_arithmetic3A_658 : i32 to index
          %swap3A_671 = arith.index_cast %mul3A_662 : i32 to index
          %swap3A_672 = tpu.vector_load %swap3A_668[%swap3A_669, %swap3A_670, %swap3A_671] {strides = array<i32>} : memref<1x64x256xi32, #tpu.memory_space<vmem>>, vector<16xi32>,
          tpu.vector_store %swap3A_668[%swap3A_669, %swap3A_670, %swap3A_671], %gather3A_591 {strides = array<i32>} : memref<1x64x256xi32, #tpu.memory_space<vmem>>, vector<16xi32>,
          %gather3A_673 = tpu.vector_load_idx %arg7[%get3A_609] : memref<2048xi32, #tpu.memory_space<vmem>>[vector<16xi32>], vector<16xi32>,
          %add3A_674 = arith.constant 4 : i32
          %add3A_675 = arith.addi %add3A_656, %add3A_674 : i32
          %shift_right_arithmetic3A_676 = arith.constant 4 : i32
          %shift_right_arithmetic3A_677 = arith.shrsi %add3A_675, %shift_right_arithmetic3A_676 : i32
          %and3A_678 = arith.constant 15 : i32
          %and3A_679 = arith.andi %add3A_675, %and3A_678 : i32
          %mul3A_680 = arith.constant 16 : i32
          %mul3A_681 = arith.muli %and3A_679, %mul3A_680 : i32
          %get3A_682 = arith.constant 0 : i32
          %get3A_683 = arith.constant 0 : i32
          %get3A_684 = arith.constant 0 : i32
          %get3A_685 = arith.constant 0 : i32
          %get3A_686 = tpu.memref_slice %run_scoped3A[%rem3A_224, %get3A_683, %get3A_684, %get3A_685] : memref<2x1x64x256xi32, #tpu.memory_space<vmem>> -> memref<1x1x64x256xi32, #tpu.memory_space<vmem>>
          %get3A_687 = tpu.memref_squeeze %get3A_686 : memref<1x1x64x256xi32, #tpu.memory_space<vmem>> -> memref<1x64x256xi32, #tpu.memory_space<vmem>>
          %get3A_688 = arith.index_cast %get3A_682 : i32 to index
          %get3A_689 = arith.index_cast %shift_right_arithmetic3A_677 : i32 to index
          %get3A_690 = arith.index_cast %mul3A_681 : i32 to index
          %get3A_691 = tpu.vector_load %get3A_687[%get3A_688, %get3A_689, %get3A_690] {strides = array<i32>} : memref<1x64x256xi32, #tpu.memory_space<vmem>>, vector<16xi32>,
          %scan3A_692 = arith.constant 3 : i32
          %scan3A_693 = arith.addi %scan3A_566, %scan3A_692 : i32
          %mul3A_694 = arith.constant 1 : i32
          %mul3A_695 = arith.muli %scan3A_693, %mul3A_694 : i32
          %add3A_696 = arith.constant 0 : i32
          %add3A_697 = arith.addi %add3A_696, %mul3A_695 : i32
          %shift_right_arithmetic3A_698 = arith.constant 4 : i32
          %shift_right_arithmetic3A_699 = arith.shrsi %add3A_697, %shift_right_arithmetic3A_698 : i32
          %and3A_700 = arith.constant 15 : i32
          %and3A_701 = arith.andi %add3A_697, %and3A_700 : i32
          %mul3A_702 = arith.constant 16 : i32
          %mul3A_703 = arith.muli %and3A_701, %mul3A_702 : i32
          %swap3A_704 = arith.constant 0 : i32
          %swap3A_705 = arith.constant 0 : i32
          %swap3A_706 = arith.constant 0 : i32
          %swap3A_707 = arith.constant 0 : i32
          %swap3A_708 = tpu.memref_slice %run_scoped3A_16[%rem3A_226, %swap3A_705, %swap3A_706, %swap3A_707] : memref<2x1x64x256xi32, #tpu.memory_space<vmem>> -> memref<1x1x64x256xi32, #tpu.memory_space<vmem>>
          %swap3A_709 = tpu.memref_squeeze %swap3A_708 : memref<1x1x64x256xi32, #tpu.memory_space<vmem>> -> memref<1x64x256xi32, #tpu.memory_space<vmem>>
          %swap3A_710 = arith.index_cast %swap3A_704 : i32 to index
          %swap3A_711 = arith.index_cast %shift_right_arithmetic3A_699 : i32 to index
          %swap3A_712 = arith.index_cast %mul3A_703 : i32 to index
          %swap3A_713 = tpu.vector_load %swap3A_709[%swap3A_710, %swap3A_711, %swap3A_712] {strides = array<i32>} : memref<1x64x256xi32, #tpu.memory_space<vmem>>, vector<16xi32>,
          tpu.vector_store %swap3A_709[%swap3A_710, %swap3A_711, %swap3A_712], %gather3A_632 {strides = array<i32>} : memref<1x64x256xi32, #tpu.memory_space<vmem>>, vector<16xi32>,
          %gather3A_714 = tpu.vector_load_idx %arg7[%get3A_650] : memref<2048xi32, #tpu.memory_space<vmem>>[vector<16xi32>], vector<16xi32>,
          %add3A_715 = arith.constant 4 : i32
          %add3A_716 = arith.addi %add3A_697, %add3A_715 : i32
          %shift_right_arithmetic3A_717 = arith.constant 4 : i32
          %shift_right_arithmetic3A_718 = arith.shrsi %add3A_716, %shift_right_arithmetic3A_717 : i32
          %and3A_719 = arith.constant 15 : i32
          %and3A_720 = arith.andi %add3A_716, %and3A_719 : i32
          %mul3A_721 = arith.constant 16 : i32
          %mul3A_722 = arith.muli %and3A_720, %mul3A_721 : i32
          %get3A_723 = arith.constant 0 : i32
          %get3A_724 = arith.constant 0 : i32
          %get3A_725 = arith.constant 0 : i32
          %get3A_726 = arith.constant 0 : i32
          %get3A_727 = tpu.memref_slice %run_scoped3A[%rem3A_224, %get3A_724, %get3A_725, %get3A_726] : memref<2x1x64x256xi32, #tpu.memory_space<vmem>> -> memref<1x1x64x256xi32, #tpu.memory_space<vmem>>
          %get3A_728 = tpu.memref_squeeze %get3A_727 : memref<1x1x64x256xi32, #tpu.memory_space<vmem>> -> memref<1x64x256xi32, #tpu.memory_space<vmem>>
          %get3A_729 = arith.index_cast %get3A_723 : i32 to index
          %get3A_730 = arith.index_cast %shift_right_arithmetic3A_718 : i32 to index
          %get3A_731 = arith.index_cast %mul3A_722 : i32 to index
          %get3A_732 = tpu.vector_load %get3A_728[%get3A_729, %get3A_730, %get3A_731] {strides = array<i32>} : memref<1x64x256xi32, #tpu.memory_space<vmem>>, vector<16xi32>,
          %scan3A_733 = arith.constant 4 : i32
          %scan3A_734 = arith.addi %scan3A_566, %scan3A_733 : i32
          %mul3A_735 = arith.constant 1 : i32
          %mul3A_736 = arith.muli %scan3A_734, %mul3A_735 : i32
          %add3A_737 = arith.constant 0 : i32
          %add3A_738 = arith.addi %add3A_737, %mul3A_736 : i32
          %shift_right_arithmetic3A_739 = arith.constant 4 : i32
          %shift_right_arithmetic3A_740 = arith.shrsi %add3A_738, %shift_right_arithmetic3A_739 : i32
          %and3A_741 = arith.constant 15 : i32
          %and3A_742 = arith.andi %add3A_738, %and3A_741 : i32
          %mul3A_743 = arith.constant 16 : i32
          %mul3A_744 = arith.muli %and3A_742, %mul3A_743 : i32
          %swap3A_745 = arith.constant 0 : i32
          %swap3A_746 = arith.constant 0 : i32
          %swap3A_747 = arith.constant 0 : i32
          %swap3A_748 = arith.constant 0 : i32
          %swap3A_749 = tpu.memref_slice %run_scoped3A_16[%rem3A_226, %swap3A_746, %swap3A_747, %swap3A_748] : memref<2x1x64x256xi32, #tpu.memory_space<vmem>> -> memref<1x1x64x256xi32, #tpu.memory_space<vmem>>
          %swap3A_750 = tpu.memref_squeeze %swap3A_749 : memref<1x1x64x256xi32, #tpu.memory_space<vmem>> -> memref<1x64x256xi32, #tpu.memory_space<vmem>>
          %swap3A_751 = arith.index_cast %swap3A_745 : i32 to index
          %swap3A_752 = arith.index_cast %shift_right_arithmetic3A_740 : i32 to index
          %swap3A_753 = arith.index_cast %mul3A_744 : i32 to index
          %swap3A_754 = tpu.vector_load %swap3A_750[%swap3A_751, %swap3A_752, %swap3A_753] {strides = array<i32>} : memref<1x64x256xi32, #tpu.memory_space<vmem>>, vector<16xi32>,
          tpu.vector_store %swap3A_750[%swap3A_751, %swap3A_752, %swap3A_753], %gather3A_673 {strides = array<i32>} : memref<1x64x256xi32, #tpu.memory_space<vmem>>, vector<16xi32>,
          %gather3A_755 = tpu.vector_load_idx %arg7[%get3A_691] : memref<2048xi32, #tpu.memory_space<vmem>>[vector<16xi32>], vector<16xi32>,
          %add3A_756 = arith.constant 4 : i32
          %add3A_757 = arith.addi %add3A_738, %add3A_756 : i32
          %shift_right_arithmetic3A_758 = arith.constant 4 : i32
          %shift_right_arithmetic3A_759 = arith.shrsi %add3A_757, %shift_right_arithmetic3A_758 : i32
          %and3A_760 = arith.constant 15 : i32
          %and3A_761 = arith.andi %add3A_757, %and3A_760 : i32
          %mul3A_762 = arith.constant 16 : i32
          %mul3A_763 = arith.muli %and3A_761, %mul3A_762 : i32
          %get3A_764 = arith.constant 0 : i32
          %get3A_765 = arith.constant 0 : i32
          %get3A_766 = arith.constant 0 : i32
          %get3A_767 = arith.constant 0 : i32
          %get3A_768 = tpu.memref_slice %run_scoped3A[%rem3A_224, %get3A_765, %get3A_766, %get3A_767] : memref<2x1x64x256xi32, #tpu.memory_space<vmem>> -> memref<1x1x64x256xi32, #tpu.memory_space<vmem>>
          %get3A_769 = tpu.memref_squeeze %get3A_768 : memref<1x1x64x256xi32, #tpu.memory_space<vmem>> -> memref<1x64x256xi32, #tpu.memory_space<vmem>>
          %get3A_770 = arith.index_cast %get3A_764 : i32 to index
          %get3A_771 = arith.index_cast %shift_right_arithmetic3A_759 : i32 to index
          %get3A_772 = arith.index_cast %mul3A_763 : i32 to index
          %get3A_773 = tpu.vector_load %get3A_769[%get3A_770, %get3A_771, %get3A_772] {strides = array<i32>} : memref<1x64x256xi32, #tpu.memory_space<vmem>>, vector<16xi32>,
          %scan3A_774 = arith.constant 5 : i32
          %scan3A_775 = arith.addi %scan3A_566, %scan3A_774 : i32
          %mul3A_776 = arith.constant 1 : i32
          %mul3A_777 = arith.muli %scan3A_775, %mul3A_776 : i32
          %add3A_778 = arith.constant 0 : i32
          %add3A_779 = arith.addi %add3A_778, %mul3A_777 : i32
          %shift_right_arithmetic3A_780 = arith.constant 4 : i32
          %shift_right_arithmetic3A_781 = arith.shrsi %add3A_779, %shift_right_arithmetic3A_780 : i32
          %and3A_782 = arith.constant 15 : i32
          %and3A_783 = arith.andi %add3A_779, %and3A_782 : i32
          %mul3A_784 = arith.constant 16 : i32
          %mul3A_785 = arith.muli %and3A_783, %mul3A_784 : i32
          %swap3A_786 = arith.constant 0 : i32
          %swap3A_787 = arith.constant 0 : i32
          %swap3A_788 = arith.constant 0 : i32
          %swap3A_789 = arith.constant 0 : i32
          %swap3A_790 = tpu.memref_slice %run_scoped3A_16[%rem3A_226, %swap3A_787, %swap3A_788, %swap3A_789] : memref<2x1x64x256xi32, #tpu.memory_space<vmem>> -> memref<1x1x64x256xi32, #tpu.memory_space<vmem>>
          %swap3A_791 = tpu.memref_squeeze %swap3A_790 : memref<1x1x64x256xi32, #tpu.memory_space<vmem>> -> memref<1x64x256xi32, #tpu.memory_space<vmem>>
          %swap3A_792 = arith.index_cast %swap3A_786 : i32 to index
          %swap3A_793 = arith.index_cast %shift_right_arithmetic3A_781 : i32 to index
          %swap3A_794 = arith.index_cast %mul3A_785 : i32 to index
          %swap3A_795 = tpu.vector_load %swap3A_791[%swap3A_792, %swap3A_793, %swap3A_794] {strides = array<i32>} : memref<1x64x256xi32, #tpu.memory_space<vmem>>, vector<16xi32>,
          tpu.vector_store %swap3A_791[%swap3A_792, %swap3A_793, %swap3A_794], %gather3A_714 {strides = array<i32>} : memref<1x64x256xi32, #tpu.memory_space<vmem>>, vector<16xi32>,
          %gather3A_796 = tpu.vector_load_idx %arg7[%get3A_732] : memref<2048xi32, #tpu.memory_space<vmem>>[vector<16xi32>], vector<16xi32>,
          %add3A_797 = arith.constant 4 : i32
          %add3A_798 = arith.addi %add3A_779, %add3A_797 : i32
          %shift_right_arithmetic3A_799 = arith.constant 4 : i32
          %shift_right_arithmetic3A_800 = arith.shrsi %add3A_798, %shift_right_arithmetic3A_799 : i32
          %and3A_801 = arith.constant 15 : i32
          %and3A_802 = arith.andi %add3A_798, %and3A_801 : i32
          %mul3A_803 = arith.constant 16 : i32
          %mul3A_804 = arith.muli %and3A_802, %mul3A_803 : i32
          %get3A_805 = arith.constant 0 : i32
          %get3A_806 = arith.constant 0 : i32
          %get3A_807 = arith.constant 0 : i32
          %get3A_808 = arith.constant 0 : i32
          %get3A_809 = tpu.memref_slice %run_scoped3A[%rem3A_224, %get3A_806, %get3A_807, %get3A_808] : memref<2x1x64x256xi32, #tpu.memory_space<vmem>> -> memref<1x1x64x256xi32, #tpu.memory_space<vmem>>
          %get3A_810 = tpu.memref_squeeze %get3A_809 : memref<1x1x64x256xi32, #tpu.memory_space<vmem>> -> memref<1x64x256xi32, #tpu.memory_space<vmem>>
          %get3A_811 = arith.index_cast %get3A_805 : i32 to index
          %get3A_812 = arith.index_cast %shift_right_arithmetic3A_800 : i32 to index
          %get3A_813 = arith.index_cast %mul3A_804 : i32 to index
          %get3A_814 = tpu.vector_load %get3A_810[%get3A_811, %get3A_812, %get3A_813] {strides = array<i32>} : memref<1x64x256xi32, #tpu.memory_space<vmem>>, vector<16xi32>,
          %scan3A_815 = arith.constant 6 : i32
          %scan3A_816 = arith.addi %scan3A_566, %scan3A_815 : i32
          %mul3A_817 = arith.constant 1 : i32
          %mul3A_818 = arith.muli %scan3A_816, %mul3A_817 : i32
          %add3A_819 = arith.constant 0 : i32
          %add3A_820 = arith.addi %add3A_819, %mul3A_818 : i32
          %shift_right_arithmetic3A_821 = arith.constant 4 : i32
          %shift_right_arithmetic3A_822 = arith.shrsi %add3A_820, %shift_right_arithmetic3A_821 : i32
          %and3A_823 = arith.constant 15 : i32
          %and3A_824 = arith.andi %add3A_820, %and3A_823 : i32
          %mul3A_825 = arith.constant 16 : i32
          %mul3A_826 = arith.muli %and3A_824, %mul3A_825 : i32
          %swap3A_827 = arith.constant 0 : i32
          %swap3A_828 = arith.constant 0 : i32
          %swap3A_829 = arith.constant 0 : i32
          %swap3A_830 = arith.constant 0 : i32
          %swap3A_831 = tpu.memref_slice %run_scoped3A_16[%rem3A_226, %swap3A_828, %swap3A_829, %swap3A_830] : memref<2x1x64x256xi32, #tpu.memory_space<vmem>> -> memref<1x1x64x256xi32, #tpu.memory_space<vmem>>
          %swap3A_832 = tpu.memref_squeeze %swap3A_831 : memref<1x1x64x256xi32, #tpu.memory_space<vmem>> -> memref<1x64x256xi32, #tpu.memory_space<vmem>>
          %swap3A_833 = arith.index_cast %swap3A_827 : i32 to index
          %swap3A_834 = arith.index_cast %shift_right_arithmetic3A_822 : i32 to index
          %swap3A_835 = arith.index_cast %mul3A_826 : i32 to index
          %swap3A_836 = tpu.vector_load %swap3A_832[%swap3A_833, %swap3A_834, %swap3A_835] {strides = array<i32>} : memref<1x64x256xi32, #tpu.memory_space<vmem>>, vector<16xi32>,
          tpu.vector_store %swap3A_832[%swap3A_833, %swap3A_834, %swap3A_835], %gather3A_755 {strides = array<i32>} : memref<1x64x256xi32, #tpu.memory_space<vmem>>, vector<16xi32>,
          %gather3A_837 = tpu.vector_load_idx %arg7[%get3A_773] : memref<2048xi32, #tpu.memory_space<vmem>>[vector<16xi32>], vector<16xi32>,
          %add3A_838 = arith.constant 4 : i32
          %add3A_839 = arith.addi %add3A_820, %add3A_838 : i32
          %shift_right_arithmetic3A_840 = arith.constant 4 : i32
          %shift_right_arithmetic3A_841 = arith.shrsi %add3A_839, %shift_right_arithmetic3A_840 : i32
          %and3A_842 = arith.constant 15 : i32
          %and3A_843 = arith.andi %add3A_839, %and3A_842 : i32
          %mul3A_844 = arith.constant 16 : i32
          %mul3A_845 = arith.muli %and3A_843, %mul3A_844 : i32
          %get3A_846 = arith.constant 0 : i32
          %get3A_847 = arith.constant 0 : i32
          %get3A_848 = arith.constant 0 : i32
          %get3A_849 = arith.constant 0 : i32
          %get3A_850 = tpu.memref_slice %run_scoped3A[%rem3A_224, %get3A_847, %get3A_848, %get3A_849] : memref<2x1x64x256xi32, #tpu.memory_space<vmem>> -> memref<1x1x64x256xi32, #tpu.memory_space<vmem>>
          %get3A_851 = tpu.memref_squeeze %get3A_850 : memref<1x1x64x256xi32, #tpu.memory_space<vmem>> -> memref<1x64x256xi32, #tpu.memory_space<vmem>>
          %get3A_852 = arith.index_cast %get3A_846 : i32 to index
          %get3A_853 = arith.index_cast %shift_right_arithmetic3A_841 : i32 to index
          %get3A_854 = arith.index_cast %mul3A_845 : i32 to index
          %get3A_855 = tpu.vector_load %get3A_851[%get3A_852, %get3A_853, %get3A_854] {strides = array<i32>} : memref<1x64x256xi32, #tpu.memory_space<vmem>>, vector<16xi32>,
          %scan3A_856 = arith.constant 7 : i32
          %scan3A_857 = arith.addi %scan3A_566, %scan3A_856 : i32
          %mul3A_858 = arith.constant 1 : i32
          %mul3A_859 = arith.muli %scan3A_857, %mul3A_858 : i32
          %add3A_860 = arith.constant 0 : i32
          %add3A_861 = arith.addi %add3A_860, %mul3A_859 : i32
          %shift_right_arithmetic3A_862 = arith.constant 4 : i32
          %shift_right_arithmetic3A_863 = arith.shrsi %add3A_861, %shift_right_arithmetic3A_862 : i32
          %and3A_864 = arith.constant 15 : i32
          %and3A_865 = arith.andi %add3A_861, %and3A_864 : i32
          %mul3A_866 = arith.constant 16 : i32
          %mul3A_867 = arith.muli %and3A_865, %mul3A_866 : i32
          %swap3A_868 = arith.constant 0 : i32
          %swap3A_869 = arith.constant 0 : i32
          %swap3A_870 = arith.constant 0 : i32
          %swap3A_871 = arith.constant 0 : i32
          %swap3A_872 = tpu.memref_slice %run_scoped3A_16[%rem3A_226, %swap3A_869, %swap3A_870, %swap3A_871] : memref<2x1x64x256xi32, #tpu.memory_space<vmem>> -> memref<1x1x64x256xi32, #tpu.memory_space<vmem>>
          %swap3A_873 = tpu.memref_squeeze %swap3A_872 : memref<1x1x64x256xi32, #tpu.memory_space<vmem>> -> memref<1x64x256xi32, #tpu.memory_space<vmem>>
          %swap3A_874 = arith.index_cast %swap3A_868 : i32 to index
          %swap3A_875 = arith.index_cast %shift_right_arithmetic3A_863 : i32 to index
          %swap3A_876 = arith.index_cast %mul3A_867 : i32 to index
          %swap3A_877 = tpu.vector_load %swap3A_873[%swap3A_874, %swap3A_875, %swap3A_876] {strides = array<i32>} : memref<1x64x256xi32, #tpu.memory_space<vmem>>, vector<16xi32>,
          tpu.vector_store %swap3A_873[%swap3A_874, %swap3A_875, %swap3A_876], %gather3A_796 {strides = array<i32>} : memref<1x64x256xi32, #tpu.memory_space<vmem>>, vector<16xi32>,
          %gather3A_878 = tpu.vector_load_idx %arg7[%get3A_814] : memref<2048xi32, #tpu.memory_space<vmem>>[vector<16xi32>], vector<16xi32>,
          %add3A_879 = arith.constant 4 : i32
          %add3A_880 = arith.addi %add3A_861, %add3A_879 : i32
          %shift_right_arithmetic3A_881 = arith.constant 4 : i32
          %shift_right_arithmetic3A_882 = arith.shrsi %add3A_880, %shift_right_arithmetic3A_881 : i32
          %and3A_883 = arith.constant 15 : i32
          %and3A_884 = arith.andi %add3A_880, %and3A_883 : i32
          %mul3A_885 = arith.constant 16 : i32
          %mul3A_886 = arith.muli %and3A_884, %mul3A_885 : i32
          %get3A_887 = arith.constant 0 : i32
          %get3A_888 = arith.constant 0 : i32
          %get3A_889 = arith.constant 0 : i32
          %get3A_890 = arith.constant 0 : i32
          %get3A_891 = tpu.memref_slice %run_scoped3A[%rem3A_224, %get3A_888, %get3A_889, %get3A_890] : memref<2x1x64x256xi32, #tpu.memory_space<vmem>> -> memref<1x1x64x256xi32, #tpu.memory_space<vmem>>
          %get3A_892 = tpu.memref_squeeze %get3A_891 : memref<1x1x64x256xi32, #tpu.memory_space<vmem>> -> memref<1x64x256xi32, #tpu.memory_space<vmem>>
          %get3A_893 = arith.index_cast %get3A_887 : i32 to index
          %get3A_894 = arith.index_cast %shift_right_arithmetic3A_882 : i32 to index
          %get3A_895 = arith.index_cast %mul3A_886 : i32 to index
          %get3A_896 = tpu.vector_load %get3A_892[%get3A_893, %get3A_894, %get3A_895] {strides = array<i32>} : memref<1x64x256xi32, #tpu.memory_space<vmem>>, vector<16xi32>,
          scf.yield %gather3A_837, %gather3A_878, %get3A_855, %get3A_896 : vector<16xi32>, vector<16xi32>, vector<16xi32>, vector<16xi32>
        }
        %scan3A_276 = arith.constant 1016 : i32
        %scan3A_277 = arith.addi %scan3A_271, %scan3A_276 : i32
        %mul3A_278 = arith.constant 1 : i32
        %mul3A_279 = arith.muli %scan3A_277, %mul3A_278 : i32
        %add3A_280 = arith.constant 0 : i32
        %add3A_281 = arith.addi %add3A_280, %mul3A_279 : i32
        %shift_right_arithmetic3A = arith.constant 4 : i32
        %shift_right_arithmetic3A_282 = arith.shrsi %add3A_281, %shift_right_arithmetic3A : i32
        %and3A_283 = arith.constant 15 : i32
        %and3A_284 = arith.andi %add3A_281, %and3A_283 : i32
        %mul3A_285 = arith.constant 16 : i32
        %mul3A_286 = arith.muli %and3A_284, %mul3A_285 : i32
        %swap3A = arith.constant 0 : i32
        %swap3A_287 = arith.constant 0 : i32
        %swap3A_288 = arith.constant 0 : i32
        %swap3A_289 = arith.constant 0 : i32
        %swap3A_290 = tpu.memref_slice %run_scoped3A_16[%rem3A_226, %swap3A_287, %swap3A_288, %swap3A_289] : memref<2x1x64x256xi32, #tpu.memory_space<vmem>> -> memref<1x1x64x256xi32, #tpu.memory_space<vmem>>
        %swap3A_291 = tpu.memref_squeeze %swap3A_290 : memref<1x1x64x256xi32, #tpu.memory_space<vmem>> -> memref<1x64x256xi32, #tpu.memory_space<vmem>>
        %swap3A_292 = arith.index_cast %swap3A : i32 to index
        %swap3A_293 = arith.index_cast %shift_right_arithmetic3A_282 : i32 to index
        %swap3A_294 = arith.index_cast %mul3A_286 : i32 to index
        %swap3A_295 = tpu.vector_load %swap3A_291[%swap3A_292, %swap3A_293, %swap3A_294] {strides = array<i32>} : memref<1x64x256xi32, #tpu.memory_space<vmem>>, vector<16xi32>,
        tpu.vector_store %swap3A_291[%swap3A_292, %swap3A_293, %swap3A_294], %scan3A_275#0 {strides = array<i32>} : memref<1x64x256xi32, #tpu.memory_space<vmem>>, vector<16xi32>,
        %gather3A_296 = tpu.vector_load_idx %arg7[%scan3A_275#2] : memref<2048xi32, #tpu.memory_space<vmem>>[vector<16xi32>], vector<16xi32>,
        %add3A_297 = arith.constant 4 : i32
        %add3A_298 = arith.addi %add3A_281, %add3A_297 : i32
        %shift_right_arithmetic3A_299 = arith.constant 4 : i32
        %shift_right_arithmetic3A_300 = arith.shrsi %add3A_298, %shift_right_arithmetic3A_299 : i32
        %and3A_301 = arith.constant 15 : i32
        %and3A_302 = arith.andi %add3A_298, %and3A_301 : i32
        %mul3A_303 = arith.constant 16 : i32
        %mul3A_304 = arith.muli %and3A_302, %mul3A_303 : i32
        %get3A_305 = arith.constant 0 : i32
        %get3A_306 = arith.constant 0 : i32
        %get3A_307 = arith.constant 0 : i32
        %get3A_308 = arith.constant 0 : i32
        %get3A_309 = tpu.memref_slice %run_scoped3A[%rem3A_224, %get3A_306, %get3A_307, %get3A_308] : memref<2x1x64x256xi32, #tpu.memory_space<vmem>> -> memref<1x1x64x256xi32, #tpu.memory_space<vmem>>
        %get3A_310 = tpu.memref_squeeze %get3A_309 : memref<1x1x64x256xi32, #tpu.memory_space<vmem>> -> memref<1x64x256xi32, #tpu.memory_space<vmem>>
        %get3A_311 = arith.index_cast %get3A_305 : i32 to index
        %get3A_312 = arith.index_cast %shift_right_arithmetic3A_300 : i32 to index
        %get3A_313 = arith.index_cast %mul3A_304 : i32 to index
        %get3A_314 = tpu.vector_load %get3A_310[%get3A_311, %get3A_312, %get3A_313] {strides = array<i32>} : memref<1x64x256xi32, #tpu.memory_space<vmem>>, vector<16xi32>,
        %scan3A_315 = arith.constant 1017 : i32
        %scan3A_316 = arith.addi %scan3A_271, %scan3A_315 : i32
        %mul3A_317 = arith.constant 1 : i32
        %mul3A_318 = arith.muli %scan3A_316, %mul3A_317 : i32
        %add3A_319 = arith.constant 0 : i32
        %add3A_320 = arith.addi %add3A_319, %mul3A_318 : i32
        %shift_right_arithmetic3A_321 = arith.constant 4 : i32
        %shift_right_arithmetic3A_322 = arith.shrsi %add3A_320, %shift_right_arithmetic3A_321 : i32
        %and3A_323 = arith.constant 15 : i32
        %and3A_324 = arith.andi %add3A_320, %and3A_323 : i32
        %mul3A_325 = arith.constant 16 : i32
        %mul3A_326 = arith.muli %and3A_324, %mul3A_325 : i32
        %swap3A_327 = arith.constant 0 : i32
        %swap3A_328 = arith.constant 0 : i32
        %swap3A_329 = arith.constant 0 : i32
        %swap3A_330 = arith.constant 0 : i32
        %swap3A_331 = tpu.memref_slice %run_scoped3A_16[%rem3A_226, %swap3A_328, %swap3A_329, %swap3A_330] : memref<2x1x64x256xi32, #tpu.memory_space<vmem>> -> memref<1x1x64x256xi32, #tpu.memory_space<vmem>>
        %swap3A_332 = tpu.memref_squeeze %swap3A_331 : memref<1x1x64x256xi32, #tpu.memory_space<vmem>> -> memref<1x64x256xi32, #tpu.memory_space<vmem>>
        %swap3A_333 = arith.index_cast %swap3A_327 : i32 to index
        %swap3A_334 = arith.index_cast %shift_right_arithmetic3A_322 : i32 to index
        %swap3A_335 = arith.index_cast %mul3A_326 : i32 to index
        %swap3A_336 = tpu.vector_load %swap3A_332[%swap3A_333, %swap3A_334, %swap3A_335] {strides = array<i32>} : memref<1x64x256xi32, #tpu.memory_space<vmem>>, vector<16xi32>,
        tpu.vector_store %swap3A_332[%swap3A_333, %swap3A_334, %swap3A_335], %scan3A_275#1 {strides = array<i32>} : memref<1x64x256xi32, #tpu.memory_space<vmem>>, vector<16xi32>,
        %gather3A_337 = tpu.vector_load_idx %arg7[%scan3A_275#3] : memref<2048xi32, #tpu.memory_space<vmem>>[vector<16xi32>], vector<16xi32>,
        %add3A_338 = arith.constant 4 : i32
        %add3A_339 = arith.addi %add3A_320, %add3A_338 : i32
        %shift_right_arithmetic3A_340 = arith.constant 4 : i32
        %shift_right_arithmetic3A_341 = arith.shrsi %add3A_339, %shift_right_arithmetic3A_340 : i32
        %and3A_342 = arith.constant 15 : i32
        %and3A_343 = arith.andi %add3A_339, %and3A_342 : i32
        %mul3A_344 = arith.constant 16 : i32
        %mul3A_345 = arith.muli %and3A_343, %mul3A_344 : i32
        %get3A_346 = arith.constant 0 : i32
        %get3A_347 = arith.constant 0 : i32
        %get3A_348 = arith.constant 0 : i32
        %get3A_349 = arith.constant 0 : i32
        %get3A_350 = tpu.memref_slice %run_scoped3A[%rem3A_224, %get3A_347, %get3A_348, %get3A_349] : memref<2x1x64x256xi32, #tpu.memory_space<vmem>> -> memref<1x1x64x256xi32, #tpu.memory_space<vmem>>
        %get3A_351 = tpu.memref_squeeze %get3A_350 : memref<1x1x64x256xi32, #tpu.memory_space<vmem>> -> memref<1x64x256xi32, #tpu.memory_space<vmem>>
        %get3A_352 = arith.index_cast %get3A_346 : i32 to index
        %get3A_353 = arith.index_cast %shift_right_arithmetic3A_341 : i32 to index
        %get3A_354 = arith.index_cast %mul3A_345 : i32 to index
        %get3A_355 = tpu.vector_load %get3A_351[%get3A_352, %get3A_353, %get3A_354] {strides = array<i32>} : memref<1x64x256xi32, #tpu.memory_space<vmem>>, vector<16xi32>,
        %scan3A_356 = arith.constant 1018 : i32
        %scan3A_357 = arith.addi %scan3A_271, %scan3A_356 : i32
        %mul3A_358 = arith.constant 1 : i32
        %mul3A_359 = arith.muli %scan3A_357, %mul3A_358 : i32
        %add3A_360 = arith.constant 0 : i32
        %add3A_361 = arith.addi %add3A_360, %mul3A_359 : i32
        %shift_right_arithmetic3A_362 = arith.constant 4 : i32
        %shift_right_arithmetic3A_363 = arith.shrsi %add3A_361, %shift_right_arithmetic3A_362 : i32
        %and3A_364 = arith.constant 15 : i32
        %and3A_365 = arith.andi %add3A_361, %and3A_364 : i32
        %mul3A_366 = arith.constant 16 : i32
        %mul3A_367 = arith.muli %and3A_365, %mul3A_366 : i32
        %swap3A_368 = arith.constant 0 : i32
        %swap3A_369 = arith.constant 0 : i32
        %swap3A_370 = arith.constant 0 : i32
        %swap3A_371 = arith.constant 0 : i32
        %swap3A_372 = tpu.memref_slice %run_scoped3A_16[%rem3A_226, %swap3A_369, %swap3A_370, %swap3A_371] : memref<2x1x64x256xi32, #tpu.memory_space<vmem>> -> memref<1x1x64x256xi32, #tpu.memory_space<vmem>>
        %swap3A_373 = tpu.memref_squeeze %swap3A_372 : memref<1x1x64x256xi32, #tpu.memory_space<vmem>> -> memref<1x64x256xi32, #tpu.memory_space<vmem>>
        %swap3A_374 = arith.index_cast %swap3A_368 : i32 to index
        %swap3A_375 = arith.index_cast %shift_right_arithmetic3A_363 : i32 to index
        %swap3A_376 = arith.index_cast %mul3A_367 : i32 to index
        %swap3A_377 = tpu.vector_load %swap3A_373[%swap3A_374, %swap3A_375, %swap3A_376] {strides = array<i32>} : memref<1x64x256xi32, #tpu.memory_space<vmem>>, vector<16xi32>,
        tpu.vector_store %swap3A_373[%swap3A_374, %swap3A_375, %swap3A_376], %gather3A_296 {strides = array<i32>} : memref<1x64x256xi32, #tpu.memory_space<vmem>>, vector<16xi32>,
        %gather3A_378 = tpu.vector_load_idx %arg7[%get3A_314] : memref<2048xi32, #tpu.memory_space<vmem>>[vector<16xi32>], vector<16xi32>,
        %add3A_379 = arith.constant 4 : i32
        %add3A_380 = arith.addi %add3A_361, %add3A_379 : i32
        %shift_right_arithmetic3A_381 = arith.constant 4 : i32
        %shift_right_arithmetic3A_382 = arith.shrsi %add3A_380, %shift_right_arithmetic3A_381 : i32
        %and3A_383 = arith.constant 15 : i32
        %and3A_384 = arith.andi %add3A_380, %and3A_383 : i32
        %mul3A_385 = arith.constant 16 : i32
        %mul3A_386 = arith.muli %and3A_384, %mul3A_385 : i32
        %get3A_387 = arith.constant 0 : i32
        %get3A_388 = arith.constant 0 : i32
        %get3A_389 = arith.constant 0 : i32
        %get3A_390 = arith.constant 0 : i32
        %get3A_391 = tpu.memref_slice %run_scoped3A[%rem3A_224, %get3A_388, %get3A_389, %get3A_390] : memref<2x1x64x256xi32, #tpu.memory_space<vmem>> -> memref<1x1x64x256xi32, #tpu.memory_space<vmem>>
        %get3A_392 = tpu.memref_squeeze %get3A_391 : memref<1x1x64x256xi32, #tpu.memory_space<vmem>> -> memref<1x64x256xi32, #tpu.memory_space<vmem>>
        %get3A_393 = arith.index_cast %get3A_387 : i32 to index
        %get3A_394 = arith.index_cast %shift_right_arithmetic3A_382 : i32 to index
        %get3A_395 = arith.index_cast %mul3A_386 : i32 to index
        %get3A_396 = tpu.vector_load %get3A_392[%get3A_393, %get3A_394, %get3A_395] {strides = array<i32>} : memref<1x64x256xi32, #tpu.memory_space<vmem>>, vector<16xi32>,
        %scan3A_397 = arith.constant 1019 : i32
        %scan3A_398 = arith.addi %scan3A_271, %scan3A_397 : i32
        %mul3A_399 = arith.constant 1 : i32
        %mul3A_400 = arith.muli %scan3A_398, %mul3A_399 : i32
        %add3A_401 = arith.constant 0 : i32
        %add3A_402 = arith.addi %add3A_401, %mul3A_400 : i32
        %shift_right_arithmetic3A_403 = arith.constant 4 : i32
        %shift_right_arithmetic3A_404 = arith.shrsi %add3A_402, %shift_right_arithmetic3A_403 : i32
        %and3A_405 = arith.constant 15 : i32
        %and3A_406 = arith.andi %add3A_402, %and3A_405 : i32
        %mul3A_407 = arith.constant 16 : i32
        %mul3A_408 = arith.muli %and3A_406, %mul3A_407 : i32
        %swap3A_409 = arith.constant 0 : i32
        %swap3A_410 = arith.constant 0 : i32
        %swap3A_411 = arith.constant 0 : i32
        %swap3A_412 = arith.constant 0 : i32
        %swap3A_413 = tpu.memref_slice %run_scoped3A_16[%rem3A_226, %swap3A_410, %swap3A_411, %swap3A_412] : memref<2x1x64x256xi32, #tpu.memory_space<vmem>> -> memref<1x1x64x256xi32, #tpu.memory_space<vmem>>
        %swap3A_414 = tpu.memref_squeeze %swap3A_413 : memref<1x1x64x256xi32, #tpu.memory_space<vmem>> -> memref<1x64x256xi32, #tpu.memory_space<vmem>>
        %swap3A_415 = arith.index_cast %swap3A_409 : i32 to index
        %swap3A_416 = arith.index_cast %shift_right_arithmetic3A_404 : i32 to index
        %swap3A_417 = arith.index_cast %mul3A_408 : i32 to index
        %swap3A_418 = tpu.vector_load %swap3A_414[%swap3A_415, %swap3A_416, %swap3A_417] {strides = array<i32>} : memref<1x64x256xi32, #tpu.memory_space<vmem>>, vector<16xi32>,
        tpu.vector_store %swap3A_414[%swap3A_415, %swap3A_416, %swap3A_417], %gather3A_337 {strides = array<i32>} : memref<1x64x256xi32, #tpu.memory_space<vmem>>, vector<16xi32>,
        %gather3A_419 = tpu.vector_load_idx %arg7[%get3A_355] : memref<2048xi32, #tpu.memory_space<vmem>>[vector<16xi32>], vector<16xi32>,
        %add3A_420 = arith.constant 4 : i32
        %add3A_421 = arith.addi %add3A_402, %add3A_420 : i32
        %shift_right_arithmetic3A_422 = arith.constant 4 : i32
        %shift_right_arithmetic3A_423 = arith.shrsi %add3A_421, %shift_right_arithmetic3A_422 : i32
        %and3A_424 = arith.constant 15 : i32
        %and3A_425 = arith.andi %add3A_421, %and3A_424 : i32
        %mul3A_426 = arith.constant 16 : i32
        %mul3A_427 = arith.muli %and3A_425, %mul3A_426 : i32
        %get3A_428 = arith.constant 0 : i32
        %get3A_429 = arith.constant 0 : i32
        %get3A_430 = arith.constant 0 : i32
        %get3A_431 = arith.constant 0 : i32
        %get3A_432 = tpu.memref_slice %run_scoped3A[%rem3A_224, %get3A_429, %get3A_430, %get3A_431] : memref<2x1x64x256xi32, #tpu.memory_space<vmem>> -> memref<1x1x64x256xi32, #tpu.memory_space<vmem>>
        %get3A_433 = tpu.memref_squeeze %get3A_432 : memref<1x1x64x256xi32, #tpu.memory_space<vmem>> -> memref<1x64x256xi32, #tpu.memory_space<vmem>>
        %get3A_434 = arith.index_cast %get3A_428 : i32 to index
        %get3A_435 = arith.index_cast %shift_right_arithmetic3A_423 : i32 to index
        %get3A_436 = arith.index_cast %mul3A_427 : i32 to index
        %get3A_437 = tpu.vector_load %get3A_433[%get3A_434, %get3A_435, %get3A_436] {strides = array<i32>} : memref<1x64x256xi32, #tpu.memory_space<vmem>>, vector<16xi32>,
        %scan3A_438 = arith.constant 1020 : i32
        %swap3A_439 = arith.constant 0 : i32
        %swap3A_440 = arith.constant 63 : i32
        %swap3A_441 = arith.constant 0 : i32
        %swap3A_442 = arith.constant 0 : i32
        %swap3A_443 = arith.constant 0 : i32
        %swap3A_444 = tpu.memref_slice %run_scoped3A_16[%rem3A_226, %swap3A_441, %swap3A_442, %swap3A_443] : memref<2x1x64x256xi32, #tpu.memory_space<vmem>> -> memref<1x1x64x256xi32, #tpu.memory_space<vmem>>
        %swap3A_445 = tpu.memref_squeeze %swap3A_444 : memref<1x1x64x256xi32, #tpu.memory_space<vmem>> -> memref<1x64x256xi32, #tpu.memory_space<vmem>>
        %swap3A_446 = arith.index_cast %swap3A_439 : i32 to index
        %swap3A_447 = arith.index_cast %swap3A_440 : i32 to index
        %swap3A_448 = arith.constant 192 : index
        %swap3A_449 = tpu.vector_load %swap3A_445[%swap3A_446, %swap3A_447, %swap3A_448] {strides = array<i32>} : memref<1x64x256xi32, #tpu.memory_space<vmem>>, vector<16xi32>,
        tpu.vector_store %swap3A_445[%swap3A_446, %swap3A_447, %swap3A_448], %gather3A_378 {strides = array<i32>} : memref<1x64x256xi32, #tpu.memory_space<vmem>>, vector<16xi32>,
        %swap3A_450 = arith.constant 0 : i32
        %swap3A_451 = arith.constant 63 : i32
        %swap3A_452 = arith.constant 0 : i32
        %swap3A_453 = arith.constant 0 : i32
        %swap3A_454 = arith.constant 0 : i32
        %swap3A_455 = tpu.memref_slice %run_scoped3A_16[%rem3A_226, %swap3A_452, %swap3A_453, %swap3A_454] : memref<2x1x64x256xi32, #tpu.memory_space<vmem>> -> memref<1x1x64x256xi32, #tpu.memory_space<vmem>>
        %swap3A_456 = tpu.memref_squeeze %swap3A_455 : memref<1x1x64x256xi32, #tpu.memory_space<vmem>> -> memref<1x64x256xi32, #tpu.memory_space<vmem>>
        %swap3A_457 = arith.index_cast %swap3A_450 : i32 to index
        %swap3A_458 = arith.index_cast %swap3A_451 : i32 to index
        %swap3A_459 = arith.constant 208 : index
        %swap3A_460 = tpu.vector_load %swap3A_456[%swap3A_457, %swap3A_458, %swap3A_459] {strides = array<i32>} : memref<1x64x256xi32, #tpu.memory_space<vmem>>, vector<16xi32>,
        tpu.vector_store %swap3A_456[%swap3A_457, %swap3A_458, %swap3A_459], %gather3A_419 {strides = array<i32>} : memref<1x64x256xi32, #tpu.memory_space<vmem>>, vector<16xi32>,
        %gather3A_461 = tpu.vector_load_idx %arg7[%get3A_396] : memref<2048xi32, #tpu.memory_space<vmem>>[vector<16xi32>], vector<16xi32>,
        %swap3A_462 = arith.constant 0 : i32
        %swap3A_463 = arith.constant 63 : i32
        %swap3A_464 = arith.constant 0 : i32
        %swap3A_465 = arith.constant 0 : i32
        %swap3A_466 = arith.constant 0 : i32
        %swap3A_467 = tpu.memref_slice %run_scoped3A_16[%rem3A_226, %swap3A_464, %swap3A_465, %swap3A_466] : memref<2x1x64x256xi32, #tpu.memory_space<vmem>> -> memref<1x1x64x256xi32, #tpu.memory_space<vmem>>
        %swap3A_468 = tpu.memref_squeeze %swap3A_467 : memref<1x1x64x256xi32, #tpu.memory_space<vmem>> -> memref<1x64x256xi32, #tpu.memory_space<vmem>>
        %swap3A_469 = arith.index_cast %swap3A_462 : i32 to index
        %swap3A_470 = arith.index_cast %swap3A_463 : i32 to index
        %swap3A_471 = arith.constant 224 : index
        %swap3A_472 = tpu.vector_load %swap3A_468[%swap3A_469, %swap3A_470, %swap3A_471] {strides = array<i32>} : memref<1x64x256xi32, #tpu.memory_space<vmem>>, vector<16xi32>,
        tpu.vector_store %swap3A_468[%swap3A_469, %swap3A_470, %swap3A_471], %gather3A_461 {strides = array<i32>} : memref<1x64x256xi32, #tpu.memory_space<vmem>>, vector<16xi32>,
        %gather3A_473 = tpu.vector_load_idx %arg7[%get3A_437] : memref<2048xi32, #tpu.memory_space<vmem>>[vector<16xi32>], vector<16xi32>,
        %swap3A_474 = arith.constant 0 : i32
        %swap3A_475 = arith.constant 63 : i32
        %swap3A_476 = arith.constant 0 : i32
        %swap3A_477 = arith.constant 0 : i32
        %swap3A_478 = arith.constant 0 : i32
        %swap3A_479 = tpu.memref_slice %run_scoped3A_16[%rem3A_226, %swap3A_476, %swap3A_477, %swap3A_478] : memref<2x1x64x256xi32, #tpu.memory_space<vmem>> -> memref<1x1x64x256xi32, #tpu.memory_space<vmem>>
        %swap3A_480 = tpu.memref_squeeze %swap3A_479 : memref<1x1x64x256xi32, #tpu.memory_space<vmem>> -> memref<1x64x256xi32, #tpu.memory_space<vmem>>
        %swap3A_481 = arith.index_cast %swap3A_474 : i32 to index
        %swap3A_482 = arith.index_cast %swap3A_475 : i32 to index
        %swap3A_483 = arith.constant 240 : index
        %swap3A_484 = tpu.vector_load %swap3A_480[%swap3A_481, %swap3A_482, %swap3A_483] {strides = array<i32>} : memref<1x64x256xi32, #tpu.memory_space<vmem>>, vector<16xi32>,
        tpu.vector_store %swap3A_480[%swap3A_481, %swap3A_482, %swap3A_483], %gather3A_473 {strides = array<i32>} : memref<1x64x256xi32, #tpu.memory_space<vmem>>, vector<16xi32>,
        "tpu.trace_stop"() : () -> ()
        %ne3A_485 = arith.cmpi ne, %add3A_148, %add3A_166 : i32
        %or3A_486 = arith.constant false
        %or3A_487 = arith.ori %or3A_486, %ne3A_485 : i1
        %or3A_488 = arith.constant false
        %or3A_489 = arith.ori %or3A_487, %or3A_488 : i1
        %or3A_490 = arith.constant false
        %or3A_491 = arith.ori %or3A_489, %or3A_490 : i1
        %or3A_492 = arith.ori %or3A_491, %eq3A_147 : i1
        %convert_element_type3A_493 = arith.extui %or3A_492 : i1 to i32
        %cond3A_494 = arith.constant 0 : i32
        %cond3A_495 = arith.cmpi ne, %convert_element_type3A_493, %cond3A_494 : i32
        scf.if %cond3A_495 {
        } else {
        }
        %and3A_496 = arith.constant false
        %and3A_497 = arith.andi %or3A_492, %and3A_496 : i1
        %ne3A_498 = arith.cmpi ne, %add3A_148, %add3A_166 : i32
        %or3A_499 = arith.constant false
        %or3A_500 = arith.ori %or3A_499, %ne3A_498 : i1
        %or3A_501 = arith.constant false
        %or3A_502 = arith.ori %or3A_500, %or3A_501 : i1
        %or3A_503 = arith.constant false
        %or3A_504 = arith.ori %or3A_502, %or3A_503 : i1
        %or3A_505 = arith.ori %or3A_504, %eq3A_147 : i1
        %convert_element_type3A_506 = arith.extui %or3A_505 : i1 to i32
        %cond3A_507 = arith.constant 0 : i32
        %cond3A_508 = arith.cmpi ne, %convert_element_type3A_506, %cond3A_507 : i32
        scf.if %cond3A_508 {
          "tpu.trace_start"() <{level = 10 : i32, message = "ep_copy_out"}> : () -> ()
          %rem3A_566 = arith.constant 2 : i32
          %rem3A_567 = arith.remui %scan3A_141, %rem3A_566 : i32
          %mul3A_568 = arith.constant 1 : i32
          %mul3A_569 = arith.muli %mul3A_568, %add3A_148 : i32
          %dma_start3A_570 = arith.constant 0 : i32
          %dma_start3A_571 = arith.constant 0 : i32
          %dma_start3A_572 = arith.constant 0 : i32
          %dma_start3A_573 = tpu.memref_slice %run_scoped3A_16[%rem3A_567, %dma_start3A_570, %dma_start3A_571, %dma_start3A_572] : memref<2x1x64x256xi32, #tpu.memory_space<vmem>> -> memref<1x1x64x256xi32, #tpu.memory_space<vmem>>
          %dma_start3A_574 = tpu.memref_squeeze %dma_start3A_573 : memref<1x1x64x256xi32, #tpu.memory_space<vmem>> -> memref<1x64x256xi32, #tpu.memory_space<vmem>>
          %dma_start3A_575 = arith.constant 0 : i32
          %dma_start3A_576 = arith.constant 0 : i32
          %dma_start3A_577 = tpu.memref_slice %arg4[%mul3A_569, %dma_start3A_575, %dma_start3A_576] : memref<256x64x256xi32, #tpu.memory_space<hbm>> -> memref<1x64x256xi32, #tpu.memory_space<hbm>>
          %dma_start3A_578 = tpu.memref_slice %run_scoped3A_17[%rem3A_567] : memref<2x!tpu.dma_semaphore, #tpu.memory_space<semaphore_mem>> -> memref<1x!tpu.dma_semaphore, #tpu.memory_space<semaphore_mem>>
          %dma_start3A_579 = tpu.memref_squeeze %dma_start3A_578 : memref<1x!tpu.dma_semaphore, #tpu.memory_space<semaphore_mem>> -> memref<!tpu.dma_semaphore, #tpu.memory_space<semaphore_mem>>
          %dma_start3A_580 = arith.constant 0 : i32
          %dma_start3A_581 = arith.constant 0 : i32
          %dma_start3A_582 = tpu.memref_slice %arg4[%mul3A_569, %dma_start3A_580, %dma_start3A_581] : memref<256x64x256xi32, #tpu.memory_space<hbm>> -> memref<1x64x256xi32, #tpu.memory_space<hbm>>
          %dma_start3A_583 = arith.constant 0 : i32
          %dma_start3A_584 = arith.constant 0 : i32
          %dma_start3A_585 = arith.constant 0 : i32
          %dma_start3A_586 = tpu.memref_slice %run_scoped3A_16[%rem3A_567, %dma_start3A_583, %dma_start3A_584, %dma_start3A_585] : memref<2x1x64x256xi32, #tpu.memory_space<vmem>> -> memref<1x1x64x256xi32, #tpu.memory_space<vmem>>
          %dma_start3A_587 = tpu.memref_squeeze %dma_start3A_586 : memref<1x1x64x256xi32, #tpu.memory_space<vmem>> -> memref<1x64x256xi32, #tpu.memory_space<vmem>>
          tpu.enqueue_dma source(%dma_start3A_587 : memref<1x64x256xi32, #tpu.memory_space<vmem>>) target(%dma_start3A_582 : memref<1x64x256xi32, #tpu.memory_space<hbm>>) target_semaphore(%dma_start3A_579 : memref<!tpu.dma_semaphore, #tpu.memory_space<semaphore_mem>>)
          "tpu.trace_stop"() : () -> ()
        } else {
        }
        %and3A_509 = arith.constant true
        %and3A_510 = arith.andi %or3A_505, %and3A_509 : i1
        %add3A_511 = arith.constant 1 : i32
        %add3A_512 = arith.addi %scan3A_141, %add3A_511 : i32
        %select_n3A_513 = arith.select %and3A_510, %add3A_512, %scan3A_141 : i32
        %ne3A_514 = arith.cmpi ne, %add3A_148, %add3A_157 : i32
        %or3A_515 = arith.constant false
        %or3A_516 = arith.ori %or3A_515, %ne3A_514 : i1
        %or3A_517 = arith.constant false
        %or3A_518 = arith.ori %or3A_516, %or3A_517 : i1
        %or3A_519 = arith.constant false
        %or3A_520 = arith.ori %or3A_518, %or3A_519 : i1
        %not3A_521 = arith.constant true
        %not3A_522 = arith.xori %eq3A_145, %not3A_521 : i1
        %and3A_523 = arith.andi %or3A_520, %not3A_522 : i1
        %convert_element_type3A_524 = arith.extui %and3A_523 : i1 to i32
        %cond3A_525 = arith.constant 0 : i32
        %cond3A_526 = arith.cmpi ne, %convert_element_type3A_524, %cond3A_525 : i32
        scf.if %cond3A_526 {
        } else {
        }
        %and3A_527 = arith.constant false
        %and3A_528 = arith.andi %and3A_523, %and3A_527 : i1
        %ne3A_529 = arith.cmpi ne, %add3A_148, %add3A_157 : i32
        %or3A_530 = arith.constant false
        %or3A_531 = arith.ori %or3A_530, %ne3A_529 : i1
        %or3A_532 = arith.constant false
        %or3A_533 = arith.ori %or3A_531, %or3A_532 : i1
        %or3A_534 = arith.constant false
        %or3A_535 = arith.ori %or3A_533, %or3A_534 : i1
        %not3A_536 = arith.constant true
        %not3A_537 = arith.xori %eq3A_145, %not3A_536 : i1
        %and3A_538 = arith.andi %or3A_535, %not3A_537 : i1
        %convert_element_type3A_539 = arith.extui %and3A_538 : i1 to i32
        %cond3A_540 = arith.constant 0 : i32
        %cond3A_541 = arith.cmpi ne, %convert_element_type3A_539, %cond3A_540 : i32
        scf.if %cond3A_541 {
          "tpu.trace_start"() <{level = 10 : i32, message = "ep_wait_out"}> : () -> ()
          %rem3A_566 = arith.constant 2 : i32
          %rem3A_567 = arith.remui %scan3A_142, %rem3A_566 : i32
          %mul3A_568 = arith.constant 1 : i32
          %mul3A_569 = arith.muli %mul3A_568, %add3A_157 : i32
          %dma_wait3A_570 = arith.constant 0 : i32
          %dma_wait3A_571 = arith.constant 0 : i32
          %dma_wait3A_572 = arith.constant 0 : i32
          %dma_wait3A_573 = tpu.memref_slice %run_scoped3A_16[%rem3A_567, %dma_wait3A_570, %dma_wait3A_571, %dma_wait3A_572] : memref<2x1x64x256xi32, #tpu.memory_space<vmem>> -> memref<1x1x64x256xi32, #tpu.memory_space<vmem>>
          %dma_wait3A_574 = tpu.memref_squeeze %dma_wait3A_573 : memref<1x1x64x256xi32, #tpu.memory_space<vmem>> -> memref<1x64x256xi32, #tpu.memory_space<vmem>>
          %dma_wait3A_575 = arith.constant 0 : i32
          %dma_wait3A_576 = arith.constant 0 : i32
          %dma_wait3A_577 = tpu.memref_slice %arg4[%mul3A_569, %dma_wait3A_575, %dma_wait3A_576] : memref<256x64x256xi32, #tpu.memory_space<hbm>> -> memref<1x64x256xi32, #tpu.memory_space<hbm>>
          %dma_wait3A_578 = tpu.memref_slice %run_scoped3A_17[%rem3A_567] : memref<2x!tpu.dma_semaphore, #tpu.memory_space<semaphore_mem>> -> memref<1x!tpu.dma_semaphore, #tpu.memory_space<semaphore_mem>>
          %dma_wait3A_579 = tpu.memref_squeeze %dma_wait3A_578 : memref<1x!tpu.dma_semaphore, #tpu.memory_space<semaphore_mem>> -> memref<!tpu.dma_semaphore, #tpu.memory_space<semaphore_mem>>
          %dma_wait3A_580 = arith.constant 0 : i32
          %dma_wait3A_581 = arith.constant 0 : i32
          %dma_wait3A_582 = tpu.memref_slice %arg4[%mul3A_569, %dma_wait3A_580, %dma_wait3A_581] : memref<256x64x256xi32, #tpu.memory_space<hbm>> -> memref<1x64x256xi32, #tpu.memory_space<hbm>>
          %dma_wait3A_583 = arith.constant 0 : i32
          %dma_wait3A_584 = arith.constant 0 : i32
          %dma_wait3A_585 = arith.constant 0 : i32
          %dma_wait3A_586 = tpu.memref_slice %run_scoped3A_16[%rem3A_567, %dma_wait3A_583, %dma_wait3A_584, %dma_wait3A_585] : memref<2x1x64x256xi32, #tpu.memory_space<vmem>> -> memref<1x1x64x256xi32, #tpu.memory_space<vmem>>
          %dma_wait3A_587 = tpu.memref_squeeze %dma_wait3A_586 : memref<1x1x64x256xi32, #tpu.memory_space<vmem>> -> memref<1x64x256xi32, #tpu.memory_space<vmem>>
          tpu.wait_dma2 semaphore(%dma_wait3A_579 : memref<!tpu.dma_semaphore, #tpu.memory_space<semaphore_mem>>) src(%dma_wait3A_587 : memref<1x64x256xi32, #tpu.memory_space<vmem>>) dst(%dma_wait3A_582 : memref<1x64x256xi32, #tpu.memory_space<hbm>>)
          "tpu.trace_stop"() : () -> ()
        } else {
        }
        %and3A_542 = arith.constant true
        %and3A_543 = arith.andi %and3A_538, %and3A_542 : i1
        %add3A_544 = arith.constant 1 : i32
        %add3A_545 = arith.addi %scan3A_142, %add3A_544 : i32
        %select_n3A_546 = arith.select %and3A_543, %add3A_545, %scan3A_142 : i32
        %ne3A_547 = arith.cmpi ne, %add3A_148, %add3A_166 : i32
        %or3A_548 = arith.constant false
        %or3A_549 = arith.ori %or3A_548, %ne3A_547 : i1
        %or3A_550 = arith.constant false
        %or3A_551 = arith.ori %or3A_549, %or3A_550 : i1
        %or3A_552 = arith.constant false
        %or3A_553 = arith.ori %or3A_551, %or3A_552 : i1
        %or3A_554 = arith.ori %or3A_553, %eq3A_147 : i1
        %add3A_555 = arith.constant 1 : i32
        %add3A_556 = arith.addi %scan3A_140, %add3A_555 : i32
        %select_n3A_557 = arith.select %or3A_554, %add3A_556, %scan3A_140 : i32
        %add3A_558 = arith.constant 1 : i32
        %add3A_559 = arith.addi %scan3A_143, %add3A_558 : i32
        %select_n3A_560 = arith.constant true
        %select_n3A_561 = arith.select %select_n3A_560, %add3A_559, %scan3A_143 : i32
        %eq3A_562 = arith.constant 8 : i32
        %eq3A_563 = arith.cmpi eq, %select_n3A_561, %eq3A_562 : i32
        %select_n3A_564 = arith.constant 0 : i32
        %select_n3A_565 = arith.select %eq3A_563, %select_n3A_564, %select_n3A_561 : i32
        scf.yield %select_n3A_188, %select_n3A_557, %select_n3A_513, %select_n3A_546, %select_n3A_565 : i32, i32, i32, i32, i32
      }
      %scan3A_81 = arith.constant 8 : i32
      %sub3A = arith.constant 1 : i32
      %sub3A_82 = arith.subi %scan3A_80#4, %sub3A : i32
      %select_n3A_83 = arith.constant true
      %select_n3A_84 = arith.select %select_n3A_83, %sub3A_82, %scan3A_80#4 : i32
      %eq3A_85 = arith.constant -1 : i32
      %eq3A_86 = arith.cmpi eq, %select_n3A_84, %eq3A_85 : i32
      %select_n3A_87 = arith.constant 7 : i32
      %select_n3A_88 = arith.select %eq3A_86, %select_n3A_87, %select_n3A_84 : i32
      %add3A_89 = arith.addi %select_n3A_88, %mul3A_14 : i32
      %sub3A_90 = arith.constant 1 : i32
      %sub3A_91 = arith.subi %select_n3A_88, %sub3A_90 : i32
      %select_n3A_92 = arith.constant true
      %select_n3A_93 = arith.select %select_n3A_92, %sub3A_91, %select_n3A_88 : i32
      %eq3A_94 = arith.constant -1 : i32
      %eq3A_95 = arith.cmpi eq, %select_n3A_93, %eq3A_94 : i32
      %select_n3A_96 = arith.constant 7 : i32
      %select_n3A_97 = arith.select %eq3A_95, %select_n3A_96, %select_n3A_93 : i32
      %add3A_98 = arith.addi %select_n3A_97, %mul3A_14 : i32
      %add3A_99 = arith.constant 1 : i32
      %add3A_100 = arith.addi %select_n3A_88, %add3A_99 : i32
      %select_n3A_101 = arith.constant true
      %select_n3A_102 = arith.select %select_n3A_101, %add3A_100, %select_n3A_88 : i32
      %eq3A_103 = arith.constant 8 : i32
      %eq3A_104 = arith.cmpi eq, %select_n3A_102, %eq3A_103 : i32
      %select_n3A_105 = arith.constant 0 : i32
      %select_n3A_106 = arith.select %eq3A_104, %select_n3A_105, %select_n3A_102 : i32
      %add3A_107 = arith.addi %select_n3A_106, %mul3A_14 : i32
      %add3A_108 = arith.constant 1 : i32
      %add3A_109 = arith.addi %select_n3A_106, %add3A_108 : i32
      %select_n3A_110 = arith.constant true
      %select_n3A_111 = arith.select %select_n3A_110, %add3A_109, %select_n3A_106 : i32
      %eq3A_112 = arith.constant 8 : i32
      %eq3A_113 = arith.cmpi eq, %select_n3A_111, %eq3A_112 : i32
      %select_n3A_114 = arith.constant 0 : i32
      %select_n3A_115 = arith.select %eq3A_113, %select_n3A_114, %select_n3A_111 : i32
      %add3A_116 = arith.addi %select_n3A_115, %mul3A_14 : i32
      "tpu.trace_start"() <{level = 10 : i32, message = "ep_finalize"}> : () -> ()
      %rem3A_117 = arith.constant 2 : i32
      %rem3A_118 = arith.remui %scan3A_80#3, %rem3A_117 : i32
      %mul3A_119 = arith.constant 1 : i32
      %mul3A_120 = arith.muli %mul3A_119, %add3A_89 : i32
      %dma_wait3A = arith.constant 0 : i32
      %dma_wait3A_121 = arith.constant 0 : i32
      %dma_wait3A_122 = arith.constant 0 : i32
      %dma_wait3A_123 = tpu.memref_slice %run_scoped3A_16[%rem3A_118, %dma_wait3A, %dma_wait3A_121, %dma_wait3A_122] : memref<2x1x64x256xi32, #tpu.memory_space<vmem>> -> memref<1x1x64x256xi32, #tpu.memory_space<vmem>>
      %dma_wait3A_124 = tpu.memref_squeeze %dma_wait3A_123 : memref<1x1x64x256xi32, #tpu.memory_space<vmem>> -> memref<1x64x256xi32, #tpu.memory_space<vmem>>
      %dma_wait3A_125 = arith.constant 0 : i32
      %dma_wait3A_126 = arith.constant 0 : i32
      %dma_wait3A_127 = tpu.memref_slice %arg4[%mul3A_120, %dma_wait3A_125, %dma_wait3A_126] : memref<256x64x256xi32, #tpu.memory_space<hbm>> -> memref<1x64x256xi32, #tpu.memory_space<hbm>>
      %dma_wait3A_128 = tpu.memref_slice %run_scoped3A_17[%rem3A_118] : memref<2x!tpu.dma_semaphore, #tpu.memory_space<semaphore_mem>> -> memref<1x!tpu.dma_semaphore, #tpu.memory_space<semaphore_mem>>
      %dma_wait3A_129 = tpu.memref_squeeze %dma_wait3A_128 : memref<1x!tpu.dma_semaphore, #tpu.memory_space<semaphore_mem>> -> memref<!tpu.dma_semaphore, #tpu.memory_space<semaphore_mem>>
      %dma_wait3A_130 = arith.constant 0 : i32
      %dma_wait3A_131 = arith.constant 0 : i32
      %dma_wait3A_132 = tpu.memref_slice %arg4[%mul3A_120, %dma_wait3A_130, %dma_wait3A_131] : memref<256x64x256xi32, #tpu.memory_space<hbm>> -> memref<1x64x256xi32, #tpu.memory_space<hbm>>
      %dma_wait3A_133 = arith.constant 0 : i32
      %dma_wait3A_134 = arith.constant 0 : i32
      %dma_wait3A_135 = arith.constant 0 : i32
      %dma_wait3A_136 = tpu.memref_slice %run_scoped3A_16[%rem3A_118, %dma_wait3A_133, %dma_wait3A_134, %dma_wait3A_135] : memref<2x1x64x256xi32, #tpu.memory_space<vmem>> -> memref<1x1x64x256xi32, #tpu.memory_space<vmem>>
      %dma_wait3A_137 = tpu.memref_squeeze %dma_wait3A_136 : memref<1x1x64x256xi32, #tpu.memory_space<vmem>> -> memref<1x64x256xi32, #tpu.memory_space<vmem>>
      tpu.wait_dma2 semaphore(%dma_wait3A_129 : memref<!tpu.dma_semaphore, #tpu.memory_space<semaphore_mem>>) src(%dma_wait3A_137 : memref<1x64x256xi32, #tpu.memory_space<vmem>>) dst(%dma_wait3A_132 : memref<1x64x256xi32, #tpu.memory_space<hbm>>)
      "tpu.trace_stop"() : () -> ()
      tpu.yield
    }) : () -> ()
    return
  }
}

#map = affine_map<(d0, d1) -> (0, 0, 0)>
#map1 = affine_map<(d0, d1) -> (0, 0)>
module attributes {stable_mosaic.version = 14 : i64} {
  func.func @hist_kernel(%arg0: i32, %arg1: i32, %arg2: memref<256x64x256xi32, #tpu.memory_space<hbm>>, %arg3: memref<256x64x256xf32, #tpu.memory_space<hbm>>, %arg4: memref<32x2048xf32, #tpu.memory_space<hbm>>, %arg5: memref<2048xf32, #tpu.memory_space<vmem>>) attributes {dimension_semantics = [#tpu.dimension_semantics<core_parallel>, #tpu.dimension_semantics<subcore_parallel>], iteration_bounds = array<i64: 2, 16>, scalar_prefetch = 0 : i64, scratch_operands = 1 : i64, tpu.core_type = #tpu.core_type<sc_vector_subcore>, window_params = [{transform_indices = #map}, {transform_indices = #map}, {transform_indices = #map1}]} {
    %scan3A = arith.constant 0 : i32
    %scan3A_0 = arith.constant 128 : i32
    %scan3A_1 = arith.addi %scan3A, %scan3A_0 : i32
    %scan3A_2 = arith.constant 1 : i32
    scf.for %scan3A_14 = %scan3A to %scan3A_1 step %scan3A_2  : i32 {
      %mul3A_15 = arith.constant 16 : i32
      %mul3A_16 = arith.muli %scan3A_14, %mul3A_15 : i32
      %add3A_17 = arith.constant 0 : i32
      %add3A_18 = arith.addi %add3A_17, %mul3A_16 : i32
      %broadcast_in_dim3A = arith.constant 0.000000e+00 : f32
      %broadcast_in_dim3A_19 = vector.broadcast %broadcast_in_dim3A : f32 to vector<16xf32>
      %swap3A = arith.index_cast %add3A_18 : i32 to index
      %swap3A_20 = tpu.vector_load %arg5[%swap3A] {strides = array<i32>} : memref<2048xf32, #tpu.memory_space<vmem>>, vector<16xf32>,
      tpu.vector_store %arg5[%swap3A], %broadcast_in_dim3A_19 {strides = array<i32>} : memref<2048xf32, #tpu.memory_space<vmem>>, vector<16xf32>,
    }
    %scan3A_3 = arith.constant 128 : i32
    %mul3A = arith.constant 1 : i32
    %mul3A_4 = arith.muli %arg1, %mul3A : i32
    %add3A = arith.constant 0 : i32
    %add3A_5 = arith.addi %add3A, %mul3A_4 : i32
    %mul3A_6 = arith.constant 16 : i32
    %mul3A_7 = arith.muli %arg0, %mul3A_6 : i32
    %add3A_8 = arith.addi %add3A_5, %mul3A_7 : i32
    %mul3A_9 = arith.constant 8 : i32
    %mul3A_10 = arith.muli %add3A_8, %mul3A_9 : i32
    %run_scoped3A = arith.constant 8.600000e-01 : f32
    "tpu.region"() ({
      %run_scoped3A_14 = memref.alloca() : memref<2x1x64x256xi32, #tpu.memory_space<vmem>>
      %run_scoped3A_15 = tpu.sem_alloc : memref<2x!tpu.dma_semaphore, #tpu.memory_space<semaphore_mem>>
      %run_scoped3A_16 = memref.alloca() : memref<2x1x64x256xf32, #tpu.memory_space<vmem>>
      %run_scoped3A_17 = tpu.sem_alloc : memref<2x!tpu.dma_semaphore, #tpu.memory_space<semaphore_mem>>
      %add3A_18 = arith.constant 0 : i32
      %add3A_19 = arith.addi %add3A_18, %mul3A_10 : i32
      %select_n3A = arith.constant true
      %select_n3A_20 = arith.constant 0 : i32
      %select_n3A_21 = arith.constant -1 : i32
      %select_n3A_22 = arith.select %select_n3A, %select_n3A_21, %select_n3A_20 : i32
      %eq3A = arith.constant -1 : i32
      %eq3A_23 = arith.cmpi eq, %select_n3A_22, %eq3A : i32
      %select_n3A_24 = arith.constant 7 : i32
      %select_n3A_25 = arith.select %eq3A_23, %select_n3A_24, %select_n3A_22 : i32
      %add3A_26 = arith.addi %select_n3A_25, %mul3A_10 : i32
      %select_n3A_27 = arith.constant true
      %select_n3A_28 = arith.constant 0 : i32
      %select_n3A_29 = arith.constant 1 : i32
      %select_n3A_30 = arith.select %select_n3A_27, %select_n3A_29, %select_n3A_28 : i32
      %eq3A_31 = arith.constant 8 : i32
      %eq3A_32 = arith.cmpi eq, %select_n3A_30, %eq3A_31 : i32
      %select_n3A_33 = arith.constant 0 : i32
      %select_n3A_34 = arith.select %eq3A_32, %select_n3A_33, %select_n3A_30 : i32
      %add3A_35 = arith.addi %select_n3A_34, %mul3A_10 : i32
      %add3A_36 = arith.constant 1 : i32
      %add3A_37 = arith.addi %select_n3A_34, %add3A_36 : i32
      %select_n3A_38 = arith.constant true
      %select_n3A_39 = arith.select %select_n3A_38, %add3A_37, %select_n3A_34 : i32
      %eq3A_40 = arith.constant 8 : i32
      %eq3A_41 = arith.cmpi eq, %select_n3A_39, %eq3A_40 : i32
      %select_n3A_42 = arith.constant 0 : i32
      %select_n3A_43 = arith.select %eq3A_41, %select_n3A_42, %select_n3A_39 : i32
      %add3A_44 = arith.addi %select_n3A_43, %mul3A_10 : i32
      "tpu.trace_start"() <{level = 10 : i32, message = "ep_initialize_0"}> : () -> ()
      %rem3A = arith.constant 0 : i32
      %rem3A_45 = arith.constant 2 : i32
      %rem3A_46 = arith.remui %rem3A, %rem3A_45 : i32
      %mul3A_47 = arith.constant 1 : i32
      %mul3A_48 = arith.muli %mul3A_47, %add3A_19 : i32
      %dma_start3A = arith.constant 0 : i32
      %dma_start3A_49 = arith.constant 0 : i32
      %dma_start3A_50 = arith.constant 0 : i32
      %dma_start3A_51 = tpu.memref_slice %run_scoped3A_14[%rem3A_46, %dma_start3A, %dma_start3A_49, %dma_start3A_50] : memref<2x1x64x256xi32, #tpu.memory_space<vmem>> -> memref<1x1x64x256xi32, #tpu.memory_space<vmem>>
      %dma_start3A_52 = tpu.memref_squeeze %dma_start3A_51 : memref<1x1x64x256xi32, #tpu.memory_space<vmem>> -> memref<1x64x256xi32, #tpu.memory_space<vmem>>
      %dma_start3A_53 = arith.constant 0 : i32
      %dma_start3A_54 = arith.constant 0 : i32
      %dma_start3A_55 = tpu.memref_slice %arg2[%mul3A_48, %dma_start3A_53, %dma_start3A_54] : memref<256x64x256xi32, #tpu.memory_space<hbm>> -> memref<1x64x256xi32, #tpu.memory_space<hbm>>
      %dma_start3A_56 = tpu.memref_slice %run_scoped3A_15[%rem3A_46] : memref<2x!tpu.dma_semaphore, #tpu.memory_space<semaphore_mem>> -> memref<1x!tpu.dma_semaphore, #tpu.memory_space<semaphore_mem>>
      %dma_start3A_57 = tpu.memref_squeeze %dma_start3A_56 : memref<1x!tpu.dma_semaphore, #tpu.memory_space<semaphore_mem>> -> memref<!tpu.dma_semaphore, #tpu.memory_space<semaphore_mem>>
      %dma_start3A_58 = arith.constant 0 : i32
      %dma_start3A_59 = arith.constant 0 : i32
      %dma_start3A_60 = arith.constant 0 : i32
      %dma_start3A_61 = tpu.memref_slice %run_scoped3A_14[%rem3A_46, %dma_start3A_58, %dma_start3A_59, %dma_start3A_60] : memref<2x1x64x256xi32, #tpu.memory_space<vmem>> -> memref<1x1x64x256xi32, #tpu.memory_space<vmem>>
      %dma_start3A_62 = tpu.memref_squeeze %dma_start3A_61 : memref<1x1x64x256xi32, #tpu.memory_space<vmem>> -> memref<1x64x256xi32, #tpu.memory_space<vmem>>
      %dma_start3A_63 = arith.constant 0 : i32
      %dma_start3A_64 = arith.constant 0 : i32
      %dma_start3A_65 = tpu.memref_slice %arg2[%mul3A_48, %dma_start3A_63, %dma_start3A_64] : memref<256x64x256xi32, #tpu.memory_space<hbm>> -> memref<1x64x256xi32, #tpu.memory_space<hbm>>
      tpu.enqueue_dma source(%dma_start3A_65 : memref<1x64x256xi32, #tpu.memory_space<hbm>>) target(%dma_start3A_62 : memref<1x64x256xi32, #tpu.memory_space<vmem>>) target_semaphore(%dma_start3A_57 : memref<!tpu.dma_semaphore, #tpu.memory_space<semaphore_mem>>)
      %add3A_66 = arith.constant 0 : i32
      %add3A_67 = arith.constant 1 : i32
      %add3A_68 = arith.addi %add3A_66, %add3A_67 : i32
      %select_n3A_69 = arith.constant true
      %select_n3A_70 = arith.constant 0 : i32
      %select_n3A_71 = arith.select %select_n3A_69, %add3A_68, %select_n3A_70 : i32
      %rem3A_72 = arith.constant 0 : i32
      %rem3A_73 = arith.constant 2 : i32
      %rem3A_74 = arith.remui %rem3A_72, %rem3A_73 : i32
      %mul3A_75 = arith.constant 1 : i32
      %mul3A_76 = arith.muli %mul3A_75, %add3A_19 : i32
      %dma_start3A_77 = arith.constant 0 : i32
      %dma_start3A_78 = arith.constant 0 : i32
      %dma_start3A_79 = arith.constant 0 : i32
      %dma_start3A_80 = tpu.memref_slice %run_scoped3A_16[%rem3A_74, %dma_start3A_77, %dma_start3A_78, %dma_start3A_79] : memref<2x1x64x256xf32, #tpu.memory_space<vmem>> -> memref<1x1x64x256xf32, #tpu.memory_space<vmem>>
      %dma_start3A_81 = tpu.memref_squeeze %dma_start3A_80 : memref<1x1x64x256xf32, #tpu.memory_space<vmem>> -> memref<1x64x256xf32, #tpu.memory_space<vmem>>
      %dma_start3A_82 = arith.constant 0 : i32
      %dma_start3A_83 = arith.constant 0 : i32
      %dma_start3A_84 = tpu.memref_slice %arg3[%mul3A_76, %dma_start3A_82, %dma_start3A_83] : memref<256x64x256xf32, #tpu.memory_space<hbm>> -> memref<1x64x256xf32, #tpu.memory_space<hbm>>
      %dma_start3A_85 = tpu.memref_slice %run_scoped3A_17[%rem3A_74] : memref<2x!tpu.dma_semaphore, #tpu.memory_space<semaphore_mem>> -> memref<1x!tpu.dma_semaphore, #tpu.memory_space<semaphore_mem>>
      %dma_start3A_86 = tpu.memref_squeeze %dma_start3A_85 : memref<1x!tpu.dma_semaphore, #tpu.memory_space<semaphore_mem>> -> memref<!tpu.dma_semaphore, #tpu.memory_space<semaphore_mem>>
      %dma_start3A_87 = arith.constant 0 : i32
      %dma_start3A_88 = arith.constant 0 : i32
      %dma_start3A_89 = arith.constant 0 : i32
      %dma_start3A_90 = tpu.memref_slice %run_scoped3A_16[%rem3A_74, %dma_start3A_87, %dma_start3A_88, %dma_start3A_89] : memref<2x1x64x256xf32, #tpu.memory_space<vmem>> -> memref<1x1x64x256xf32, #tpu.memory_space<vmem>>
      %dma_start3A_91 = tpu.memref_squeeze %dma_start3A_90 : memref<1x1x64x256xf32, #tpu.memory_space<vmem>> -> memref<1x64x256xf32, #tpu.memory_space<vmem>>
      %dma_start3A_92 = arith.constant 0 : i32
      %dma_start3A_93 = arith.constant 0 : i32
      %dma_start3A_94 = tpu.memref_slice %arg3[%mul3A_76, %dma_start3A_92, %dma_start3A_93] : memref<256x64x256xf32, #tpu.memory_space<hbm>> -> memref<1x64x256xf32, #tpu.memory_space<hbm>>
      tpu.enqueue_dma source(%dma_start3A_94 : memref<1x64x256xf32, #tpu.memory_space<hbm>>) target(%dma_start3A_91 : memref<1x64x256xf32, #tpu.memory_space<vmem>>) target_semaphore(%dma_start3A_86 : memref<!tpu.dma_semaphore, #tpu.memory_space<semaphore_mem>>)
      %add3A_95 = arith.constant 0 : i32
      %add3A_96 = arith.constant 1 : i32
      %add3A_97 = arith.addi %add3A_95, %add3A_96 : i32
      %select_n3A_98 = arith.constant true
      %select_n3A_99 = arith.constant 0 : i32
      %select_n3A_100 = arith.select %select_n3A_98, %add3A_97, %select_n3A_99 : i32
      "tpu.trace_stop"() : () -> ()
      %scan3A_101 = arith.constant 0 : i32
      %scan3A_102 = arith.constant 0 : i32
      %scan3A_103 = arith.constant 0 : i32
      %scan3A_104 = arith.constant 0 : i32
      %scan3A_105 = arith.constant 8 : i32
      %scan3A_106 = arith.addi %scan3A_104, %scan3A_105 : i32
      %scan3A_107 = arith.constant 1 : i32
      %scan3A_108:5 = scf.for %scan3A_145 = %scan3A_104 to %scan3A_106 step %scan3A_107 iter_args(%scan3A_146 = %select_n3A_71, %scan3A_147 = %scan3A_101, %scan3A_148 = %select_n3A_100, %scan3A_149 = %scan3A_102, %scan3A_150 = %scan3A_103) -> (i32, i32, i32, i32, i32)  : i32 {
        %eq3A_151 = arith.constant 0 : i32
        %eq3A_152 = arith.cmpi eq, %scan3A_145, %eq3A_151 : i32
        %eq3A_153 = arith.constant 7 : i32
        %eq3A_154 = arith.cmpi eq, %scan3A_145, %eq3A_153 : i32
        %add3A_155 = arith.addi %scan3A_150, %mul3A_10 : i32
        %sub3A_156 = arith.constant 1 : i32
        %sub3A_157 = arith.subi %scan3A_150, %sub3A_156 : i32
        %select_n3A_158 = arith.constant true
        %select_n3A_159 = arith.select %select_n3A_158, %sub3A_157, %scan3A_150 : i32
        %eq3A_160 = arith.constant -1 : i32
        %eq3A_161 = arith.cmpi eq, %select_n3A_159, %eq3A_160 : i32
        %select_n3A_162 = arith.constant 7 : i32
        %select_n3A_163 = arith.select %eq3A_161, %select_n3A_162, %select_n3A_159 : i32
        %add3A_164 = arith.addi %select_n3A_163, %mul3A_10 : i32
        %add3A_165 = arith.constant 1 : i32
        %add3A_166 = arith.addi %scan3A_150, %add3A_165 : i32
        %select_n3A_167 = arith.constant true
        %select_n3A_168 = arith.select %select_n3A_167, %add3A_166, %scan3A_150 : i32
        %eq3A_169 = arith.constant 8 : i32
        %eq3A_170 = arith.cmpi eq, %select_n3A_168, %eq3A_169 : i32
        %select_n3A_171 = arith.constant 0 : i32
        %select_n3A_172 = arith.select %eq3A_170, %select_n3A_171, %select_n3A_168 : i32
        %add3A_173 = arith.addi %select_n3A_172, %mul3A_10 : i32
        %add3A_174 = arith.constant 1 : i32
        %add3A_175 = arith.addi %select_n3A_172, %add3A_174 : i32
        %select_n3A_176 = arith.constant true
        %select_n3A_177 = arith.select %select_n3A_176, %add3A_175, %select_n3A_172 : i32
        %eq3A_178 = arith.constant 8 : i32
        %eq3A_179 = arith.cmpi eq, %select_n3A_177, %eq3A_178 : i32
        %select_n3A_180 = arith.constant 0 : i32
        %select_n3A_181 = arith.select %eq3A_179, %select_n3A_180, %select_n3A_177 : i32
        %add3A_182 = arith.addi %select_n3A_181, %mul3A_10 : i32
        %ne3A = arith.cmpi ne, %add3A_155, %add3A_173 : i32
        %or3A = arith.constant false
        %or3A_183 = arith.ori %or3A, %ne3A : i1
        %or3A_184 = arith.constant false
        %or3A_185 = arith.ori %or3A_183, %or3A_184 : i1
        %or3A_186 = arith.constant false
        %or3A_187 = arith.ori %or3A_185, %or3A_186 : i1
        %ge3A = arith.constant 7 : i32
        %ge3A_188 = arith.cmpi sge, %scan3A_145, %ge3A : i32
        %not3A = arith.constant true
        %not3A_189 = arith.xori %ge3A_188, %not3A : i1
        %and3A = arith.andi %or3A_187, %not3A_189 : i1
        %convert_element_type3A = arith.extui %and3A : i1 to i32
        %cond3A = arith.constant 0 : i32
        %cond3A_190 = arith.cmpi ne, %convert_element_type3A, %cond3A : i32
        scf.if %cond3A_190 {
          "tpu.trace_start"() <{level = 10 : i32, message = "ep_copy_in"}> : () -> ()
          %rem3A_664 = arith.constant 2 : i32
          %rem3A_665 = arith.remui %scan3A_146, %rem3A_664 : i32
          %mul3A_666 = arith.constant 1 : i32
          %mul3A_667 = arith.muli %mul3A_666, %add3A_173 : i32
          %dma_start3A_668 = arith.constant 0 : i32
          %dma_start3A_669 = arith.constant 0 : i32
          %dma_start3A_670 = arith.constant 0 : i32
          %dma_start3A_671 = tpu.memref_slice %run_scoped3A_14[%rem3A_665, %dma_start3A_668, %dma_start3A_669, %dma_start3A_670] : memref<2x1x64x256xi32, #tpu.memory_space<vmem>> -> memref<1x1x64x256xi32, #tpu.memory_space<vmem>>
          %dma_start3A_672 = tpu.memref_squeeze %dma_start3A_671 : memref<1x1x64x256xi32, #tpu.memory_space<vmem>> -> memref<1x64x256xi32, #tpu.memory_space<vmem>>
          %dma_start3A_673 = arith.constant 0 : i32
          %dma_start3A_674 = arith.constant 0 : i32
          %dma_start3A_675 = tpu.memref_slice %arg2[%mul3A_667, %dma_start3A_673, %dma_start3A_674] : memref<256x64x256xi32, #tpu.memory_space<hbm>> -> memref<1x64x256xi32, #tpu.memory_space<hbm>>
          %dma_start3A_676 = tpu.memref_slice %run_scoped3A_15[%rem3A_665] : memref<2x!tpu.dma_semaphore, #tpu.memory_space<semaphore_mem>> -> memref<1x!tpu.dma_semaphore, #tpu.memory_space<semaphore_mem>>
          %dma_start3A_677 = tpu.memref_squeeze %dma_start3A_676 : memref<1x!tpu.dma_semaphore, #tpu.memory_space<semaphore_mem>> -> memref<!tpu.dma_semaphore, #tpu.memory_space<semaphore_mem>>
          %dma_start3A_678 = arith.constant 0 : i32
          %dma_start3A_679 = arith.constant 0 : i32
          %dma_start3A_680 = arith.constant 0 : i32
          %dma_start3A_681 = tpu.memref_slice %run_scoped3A_14[%rem3A_665, %dma_start3A_678, %dma_start3A_679, %dma_start3A_680] : memref<2x1x64x256xi32, #tpu.memory_space<vmem>> -> memref<1x1x64x256xi32, #tpu.memory_space<vmem>>
          %dma_start3A_682 = tpu.memref_squeeze %dma_start3A_681 : memref<1x1x64x256xi32, #tpu.memory_space<vmem>> -> memref<1x64x256xi32, #tpu.memory_space<vmem>>
          %dma_start3A_683 = arith.constant 0 : i32
          %dma_start3A_684 = arith.constant 0 : i32
          %dma_start3A_685 = tpu.memref_slice %arg2[%mul3A_667, %dma_start3A_683, %dma_start3A_684] : memref<256x64x256xi32, #tpu.memory_space<hbm>> -> memref<1x64x256xi32, #tpu.memory_space<hbm>>
          tpu.enqueue_dma source(%dma_start3A_685 : memref<1x64x256xi32, #tpu.memory_space<hbm>>) target(%dma_start3A_682 : memref<1x64x256xi32, #tpu.memory_space<vmem>>) target_semaphore(%dma_start3A_677 : memref<!tpu.dma_semaphore, #tpu.memory_space<semaphore_mem>>)
          "tpu.trace_stop"() : () -> ()
        } else {
        }
        %and3A_191 = arith.constant true
        %and3A_192 = arith.andi %and3A, %and3A_191 : i1
        %add3A_193 = arith.constant 1 : i32
        %add3A_194 = arith.addi %scan3A_146, %add3A_193 : i32
        %select_n3A_195 = arith.select %and3A_192, %add3A_194, %scan3A_146 : i32
        %ne3A_196 = arith.cmpi ne, %add3A_155, %add3A_173 : i32
        %or3A_197 = arith.constant false
        %or3A_198 = arith.ori %or3A_197, %ne3A_196 : i1
        %or3A_199 = arith.constant false
        %or3A_200 = arith.ori %or3A_198, %or3A_199 : i1
        %or3A_201 = arith.constant false
        %or3A_202 = arith.ori %or3A_200, %or3A_201 : i1
        %ge3A_203 = arith.constant 7 : i32
        %ge3A_204 = arith.cmpi sge, %scan3A_145, %ge3A_203 : i32
        %not3A_205 = arith.constant true
        %not3A_206 = arith.xori %ge3A_204, %not3A_205 : i1
        %and3A_207 = arith.andi %or3A_202, %not3A_206 : i1
        %convert_element_type3A_208 = arith.extui %and3A_207 : i1 to i32
        %cond3A_209 = arith.constant 0 : i32
        %cond3A_210 = arith.cmpi ne, %convert_element_type3A_208, %cond3A_209 : i32
        scf.if %cond3A_210 {
          "tpu.trace_start"() <{level = 10 : i32, message = "ep_copy_in"}> : () -> ()
          %rem3A_664 = arith.constant 2 : i32
          %rem3A_665 = arith.remui %scan3A_148, %rem3A_664 : i32
          %mul3A_666 = arith.constant 1 : i32
          %mul3A_667 = arith.muli %mul3A_666, %add3A_173 : i32
          %dma_start3A_668 = arith.constant 0 : i32
          %dma_start3A_669 = arith.constant 0 : i32
          %dma_start3A_670 = arith.constant 0 : i32
          %dma_start3A_671 = tpu.memref_slice %run_scoped3A_16[%rem3A_665, %dma_start3A_668, %dma_start3A_669, %dma_start3A_670] : memref<2x1x64x256xf32, #tpu.memory_space<vmem>> -> memref<1x1x64x256xf32, #tpu.memory_space<vmem>>
          %dma_start3A_672 = tpu.memref_squeeze %dma_start3A_671 : memref<1x1x64x256xf32, #tpu.memory_space<vmem>> -> memref<1x64x256xf32, #tpu.memory_space<vmem>>
          %dma_start3A_673 = arith.constant 0 : i32
          %dma_start3A_674 = arith.constant 0 : i32
          %dma_start3A_675 = tpu.memref_slice %arg3[%mul3A_667, %dma_start3A_673, %dma_start3A_674] : memref<256x64x256xf32, #tpu.memory_space<hbm>> -> memref<1x64x256xf32, #tpu.memory_space<hbm>>
          %dma_start3A_676 = tpu.memref_slice %run_scoped3A_17[%rem3A_665] : memref<2x!tpu.dma_semaphore, #tpu.memory_space<semaphore_mem>> -> memref<1x!tpu.dma_semaphore, #tpu.memory_space<semaphore_mem>>
          %dma_start3A_677 = tpu.memref_squeeze %dma_start3A_676 : memref<1x!tpu.dma_semaphore, #tpu.memory_space<semaphore_mem>> -> memref<!tpu.dma_semaphore, #tpu.memory_space<semaphore_mem>>
          %dma_start3A_678 = arith.constant 0 : i32
          %dma_start3A_679 = arith.constant 0 : i32
          %dma_start3A_680 = arith.constant 0 : i32
          %dma_start3A_681 = tpu.memref_slice %run_scoped3A_16[%rem3A_665, %dma_start3A_678, %dma_start3A_679, %dma_start3A_680] : memref<2x1x64x256xf32, #tpu.memory_space<vmem>> -> memref<1x1x64x256xf32, #tpu.memory_space<vmem>>
          %dma_start3A_682 = tpu.memref_squeeze %dma_start3A_681 : memref<1x1x64x256xf32, #tpu.memory_space<vmem>> -> memref<1x64x256xf32, #tpu.memory_space<vmem>>
          %dma_start3A_683 = arith.constant 0 : i32
          %dma_start3A_684 = arith.constant 0 : i32
          %dma_start3A_685 = tpu.memref_slice %arg3[%mul3A_667, %dma_start3A_683, %dma_start3A_684] : memref<256x64x256xf32, #tpu.memory_space<hbm>> -> memref<1x64x256xf32, #tpu.memory_space<hbm>>
          tpu.enqueue_dma source(%dma_start3A_685 : memref<1x64x256xf32, #tpu.memory_space<hbm>>) target(%dma_start3A_682 : memref<1x64x256xf32, #tpu.memory_space<vmem>>) target_semaphore(%dma_start3A_677 : memref<!tpu.dma_semaphore, #tpu.memory_space<semaphore_mem>>)
          "tpu.trace_stop"() : () -> ()
        } else {
        }
        %and3A_211 = arith.constant true
        %and3A_212 = arith.andi %and3A_207, %and3A_211 : i1
        %add3A_213 = arith.constant 1 : i32
        %add3A_214 = arith.addi %scan3A_148, %add3A_213 : i32
        %select_n3A_215 = arith.select %and3A_212, %add3A_214, %scan3A_148 : i32
        %ne3A_216 = arith.cmpi ne, %add3A_155, %add3A_164 : i32
        %or3A_217 = arith.constant false
        %or3A_218 = arith.ori %or3A_217, %ne3A_216 : i1
        %or3A_219 = arith.constant false
        %or3A_220 = arith.ori %or3A_218, %or3A_219 : i1
        %or3A_221 = arith.constant false
        %or3A_222 = arith.ori %or3A_220, %or3A_221 : i1
        %or3A_223 = arith.ori %or3A_222, %eq3A_152 : i1
        %convert_element_type3A_224 = arith.extui %or3A_223 : i1 to i32
        %cond3A_225 = arith.constant 0 : i32
        %cond3A_226 = arith.cmpi ne, %convert_element_type3A_224, %cond3A_225 : i32
        scf.if %cond3A_226 {
          "tpu.trace_start"() <{level = 10 : i32, message = "ep_wait_in"}> : () -> ()
          %mul3A_664 = arith.constant 1 : i32
          %mul3A_665 = arith.muli %mul3A_664, %add3A_155 : i32
          %rem3A_666 = arith.constant 2 : i32
          %rem3A_667 = arith.remui %scan3A_147, %rem3A_666 : i32
          %dma_wait3A = arith.constant 0 : i32
          %dma_wait3A_668 = arith.constant 0 : i32
          %dma_wait3A_669 = arith.constant 0 : i32
          %dma_wait3A_670 = tpu.memref_slice %run_scoped3A_14[%rem3A_667, %dma_wait3A, %dma_wait3A_668, %dma_wait3A_669] : memref<2x1x64x256xi32, #tpu.memory_space<vmem>> -> memref<1x1x64x256xi32, #tpu.memory_space<vmem>>
          %dma_wait3A_671 = tpu.memref_squeeze %dma_wait3A_670 : memref<1x1x64x256xi32, #tpu.memory_space<vmem>> -> memref<1x64x256xi32, #tpu.memory_space<vmem>>
          %dma_wait3A_672 = arith.constant 0 : i32
          %dma_wait3A_673 = arith.constant 0 : i32
          %dma_wait3A_674 = tpu.memref_slice %arg2[%mul3A_665, %dma_wait3A_672, %dma_wait3A_673] : memref<256x64x256xi32, #tpu.memory_space<hbm>> -> memref<1x64x256xi32, #tpu.memory_space<hbm>>
          %dma_wait3A_675 = tpu.memref_slice %run_scoped3A_15[%rem3A_667] : memref<2x!tpu.dma_semaphore, #tpu.memory_space<semaphore_mem>> -> memref<1x!tpu.dma_semaphore, #tpu.memory_space<semaphore_mem>>
          %dma_wait3A_676 = tpu.memref_squeeze %dma_wait3A_675 : memref<1x!tpu.dma_semaphore, #tpu.memory_space<semaphore_mem>> -> memref<!tpu.dma_semaphore, #tpu.memory_space<semaphore_mem>>
          %dma_wait3A_677 = arith.constant 0 : i32
          %dma_wait3A_678 = arith.constant 0 : i32
          %dma_wait3A_679 = arith.constant 0 : i32
          %dma_wait3A_680 = tpu.memref_slice %run_scoped3A_14[%rem3A_667, %dma_wait3A_677, %dma_wait3A_678, %dma_wait3A_679] : memref<2x1x64x256xi32, #tpu.memory_space<vmem>> -> memref<1x1x64x256xi32, #tpu.memory_space<vmem>>
          %dma_wait3A_681 = tpu.memref_squeeze %dma_wait3A_680 : memref<1x1x64x256xi32, #tpu.memory_space<vmem>> -> memref<1x64x256xi32, #tpu.memory_space<vmem>>
          %dma_wait3A_682 = arith.constant 0 : i32
          %dma_wait3A_683 = arith.constant 0 : i32
          %dma_wait3A_684 = tpu.memref_slice %arg2[%mul3A_665, %dma_wait3A_682, %dma_wait3A_683] : memref<256x64x256xi32, #tpu.memory_space<hbm>> -> memref<1x64x256xi32, #tpu.memory_space<hbm>>
          tpu.wait_dma2 semaphore(%dma_wait3A_676 : memref<!tpu.dma_semaphore, #tpu.memory_space<semaphore_mem>>) src(%dma_wait3A_684 : memref<1x64x256xi32, #tpu.memory_space<hbm>>) dst(%dma_wait3A_681 : memref<1x64x256xi32, #tpu.memory_space<vmem>>)
          "tpu.trace_stop"() : () -> ()
        } else {
        }
        %ne3A_227 = arith.cmpi ne, %add3A_155, %add3A_164 : i32
        %or3A_228 = arith.constant false
        %or3A_229 = arith.ori %or3A_228, %ne3A_227 : i1
        %or3A_230 = arith.constant false
        %or3A_231 = arith.ori %or3A_229, %or3A_230 : i1
        %or3A_232 = arith.constant false
        %or3A_233 = arith.ori %or3A_231, %or3A_232 : i1
        %or3A_234 = arith.ori %or3A_233, %eq3A_152 : i1
        %convert_element_type3A_235 = arith.extui %or3A_234 : i1 to i32
        %cond3A_236 = arith.constant 0 : i32
        %cond3A_237 = arith.cmpi ne, %convert_element_type3A_235, %cond3A_236 : i32
        scf.if %cond3A_237 {
          "tpu.trace_start"() <{level = 10 : i32, message = "ep_wait_in"}> : () -> ()
          %mul3A_664 = arith.constant 1 : i32
          %mul3A_665 = arith.muli %mul3A_664, %add3A_155 : i32
          %rem3A_666 = arith.constant 2 : i32
          %rem3A_667 = arith.remui %scan3A_149, %rem3A_666 : i32
          %dma_wait3A = arith.constant 0 : i32
          %dma_wait3A_668 = arith.constant 0 : i32
          %dma_wait3A_669 = arith.constant 0 : i32
          %dma_wait3A_670 = tpu.memref_slice %run_scoped3A_16[%rem3A_667, %dma_wait3A, %dma_wait3A_668, %dma_wait3A_669] : memref<2x1x64x256xf32, #tpu.memory_space<vmem>> -> memref<1x1x64x256xf32, #tpu.memory_space<vmem>>
          %dma_wait3A_671 = tpu.memref_squeeze %dma_wait3A_670 : memref<1x1x64x256xf32, #tpu.memory_space<vmem>> -> memref<1x64x256xf32, #tpu.memory_space<vmem>>
          %dma_wait3A_672 = arith.constant 0 : i32
          %dma_wait3A_673 = arith.constant 0 : i32
          %dma_wait3A_674 = tpu.memref_slice %arg3[%mul3A_665, %dma_wait3A_672, %dma_wait3A_673] : memref<256x64x256xf32, #tpu.memory_space<hbm>> -> memref<1x64x256xf32, #tpu.memory_space<hbm>>
          %dma_wait3A_675 = tpu.memref_slice %run_scoped3A_17[%rem3A_667] : memref<2x!tpu.dma_semaphore, #tpu.memory_space<semaphore_mem>> -> memref<1x!tpu.dma_semaphore, #tpu.memory_space<semaphore_mem>>
          %dma_wait3A_676 = tpu.memref_squeeze %dma_wait3A_675 : memref<1x!tpu.dma_semaphore, #tpu.memory_space<semaphore_mem>> -> memref<!tpu.dma_semaphore, #tpu.memory_space<semaphore_mem>>
          %dma_wait3A_677 = arith.constant 0 : i32
          %dma_wait3A_678 = arith.constant 0 : i32
          %dma_wait3A_679 = arith.constant 0 : i32
          %dma_wait3A_680 = tpu.memref_slice %run_scoped3A_16[%rem3A_667, %dma_wait3A_677, %dma_wait3A_678, %dma_wait3A_679] : memref<2x1x64x256xf32, #tpu.memory_space<vmem>> -> memref<1x1x64x256xf32, #tpu.memory_space<vmem>>
          %dma_wait3A_681 = tpu.memref_squeeze %dma_wait3A_680 : memref<1x1x64x256xf32, #tpu.memory_space<vmem>> -> memref<1x64x256xf32, #tpu.memory_space<vmem>>
          %dma_wait3A_682 = arith.constant 0 : i32
          %dma_wait3A_683 = arith.constant 0 : i32
          %dma_wait3A_684 = tpu.memref_slice %arg3[%mul3A_665, %dma_wait3A_682, %dma_wait3A_683] : memref<256x64x256xf32, #tpu.memory_space<hbm>> -> memref<1x64x256xf32, #tpu.memory_space<hbm>>
          tpu.wait_dma2 semaphore(%dma_wait3A_676 : memref<!tpu.dma_semaphore, #tpu.memory_space<semaphore_mem>>) src(%dma_wait3A_684 : memref<1x64x256xf32, #tpu.memory_space<hbm>>) dst(%dma_wait3A_681 : memref<1x64x256xf32, #tpu.memory_space<vmem>>)
          "tpu.trace_stop"() : () -> ()
        } else {
        }
        %rem3A_238 = arith.constant 2 : i32
        %rem3A_239 = arith.remui %scan3A_147, %rem3A_238 : i32
        %rem3A_240 = arith.constant 2 : i32
        %rem3A_241 = arith.remui %scan3A_149, %rem3A_240 : i32
        %get3A = arith.constant 0 : i32
        %get3A_242 = arith.constant 0 : i32
        "tpu.trace_start"() <{level = 10 : i32, message = "ep_run_kernel"}> : () -> ()
        %get3A_243 = arith.constant 0 : i32
        %get3A_244 = arith.constant 0 : i32
        %get3A_245 = arith.constant 0 : i32
        %get3A_246 = tpu.memref_slice %run_scoped3A_14[%rem3A_239, %get3A_243, %get3A_244, %get3A_245] : memref<2x1x64x256xi32, #tpu.memory_space<vmem>> -> memref<1x1x64x256xi32, #tpu.memory_space<vmem>>
        %get3A_247 = tpu.memref_squeeze %get3A_246 : memref<1x1x64x256xi32, #tpu.memory_space<vmem>> -> memref<1x64x256xi32, #tpu.memory_space<vmem>>
        %get3A_248 = arith.index_cast %get3A : i32 to index
        %get3A_249 = arith.index_cast %get3A_242 : i32 to index
        %get3A_250 = arith.constant 0 : index
        %get3A_251 = tpu.vector_load %get3A_247[%get3A_248, %get3A_249, %get3A_250] {strides = array<i32>} : memref<1x64x256xi32, #tpu.memory_space<vmem>>, vector<16xi32>,
        %get3A_252 = arith.constant 0 : i32
        %get3A_253 = arith.constant 0 : i32
        %get3A_254 = arith.constant 0 : i32
        %get3A_255 = arith.constant 0 : i32
        %get3A_256 = arith.constant 0 : i32
        %get3A_257 = tpu.memref_slice %run_scoped3A_16[%rem3A_241, %get3A_254, %get3A_255, %get3A_256] : memref<2x1x64x256xf32, #tpu.memory_space<vmem>> -> memref<1x1x64x256xf32, #tpu.memory_space<vmem>>
        %get3A_258 = tpu.memref_squeeze %get3A_257 : memref<1x1x64x256xf32, #tpu.memory_space<vmem>> -> memref<1x64x256xf32, #tpu.memory_space<vmem>>
        %get3A_259 = arith.index_cast %get3A_252 : i32 to index
        %get3A_260 = arith.index_cast %get3A_253 : i32 to index
        %get3A_261 = arith.constant 0 : index
        %get3A_262 = tpu.vector_load %get3A_258[%get3A_259, %get3A_260, %get3A_261] {strides = array<i32>} : memref<1x64x256xf32, #tpu.memory_space<vmem>>, vector<16xf32>,
        %scan3A_263 = arith.constant 0 : i32
        %scan3A_264 = arith.constant 1016 : i32
        %scan3A_265 = arith.addi %scan3A_263, %scan3A_264 : i32
        %scan3A_266 = arith.constant 8 : i32
        %scan3A_267:2 = scf.for %scan3A_664 = %scan3A_263 to %scan3A_265 step %scan3A_266 iter_args(%scan3A_665 = %get3A_251, %scan3A_666 = %get3A_262) -> (vector<16xi32>, vector<16xf32>)  : i32 {
          %mul3A_667 = arith.constant 1 : i32
          %mul3A_668 = arith.muli %scan3A_664, %mul3A_667 : i32
          %add3A_669 = arith.constant 0 : i32
          %add3A_670 = arith.addi %add3A_669, %mul3A_668 : i32
          %add3A_671 = arith.constant 1 : i32
          %add3A_672 = arith.addi %add3A_670, %add3A_671 : i32
          %shift_right_arithmetic3A_673 = arith.constant 4 : i32
          %shift_right_arithmetic3A_674 = arith.shrsi %add3A_672, %shift_right_arithmetic3A_673 : i32
          %and3A_675 = arith.constant 15 : i32
          %and3A_676 = arith.andi %add3A_672, %and3A_675 : i32
          %mul3A_677 = arith.constant 16 : i32
          %mul3A_678 = arith.muli %and3A_676, %mul3A_677 : i32
          %get3A_679 = arith.constant 0 : i32
          %get3A_680 = arith.constant 0 : i32
          %get3A_681 = arith.constant 0 : i32
          %get3A_682 = arith.constant 0 : i32
          %get3A_683 = tpu.memref_slice %run_scoped3A_14[%rem3A_239, %get3A_680, %get3A_681, %get3A_682] : memref<2x1x64x256xi32, #tpu.memory_space<vmem>> -> memref<1x1x64x256xi32, #tpu.memory_space<vmem>>
          %get3A_684 = tpu.memref_squeeze %get3A_683 : memref<1x1x64x256xi32, #tpu.memory_space<vmem>> -> memref<1x64x256xi32, #tpu.memory_space<vmem>>
          %get3A_685 = arith.index_cast %get3A_679 : i32 to index
          %get3A_686 = arith.index_cast %shift_right_arithmetic3A_674 : i32 to index
          %get3A_687 = arith.index_cast %mul3A_678 : i32 to index
          %get3A_688 = tpu.vector_load %get3A_684[%get3A_685, %get3A_686, %get3A_687] {strides = array<i32>} : memref<1x64x256xi32, #tpu.memory_space<vmem>>, vector<16xi32>,
          %add3A_689 = arith.constant 1 : i32
          %add3A_690 = arith.addi %add3A_670, %add3A_689 : i32
          %shift_right_arithmetic3A_691 = arith.constant 4 : i32
          %shift_right_arithmetic3A_692 = arith.shrsi %add3A_690, %shift_right_arithmetic3A_691 : i32
          %and3A_693 = arith.constant 15 : i32
          %and3A_694 = arith.andi %add3A_690, %and3A_693 : i32
          %mul3A_695 = arith.constant 16 : i32
          %mul3A_696 = arith.muli %and3A_694, %mul3A_695 : i32
          %get3A_697 = arith.constant 0 : i32
          %get3A_698 = arith.constant 0 : i32
          %get3A_699 = arith.constant 0 : i32
          %get3A_700 = arith.constant 0 : i32
          %get3A_701 = tpu.memref_slice %run_scoped3A_16[%rem3A_241, %get3A_698, %get3A_699, %get3A_700] : memref<2x1x64x256xf32, #tpu.memory_space<vmem>> -> memref<1x1x64x256xf32, #tpu.memory_space<vmem>>
          %get3A_702 = tpu.memref_squeeze %get3A_701 : memref<1x1x64x256xf32, #tpu.memory_space<vmem>> -> memref<1x64x256xf32, #tpu.memory_space<vmem>>
          %get3A_703 = arith.index_cast %get3A_697 : i32 to index
          %get3A_704 = arith.index_cast %shift_right_arithmetic3A_692 : i32 to index
          %get3A_705 = arith.index_cast %mul3A_696 : i32 to index
          %get3A_706 = tpu.vector_load %get3A_702[%get3A_703, %get3A_704, %get3A_705] {strides = array<i32>} : memref<1x64x256xf32, #tpu.memory_space<vmem>>, vector<16xf32>,
          %add3A_707 = vector.broadcast %run_scoped3A : f32 to vector<16xf32>
          %add3A_708 = arith.addf %scan3A_666, %add3A_707 : vector<16xf32>
          tpu.vector_store_idx %arg5[%scan3A_665], %add3A_708 {add = true} : memref<2048xf32, #tpu.memory_space<vmem>>[vector<16xi32>], vector<16xf32>,
          %scan3A_709 = arith.constant 1 : i32
          %scan3A_710 = arith.addi %scan3A_664, %scan3A_709 : i32
          %mul3A_711 = arith.constant 1 : i32
          %mul3A_712 = arith.muli %scan3A_710, %mul3A_711 : i32
          %add3A_713 = arith.constant 0 : i32
          %add3A_714 = arith.addi %add3A_713, %mul3A_712 : i32
          %add3A_715 = arith.constant 1 : i32
          %add3A_716 = arith.addi %add3A_714, %add3A_715 : i32
          %shift_right_arithmetic3A_717 = arith.constant 4 : i32
          %shift_right_arithmetic3A_718 = arith.shrsi %add3A_716, %shift_right_arithmetic3A_717 : i32
          %and3A_719 = arith.constant 15 : i32
          %and3A_720 = arith.andi %add3A_716, %and3A_719 : i32
          %mul3A_721 = arith.constant 16 : i32
          %mul3A_722 = arith.muli %and3A_720, %mul3A_721 : i32
          %get3A_723 = arith.constant 0 : i32
          %get3A_724 = arith.constant 0 : i32
          %get3A_725 = arith.constant 0 : i32
          %get3A_726 = arith.constant 0 : i32
          %get3A_727 = tpu.memref_slice %run_scoped3A_14[%rem3A_239, %get3A_724, %get3A_725, %get3A_726] : memref<2x1x64x256xi32, #tpu.memory_space<vmem>> -> memref<1x1x64x256xi32, #tpu.memory_space<vmem>>
          %get3A_728 = tpu.memref_squeeze %get3A_727 : memref<1x1x64x256xi32, #tpu.memory_space<vmem>> -> memref<1x64x256xi32, #tpu.memory_space<vmem>>
          %get3A_729 = arith.index_cast %get3A_723 : i32 to index
          %get3A_730 = arith.index_cast %shift_right_arithmetic3A_718 : i32 to index
          %get3A_731 = arith.index_cast %mul3A_722 : i32 to index
          %get3A_732 = tpu.vector_load %get3A_728[%get3A_729, %get3A_730, %get3A_731] {strides = array<i32>} : memref<1x64x256xi32, #tpu.memory_space<vmem>>, vector<16xi32>,
          %add3A_733 = arith.constant 1 : i32
          %add3A_734 = arith.addi %add3A_714, %add3A_733 : i32
          %shift_right_arithmetic3A_735 = arith.constant 4 : i32
          %shift_right_arithmetic3A_736 = arith.shrsi %add3A_734, %shift_right_arithmetic3A_735 : i32
          %and3A_737 = arith.constant 15 : i32
          %and3A_738 = arith.andi %add3A_734, %and3A_737 : i32
          %mul3A_739 = arith.constant 16 : i32
          %mul3A_740 = arith.muli %and3A_738, %mul3A_739 : i32
          %get3A_741 = arith.constant 0 : i32
          %get3A_742 = arith.constant 0 : i32
          %get3A_743 = arith.constant 0 : i32
          %get3A_744 = arith.constant 0 : i32
          %get3A_745 = tpu.memref_slice %run_scoped3A_16[%rem3A_241, %get3A_742, %get3A_743, %get3A_744] : memref<2x1x64x256xf32, #tpu.memory_space<vmem>> -> memref<1x1x64x256xf32, #tpu.memory_space<vmem>>
          %get3A_746 = tpu.memref_squeeze %get3A_745 : memref<1x1x64x256xf32, #tpu.memory_space<vmem>> -> memref<1x64x256xf32, #tpu.memory_space<vmem>>
          %get3A_747 = arith.index_cast %get3A_741 : i32 to index
          %get3A_748 = arith.index_cast %shift_right_arithmetic3A_736 : i32 to index
          %get3A_749 = arith.index_cast %mul3A_740 : i32 to index
          %get3A_750 = tpu.vector_load %get3A_746[%get3A_747, %get3A_748, %get3A_749] {strides = array<i32>} : memref<1x64x256xf32, #tpu.memory_space<vmem>>, vector<16xf32>,
          %add3A_751 = vector.broadcast %run_scoped3A : f32 to vector<16xf32>
          %add3A_752 = arith.addf %get3A_706, %add3A_751 : vector<16xf32>
          tpu.vector_store_idx %arg5[%get3A_688], %add3A_752 {add = true} : memref<2048xf32, #tpu.memory_space<vmem>>[vector<16xi32>], vector<16xf32>,
          %scan3A_753 = arith.constant 2 : i32
          %scan3A_754 = arith.addi %scan3A_664, %scan3A_753 : i32
          %mul3A_755 = arith.constant 1 : i32
          %mul3A_756 = arith.muli %scan3A_754, %mul3A_755 : i32
          %add3A_757 = arith.constant 0 : i32
          %add3A_758 = arith.addi %add3A_757, %mul3A_756 : i32
          %add3A_759 = arith.constant 1 : i32
          %add3A_760 = arith.addi %add3A_758, %add3A_759 : i32
          %shift_right_arithmetic3A_761 = arith.constant 4 : i32
          %shift_right_arithmetic3A_762 = arith.shrsi %add3A_760, %shift_right_arithmetic3A_761 : i32
          %and3A_763 = arith.constant 15 : i32
          %and3A_764 = arith.andi %add3A_760, %and3A_763 : i32
          %mul3A_765 = arith.constant 16 : i32
          %mul3A_766 = arith.muli %and3A_764, %mul3A_765 : i32
          %get3A_767 = arith.constant 0 : i32
          %get3A_768 = arith.constant 0 : i32
          %get3A_769 = arith.constant 0 : i32
          %get3A_770 = arith.constant 0 : i32
          %get3A_771 = tpu.memref_slice %run_scoped3A_14[%rem3A_239, %get3A_768, %get3A_769, %get3A_770] : memref<2x1x64x256xi32, #tpu.memory_space<vmem>> -> memref<1x1x64x256xi32, #tpu.memory_space<vmem>>
          %get3A_772 = tpu.memref_squeeze %get3A_771 : memref<1x1x64x256xi32, #tpu.memory_space<vmem>> -> memref<1x64x256xi32, #tpu.memory_space<vmem>>
          %get3A_773 = arith.index_cast %get3A_767 : i32 to index
          %get3A_774 = arith.index_cast %shift_right_arithmetic3A_762 : i32 to index
          %get3A_775 = arith.index_cast %mul3A_766 : i32 to index
          %get3A_776 = tpu.vector_load %get3A_772[%get3A_773, %get3A_774, %get3A_775] {strides = array<i32>} : memref<1x64x256xi32, #tpu.memory_space<vmem>>, vector<16xi32>,
          %add3A_777 = arith.constant 1 : i32
          %add3A_778 = arith.addi %add3A_758, %add3A_777 : i32
          %shift_right_arithmetic3A_779 = arith.constant 4 : i32
          %shift_right_arithmetic3A_780 = arith.shrsi %add3A_778, %shift_right_arithmetic3A_779 : i32
          %and3A_781 = arith.constant 15 : i32
          %and3A_782 = arith.andi %add3A_778, %and3A_781 : i32
          %mul3A_783 = arith.constant 16 : i32
          %mul3A_784 = arith.muli %and3A_782, %mul3A_783 : i32
          %get3A_785 = arith.constant 0 : i32
          %get3A_786 = arith.constant 0 : i32
          %get3A_787 = arith.constant 0 : i32
          %get3A_788 = arith.constant 0 : i32
          %get3A_789 = tpu.memref_slice %run_scoped3A_16[%rem3A_241, %get3A_786, %get3A_787, %get3A_788] : memref<2x1x64x256xf32, #tpu.memory_space<vmem>> -> memref<1x1x64x256xf32, #tpu.memory_space<vmem>>
          %get3A_790 = tpu.memref_squeeze %get3A_789 : memref<1x1x64x256xf32, #tpu.memory_space<vmem>> -> memref<1x64x256xf32, #tpu.memory_space<vmem>>
          %get3A_791 = arith.index_cast %get3A_785 : i32 to index
          %get3A_792 = arith.index_cast %shift_right_arithmetic3A_780 : i32 to index
          %get3A_793 = arith.index_cast %mul3A_784 : i32 to index
          %get3A_794 = tpu.vector_load %get3A_790[%get3A_791, %get3A_792, %get3A_793] {strides = array<i32>} : memref<1x64x256xf32, #tpu.memory_space<vmem>>, vector<16xf32>,
          %add3A_795 = vector.broadcast %run_scoped3A : f32 to vector<16xf32>
          %add3A_796 = arith.addf %get3A_750, %add3A_795 : vector<16xf32>
          tpu.vector_store_idx %arg5[%get3A_732], %add3A_796 {add = true} : memref<2048xf32, #tpu.memory_space<vmem>>[vector<16xi32>], vector<16xf32>,
          %scan3A_797 = arith.constant 3 : i32
          %scan3A_798 = arith.addi %scan3A_664, %scan3A_797 : i32
          %mul3A_799 = arith.constant 1 : i32
          %mul3A_800 = arith.muli %scan3A_798, %mul3A_799 : i32
          %add3A_801 = arith.constant 0 : i32
          %add3A_802 = arith.addi %add3A_801, %mul3A_800 : i32
          %add3A_803 = arith.constant 1 : i32
          %add3A_804 = arith.addi %add3A_802, %add3A_803 : i32
          %shift_right_arithmetic3A_805 = arith.constant 4 : i32
          %shift_right_arithmetic3A_806 = arith.shrsi %add3A_804, %shift_right_arithmetic3A_805 : i32
          %and3A_807 = arith.constant 15 : i32
          %and3A_808 = arith.andi %add3A_804, %and3A_807 : i32
          %mul3A_809 = arith.constant 16 : i32
          %mul3A_810 = arith.muli %and3A_808, %mul3A_809 : i32
          %get3A_811 = arith.constant 0 : i32
          %get3A_812 = arith.constant 0 : i32
          %get3A_813 = arith.constant 0 : i32
          %get3A_814 = arith.constant 0 : i32
          %get3A_815 = tpu.memref_slice %run_scoped3A_14[%rem3A_239, %get3A_812, %get3A_813, %get3A_814] : memref<2x1x64x256xi32, #tpu.memory_space<vmem>> -> memref<1x1x64x256xi32, #tpu.memory_space<vmem>>
          %get3A_816 = tpu.memref_squeeze %get3A_815 : memref<1x1x64x256xi32, #tpu.memory_space<vmem>> -> memref<1x64x256xi32, #tpu.memory_space<vmem>>
          %get3A_817 = arith.index_cast %get3A_811 : i32 to index
          %get3A_818 = arith.index_cast %shift_right_arithmetic3A_806 : i32 to index
          %get3A_819 = arith.index_cast %mul3A_810 : i32 to index
          %get3A_820 = tpu.vector_load %get3A_816[%get3A_817, %get3A_818, %get3A_819] {strides = array<i32>} : memref<1x64x256xi32, #tpu.memory_space<vmem>>, vector<16xi32>,
          %add3A_821 = arith.constant 1 : i32
          %add3A_822 = arith.addi %add3A_802, %add3A_821 : i32
          %shift_right_arithmetic3A_823 = arith.constant 4 : i32
          %shift_right_arithmetic3A_824 = arith.shrsi %add3A_822, %shift_right_arithmetic3A_823 : i32
          %and3A_825 = arith.constant 15 : i32
          %and3A_826 = arith.andi %add3A_822, %and3A_825 : i32
          %mul3A_827 = arith.constant 16 : i32
          %mul3A_828 = arith.muli %and3A_826, %mul3A_827 : i32
          %get3A_829 = arith.constant 0 : i32
          %get3A_830 = arith.constant 0 : i32
          %get3A_831 = arith.constant 0 : i32
          %get3A_832 = arith.constant 0 : i32
          %get3A_833 = tpu.memref_slice %run_scoped3A_16[%rem3A_241, %get3A_830, %get3A_831, %get3A_832] : memref<2x1x64x256xf32, #tpu.memory_space<vmem>> -> memref<1x1x64x256xf32, #tpu.memory_space<vmem>>
          %get3A_834 = tpu.memref_squeeze %get3A_833 : memref<1x1x64x256xf32, #tpu.memory_space<vmem>> -> memref<1x64x256xf32, #tpu.memory_space<vmem>>
          %get3A_835 = arith.index_cast %get3A_829 : i32 to index
          %get3A_836 = arith.index_cast %shift_right_arithmetic3A_824 : i32 to index
          %get3A_837 = arith.index_cast %mul3A_828 : i32 to index
          %get3A_838 = tpu.vector_load %get3A_834[%get3A_835, %get3A_836, %get3A_837] {strides = array<i32>} : memref<1x64x256xf32, #tpu.memory_space<vmem>>, vector<16xf32>,
          %add3A_839 = vector.broadcast %run_scoped3A : f32 to vector<16xf32>
          %add3A_840 = arith.addf %get3A_794, %add3A_839 : vector<16xf32>
          tpu.vector_store_idx %arg5[%get3A_776], %add3A_840 {add = true} : memref<2048xf32, #tpu.memory_space<vmem>>[vector<16xi32>], vector<16xf32>,
          %scan3A_841 = arith.constant 4 : i32
          %scan3A_842 = arith.addi %scan3A_664, %scan3A_841 : i32
          %mul3A_843 = arith.constant 1 : i32
          %mul3A_844 = arith.muli %scan3A_842, %mul3A_843 : i32
          %add3A_845 = arith.constant 0 : i32
          %add3A_846 = arith.addi %add3A_845, %mul3A_844 : i32
          %add3A_847 = arith.constant 1 : i32
          %add3A_848 = arith.addi %add3A_846, %add3A_847 : i32
          %shift_right_arithmetic3A_849 = arith.constant 4 : i32
          %shift_right_arithmetic3A_850 = arith.shrsi %add3A_848, %shift_right_arithmetic3A_849 : i32
          %and3A_851 = arith.constant 15 : i32
          %and3A_852 = arith.andi %add3A_848, %and3A_851 : i32
          %mul3A_853 = arith.constant 16 : i32
          %mul3A_854 = arith.muli %and3A_852, %mul3A_853 : i32
          %get3A_855 = arith.constant 0 : i32
          %get3A_856 = arith.constant 0 : i32
          %get3A_857 = arith.constant 0 : i32
          %get3A_858 = arith.constant 0 : i32
          %get3A_859 = tpu.memref_slice %run_scoped3A_14[%rem3A_239, %get3A_856, %get3A_857, %get3A_858] : memref<2x1x64x256xi32, #tpu.memory_space<vmem>> -> memref<1x1x64x256xi32, #tpu.memory_space<vmem>>
          %get3A_860 = tpu.memref_squeeze %get3A_859 : memref<1x1x64x256xi32, #tpu.memory_space<vmem>> -> memref<1x64x256xi32, #tpu.memory_space<vmem>>
          %get3A_861 = arith.index_cast %get3A_855 : i32 to index
          %get3A_862 = arith.index_cast %shift_right_arithmetic3A_850 : i32 to index
          %get3A_863 = arith.index_cast %mul3A_854 : i32 to index
          %get3A_864 = tpu.vector_load %get3A_860[%get3A_861, %get3A_862, %get3A_863] {strides = array<i32>} : memref<1x64x256xi32, #tpu.memory_space<vmem>>, vector<16xi32>,
          %add3A_865 = arith.constant 1 : i32
          %add3A_866 = arith.addi %add3A_846, %add3A_865 : i32
          %shift_right_arithmetic3A_867 = arith.constant 4 : i32
          %shift_right_arithmetic3A_868 = arith.shrsi %add3A_866, %shift_right_arithmetic3A_867 : i32
          %and3A_869 = arith.constant 15 : i32
          %and3A_870 = arith.andi %add3A_866, %and3A_869 : i32
          %mul3A_871 = arith.constant 16 : i32
          %mul3A_872 = arith.muli %and3A_870, %mul3A_871 : i32
          %get3A_873 = arith.constant 0 : i32
          %get3A_874 = arith.constant 0 : i32
          %get3A_875 = arith.constant 0 : i32
          %get3A_876 = arith.constant 0 : i32
          %get3A_877 = tpu.memref_slice %run_scoped3A_16[%rem3A_241, %get3A_874, %get3A_875, %get3A_876] : memref<2x1x64x256xf32, #tpu.memory_space<vmem>> -> memref<1x1x64x256xf32, #tpu.memory_space<vmem>>
          %get3A_878 = tpu.memref_squeeze %get3A_877 : memref<1x1x64x256xf32, #tpu.memory_space<vmem>> -> memref<1x64x256xf32, #tpu.memory_space<vmem>>
          %get3A_879 = arith.index_cast %get3A_873 : i32 to index
          %get3A_880 = arith.index_cast %shift_right_arithmetic3A_868 : i32 to index
          %get3A_881 = arith.index_cast %mul3A_872 : i32 to index
          %get3A_882 = tpu.vector_load %get3A_878[%get3A_879, %get3A_880, %get3A_881] {strides = array<i32>} : memref<1x64x256xf32, #tpu.memory_space<vmem>>, vector<16xf32>,
          %add3A_883 = vector.broadcast %run_scoped3A : f32 to vector<16xf32>
          %add3A_884 = arith.addf %get3A_838, %add3A_883 : vector<16xf32>
          tpu.vector_store_idx %arg5[%get3A_820], %add3A_884 {add = true} : memref<2048xf32, #tpu.memory_space<vmem>>[vector<16xi32>], vector<16xf32>,
          %scan3A_885 = arith.constant 5 : i32
          %scan3A_886 = arith.addi %scan3A_664, %scan3A_885 : i32
          %mul3A_887 = arith.constant 1 : i32
          %mul3A_888 = arith.muli %scan3A_886, %mul3A_887 : i32
          %add3A_889 = arith.constant 0 : i32
          %add3A_890 = arith.addi %add3A_889, %mul3A_888 : i32
          %add3A_891 = arith.constant 1 : i32
          %add3A_892 = arith.addi %add3A_890, %add3A_891 : i32
          %shift_right_arithmetic3A_893 = arith.constant 4 : i32
          %shift_right_arithmetic3A_894 = arith.shrsi %add3A_892, %shift_right_arithmetic3A_893 : i32
          %and3A_895 = arith.constant 15 : i32
          %and3A_896 = arith.andi %add3A_892, %and3A_895 : i32
          %mul3A_897 = arith.constant 16 : i32
          %mul3A_898 = arith.muli %and3A_896, %mul3A_897 : i32
          %get3A_899 = arith.constant 0 : i32
          %get3A_900 = arith.constant 0 : i32
          %get3A_901 = arith.constant 0 : i32
          %get3A_902 = arith.constant 0 : i32
          %get3A_903 = tpu.memref_slice %run_scoped3A_14[%rem3A_239, %get3A_900, %get3A_901, %get3A_902] : memref<2x1x64x256xi32, #tpu.memory_space<vmem>> -> memref<1x1x64x256xi32, #tpu.memory_space<vmem>>
          %get3A_904 = tpu.memref_squeeze %get3A_903 : memref<1x1x64x256xi32, #tpu.memory_space<vmem>> -> memref<1x64x256xi32, #tpu.memory_space<vmem>>
          %get3A_905 = arith.index_cast %get3A_899 : i32 to index
          %get3A_906 = arith.index_cast %shift_right_arithmetic3A_894 : i32 to index
          %get3A_907 = arith.index_cast %mul3A_898 : i32 to index
          %get3A_908 = tpu.vector_load %get3A_904[%get3A_905, %get3A_906, %get3A_907] {strides = array<i32>} : memref<1x64x256xi32, #tpu.memory_space<vmem>>, vector<16xi32>,
          %add3A_909 = arith.constant 1 : i32
          %add3A_910 = arith.addi %add3A_890, %add3A_909 : i32
          %shift_right_arithmetic3A_911 = arith.constant 4 : i32
          %shift_right_arithmetic3A_912 = arith.shrsi %add3A_910, %shift_right_arithmetic3A_911 : i32
          %and3A_913 = arith.constant 15 : i32
          %and3A_914 = arith.andi %add3A_910, %and3A_913 : i32
          %mul3A_915 = arith.constant 16 : i32
          %mul3A_916 = arith.muli %and3A_914, %mul3A_915 : i32
          %get3A_917 = arith.constant 0 : i32
          %get3A_918 = arith.constant 0 : i32
          %get3A_919 = arith.constant 0 : i32
          %get3A_920 = arith.constant 0 : i32
          %get3A_921 = tpu.memref_slice %run_scoped3A_16[%rem3A_241, %get3A_918, %get3A_919, %get3A_920] : memref<2x1x64x256xf32, #tpu.memory_space<vmem>> -> memref<1x1x64x256xf32, #tpu.memory_space<vmem>>
          %get3A_922 = tpu.memref_squeeze %get3A_921 : memref<1x1x64x256xf32, #tpu.memory_space<vmem>> -> memref<1x64x256xf32, #tpu.memory_space<vmem>>
          %get3A_923 = arith.index_cast %get3A_917 : i32 to index
          %get3A_924 = arith.index_cast %shift_right_arithmetic3A_912 : i32 to index
          %get3A_925 = arith.index_cast %mul3A_916 : i32 to index
          %get3A_926 = tpu.vector_load %get3A_922[%get3A_923, %get3A_924, %get3A_925] {strides = array<i32>} : memref<1x64x256xf32, #tpu.memory_space<vmem>>, vector<16xf32>,
          %add3A_927 = vector.broadcast %run_scoped3A : f32 to vector<16xf32>
          %add3A_928 = arith.addf %get3A_882, %add3A_927 : vector<16xf32>
          tpu.vector_store_idx %arg5[%get3A_864], %add3A_928 {add = true} : memref<2048xf32, #tpu.memory_space<vmem>>[vector<16xi32>], vector<16xf32>,
          %scan3A_929 = arith.constant 6 : i32
          %scan3A_930 = arith.addi %scan3A_664, %scan3A_929 : i32
          %mul3A_931 = arith.constant 1 : i32
          %mul3A_932 = arith.muli %scan3A_930, %mul3A_931 : i32
          %add3A_933 = arith.constant 0 : i32
          %add3A_934 = arith.addi %add3A_933, %mul3A_932 : i32
          %add3A_935 = arith.constant 1 : i32
          %add3A_936 = arith.addi %add3A_934, %add3A_935 : i32
          %shift_right_arithmetic3A_937 = arith.constant 4 : i32
          %shift_right_arithmetic3A_938 = arith.shrsi %add3A_936, %shift_right_arithmetic3A_937 : i32
          %and3A_939 = arith.constant 15 : i32
          %and3A_940 = arith.andi %add3A_936, %and3A_939 : i32
          %mul3A_941 = arith.constant 16 : i32
          %mul3A_942 = arith.muli %and3A_940, %mul3A_941 : i32
          %get3A_943 = arith.constant 0 : i32
          %get3A_944 = arith.constant 0 : i32
          %get3A_945 = arith.constant 0 : i32
          %get3A_946 = arith.constant 0 : i32
          %get3A_947 = tpu.memref_slice %run_scoped3A_14[%rem3A_239, %get3A_944, %get3A_945, %get3A_946] : memref<2x1x64x256xi32, #tpu.memory_space<vmem>> -> memref<1x1x64x256xi32, #tpu.memory_space<vmem>>
          %get3A_948 = tpu.memref_squeeze %get3A_947 : memref<1x1x64x256xi32, #tpu.memory_space<vmem>> -> memref<1x64x256xi32, #tpu.memory_space<vmem>>
          %get3A_949 = arith.index_cast %get3A_943 : i32 to index
          %get3A_950 = arith.index_cast %shift_right_arithmetic3A_938 : i32 to index
          %get3A_951 = arith.index_cast %mul3A_942 : i32 to index
          %get3A_952 = tpu.vector_load %get3A_948[%get3A_949, %get3A_950, %get3A_951] {strides = array<i32>} : memref<1x64x256xi32, #tpu.memory_space<vmem>>, vector<16xi32>,
          %add3A_953 = arith.constant 1 : i32
          %add3A_954 = arith.addi %add3A_934, %add3A_953 : i32
          %shift_right_arithmetic3A_955 = arith.constant 4 : i32
          %shift_right_arithmetic3A_956 = arith.shrsi %add3A_954, %shift_right_arithmetic3A_955 : i32
          %and3A_957 = arith.constant 15 : i32
          %and3A_958 = arith.andi %add3A_954, %and3A_957 : i32
          %mul3A_959 = arith.constant 16 : i32
          %mul3A_960 = arith.muli %and3A_958, %mul3A_959 : i32
          %get3A_961 = arith.constant 0 : i32
          %get3A_962 = arith.constant 0 : i32
          %get3A_963 = arith.constant 0 : i32
          %get3A_964 = arith.constant 0 : i32
          %get3A_965 = tpu.memref_slice %run_scoped3A_16[%rem3A_241, %get3A_962, %get3A_963, %get3A_964] : memref<2x1x64x256xf32, #tpu.memory_space<vmem>> -> memref<1x1x64x256xf32, #tpu.memory_space<vmem>>
          %get3A_966 = tpu.memref_squeeze %get3A_965 : memref<1x1x64x256xf32, #tpu.memory_space<vmem>> -> memref<1x64x256xf32, #tpu.memory_space<vmem>>
          %get3A_967 = arith.index_cast %get3A_961 : i32 to index
          %get3A_968 = arith.index_cast %shift_right_arithmetic3A_956 : i32 to index
          %get3A_969 = arith.index_cast %mul3A_960 : i32 to index
          %get3A_970 = tpu.vector_load %get3A_966[%get3A_967, %get3A_968, %get3A_969] {strides = array<i32>} : memref<1x64x256xf32, #tpu.memory_space<vmem>>, vector<16xf32>,
          %add3A_971 = vector.broadcast %run_scoped3A : f32 to vector<16xf32>
          %add3A_972 = arith.addf %get3A_926, %add3A_971 : vector<16xf32>
          tpu.vector_store_idx %arg5[%get3A_908], %add3A_972 {add = true} : memref<2048xf32, #tpu.memory_space<vmem>>[vector<16xi32>], vector<16xf32>,
          %scan3A_973 = arith.constant 7 : i32
          %scan3A_974 = arith.addi %scan3A_664, %scan3A_973 : i32
          %mul3A_975 = arith.constant 1 : i32
          %mul3A_976 = arith.muli %scan3A_974, %mul3A_975 : i32
          %add3A_977 = arith.constant 0 : i32
          %add3A_978 = arith.addi %add3A_977, %mul3A_976 : i32
          %add3A_979 = arith.constant 1 : i32
          %add3A_980 = arith.addi %add3A_978, %add3A_979 : i32
          %shift_right_arithmetic3A_981 = arith.constant 4 : i32
          %shift_right_arithmetic3A_982 = arith.shrsi %add3A_980, %shift_right_arithmetic3A_981 : i32
          %and3A_983 = arith.constant 15 : i32
          %and3A_984 = arith.andi %add3A_980, %and3A_983 : i32
          %mul3A_985 = arith.constant 16 : i32
          %mul3A_986 = arith.muli %and3A_984, %mul3A_985 : i32
          %get3A_987 = arith.constant 0 : i32
          %get3A_988 = arith.constant 0 : i32
          %get3A_989 = arith.constant 0 : i32
          %get3A_990 = arith.constant 0 : i32
          %get3A_991 = tpu.memref_slice %run_scoped3A_14[%rem3A_239, %get3A_988, %get3A_989, %get3A_990] : memref<2x1x64x256xi32, #tpu.memory_space<vmem>> -> memref<1x1x64x256xi32, #tpu.memory_space<vmem>>
          %get3A_992 = tpu.memref_squeeze %get3A_991 : memref<1x1x64x256xi32, #tpu.memory_space<vmem>> -> memref<1x64x256xi32, #tpu.memory_space<vmem>>
          %get3A_993 = arith.index_cast %get3A_987 : i32 to index
          %get3A_994 = arith.index_cast %shift_right_arithmetic3A_982 : i32 to index
          %get3A_995 = arith.index_cast %mul3A_986 : i32 to index
          %get3A_996 = tpu.vector_load %get3A_992[%get3A_993, %get3A_994, %get3A_995] {strides = array<i32>} : memref<1x64x256xi32, #tpu.memory_space<vmem>>, vector<16xi32>,
          %add3A_997 = arith.constant 1 : i32
          %add3A_998 = arith.addi %add3A_978, %add3A_997 : i32
          %shift_right_arithmetic3A_999 = arith.constant 4 : i32
          %shift_right_arithmetic3A_1000 = arith.shrsi %add3A_998, %shift_right_arithmetic3A_999 : i32
          %and3A_1001 = arith.constant 15 : i32
          %and3A_1002 = arith.andi %add3A_998, %and3A_1001 : i32
          %mul3A_1003 = arith.constant 16 : i32
          %mul3A_1004 = arith.muli %and3A_1002, %mul3A_1003 : i32
          %get3A_1005 = arith.constant 0 : i32
          %get3A_1006 = arith.constant 0 : i32
          %get3A_1007 = arith.constant 0 : i32
          %get3A_1008 = arith.constant 0 : i32
          %get3A_1009 = tpu.memref_slice %run_scoped3A_16[%rem3A_241, %get3A_1006, %get3A_1007, %get3A_1008] : memref<2x1x64x256xf32, #tpu.memory_space<vmem>> -> memref<1x1x64x256xf32, #tpu.memory_space<vmem>>
          %get3A_1010 = tpu.memref_squeeze %get3A_1009 : memref<1x1x64x256xf32, #tpu.memory_space<vmem>> -> memref<1x64x256xf32, #tpu.memory_space<vmem>>
          %get3A_1011 = arith.index_cast %get3A_1005 : i32 to index
          %get3A_1012 = arith.index_cast %shift_right_arithmetic3A_1000 : i32 to index
          %get3A_1013 = arith.index_cast %mul3A_1004 : i32 to index
          %get3A_1014 = tpu.vector_load %get3A_1010[%get3A_1011, %get3A_1012, %get3A_1013] {strides = array<i32>} : memref<1x64x256xf32, #tpu.memory_space<vmem>>, vector<16xf32>,
          %add3A_1015 = vector.broadcast %run_scoped3A : f32 to vector<16xf32>
          %add3A_1016 = arith.addf %get3A_970, %add3A_1015 : vector<16xf32>
          tpu.vector_store_idx %arg5[%get3A_952], %add3A_1016 {add = true} : memref<2048xf32, #tpu.memory_space<vmem>>[vector<16xi32>], vector<16xf32>,
          scf.yield %get3A_996, %get3A_1014 : vector<16xi32>, vector<16xf32>
        }
        %scan3A_268 = arith.constant 1016 : i32
        %scan3A_269 = arith.addi %scan3A_263, %scan3A_268 : i32
        %mul3A_270 = arith.constant 1 : i32
        %mul3A_271 = arith.muli %scan3A_269, %mul3A_270 : i32
        %add3A_272 = arith.constant 0 : i32
        %add3A_273 = arith.addi %add3A_272, %mul3A_271 : i32
        %add3A_274 = arith.constant 1 : i32
        %add3A_275 = arith.addi %add3A_273, %add3A_274 : i32
        %shift_right_arithmetic3A = arith.constant 4 : i32
        %shift_right_arithmetic3A_276 = arith.shrsi %add3A_275, %shift_right_arithmetic3A : i32
        %and3A_277 = arith.constant 15 : i32
        %and3A_278 = arith.andi %add3A_275, %and3A_277 : i32
        %mul3A_279 = arith.constant 16 : i32
        %mul3A_280 = arith.muli %and3A_278, %mul3A_279 : i32
        %get3A_281 = arith.constant 0 : i32
        %get3A_282 = arith.constant 0 : i32
        %get3A_283 = arith.constant 0 : i32
        %get3A_284 = arith.constant 0 : i32
        %get3A_285 = tpu.memref_slice %run_scoped3A_14[%rem3A_239, %get3A_282, %get3A_283, %get3A_284] : memref<2x1x64x256xi32, #tpu.memory_space<vmem>> -> memref<1x1x64x256xi32, #tpu.memory_space<vmem>>
        %get3A_286 = tpu.memref_squeeze %get3A_285 : memref<1x1x64x256xi32, #tpu.memory_space<vmem>> -> memref<1x64x256xi32, #tpu.memory_space<vmem>>
        %get3A_287 = arith.index_cast %get3A_281 : i32 to index
        %get3A_288 = arith.index_cast %shift_right_arithmetic3A_276 : i32 to index
        %get3A_289 = arith.index_cast %mul3A_280 : i32 to index
        %get3A_290 = tpu.vector_load %get3A_286[%get3A_287, %get3A_288, %get3A_289] {strides = array<i32>} : memref<1x64x256xi32, #tpu.memory_space<vmem>>, vector<16xi32>,
        %add3A_291 = arith.constant 1 : i32
        %add3A_292 = arith.addi %add3A_273, %add3A_291 : i32
        %shift_right_arithmetic3A_293 = arith.constant 4 : i32
        %shift_right_arithmetic3A_294 = arith.shrsi %add3A_292, %shift_right_arithmetic3A_293 : i32
        %and3A_295 = arith.constant 15 : i32
        %and3A_296 = arith.andi %add3A_292, %and3A_295 : i32
        %mul3A_297 = arith.constant 16 : i32
        %mul3A_298 = arith.muli %and3A_296, %mul3A_297 : i32
        %get3A_299 = arith.constant 0 : i32
        %get3A_300 = arith.constant 0 : i32
        %get3A_301 = arith.constant 0 : i32
        %get3A_302 = arith.constant 0 : i32
        %get3A_303 = tpu.memref_slice %run_scoped3A_16[%rem3A_241, %get3A_300, %get3A_301, %get3A_302] : memref<2x1x64x256xf32, #tpu.memory_space<vmem>> -> memref<1x1x64x256xf32, #tpu.memory_space<vmem>>
        %get3A_304 = tpu.memref_squeeze %get3A_303 : memref<1x1x64x256xf32, #tpu.memory_space<vmem>> -> memref<1x64x256xf32, #tpu.memory_space<vmem>>
        %get3A_305 = arith.index_cast %get3A_299 : i32 to index
        %get3A_306 = arith.index_cast %shift_right_arithmetic3A_294 : i32 to index
        %get3A_307 = arith.index_cast %mul3A_298 : i32 to index
        %get3A_308 = tpu.vector_load %get3A_304[%get3A_305, %get3A_306, %get3A_307] {strides = array<i32>} : memref<1x64x256xf32, #tpu.memory_space<vmem>>, vector<16xf32>,
        %add3A_309 = vector.broadcast %run_scoped3A : f32 to vector<16xf32>
        %add3A_310 = arith.addf %scan3A_267#1, %add3A_309 : vector<16xf32>
        tpu.vector_store_idx %arg5[%scan3A_267#0], %add3A_310 {add = true} : memref<2048xf32, #tpu.memory_space<vmem>>[vector<16xi32>], vector<16xf32>,
        %scan3A_311 = arith.constant 1017 : i32
        %scan3A_312 = arith.addi %scan3A_263, %scan3A_311 : i32
        %mul3A_313 = arith.constant 1 : i32
        %mul3A_314 = arith.muli %scan3A_312, %mul3A_313 : i32
        %add3A_315 = arith.constant 0 : i32
        %add3A_316 = arith.addi %add3A_315, %mul3A_314 : i32
        %add3A_317 = arith.constant 1 : i32
        %add3A_318 = arith.addi %add3A_316, %add3A_317 : i32
        %shift_right_arithmetic3A_319 = arith.constant 4 : i32
        %shift_right_arithmetic3A_320 = arith.shrsi %add3A_318, %shift_right_arithmetic3A_319 : i32
        %and3A_321 = arith.constant 15 : i32
        %and3A_322 = arith.andi %add3A_318, %and3A_321 : i32
        %mul3A_323 = arith.constant 16 : i32
        %mul3A_324 = arith.muli %and3A_322, %mul3A_323 : i32
        %get3A_325 = arith.constant 0 : i32
        %get3A_326 = arith.constant 0 : i32
        %get3A_327 = arith.constant 0 : i32
        %get3A_328 = arith.constant 0 : i32
        %get3A_329 = tpu.memref_slice %run_scoped3A_14[%rem3A_239, %get3A_326, %get3A_327, %get3A_328] : memref<2x1x64x256xi32, #tpu.memory_space<vmem>> -> memref<1x1x64x256xi32, #tpu.memory_space<vmem>>
        %get3A_330 = tpu.memref_squeeze %get3A_329 : memref<1x1x64x256xi32, #tpu.memory_space<vmem>> -> memref<1x64x256xi32, #tpu.memory_space<vmem>>
        %get3A_331 = arith.index_cast %get3A_325 : i32 to index
        %get3A_332 = arith.index_cast %shift_right_arithmetic3A_320 : i32 to index
        %get3A_333 = arith.index_cast %mul3A_324 : i32 to index
        %get3A_334 = tpu.vector_load %get3A_330[%get3A_331, %get3A_332, %get3A_333] {strides = array<i32>} : memref<1x64x256xi32, #tpu.memory_space<vmem>>, vector<16xi32>,
        %add3A_335 = arith.constant 1 : i32
        %add3A_336 = arith.addi %add3A_316, %add3A_335 : i32
        %shift_right_arithmetic3A_337 = arith.constant 4 : i32
        %shift_right_arithmetic3A_338 = arith.shrsi %add3A_336, %shift_right_arithmetic3A_337 : i32
        %and3A_339 = arith.constant 15 : i32
        %and3A_340 = arith.andi %add3A_336, %and3A_339 : i32
        %mul3A_341 = arith.constant 16 : i32
        %mul3A_342 = arith.muli %and3A_340, %mul3A_341 : i32
        %get3A_343 = arith.constant 0 : i32
        %get3A_344 = arith.constant 0 : i32
        %get3A_345 = arith.constant 0 : i32
        %get3A_346 = arith.constant 0 : i32
        %get3A_347 = tpu.memref_slice %run_scoped3A_16[%rem3A_241, %get3A_344, %get3A_345, %get3A_346] : memref<2x1x64x256xf32, #tpu.memory_space<vmem>> -> memref<1x1x64x256xf32, #tpu.memory_space<vmem>>
        %get3A_348 = tpu.memref_squeeze %get3A_347 : memref<1x1x64x256xf32, #tpu.memory_space<vmem>> -> memref<1x64x256xf32, #tpu.memory_space<vmem>>
        %get3A_349 = arith.index_cast %get3A_343 : i32 to index
        %get3A_350 = arith.index_cast %shift_right_arithmetic3A_338 : i32 to index
        %get3A_351 = arith.index_cast %mul3A_342 : i32 to index
        %get3A_352 = tpu.vector_load %get3A_348[%get3A_349, %get3A_350, %get3A_351] {strides = array<i32>} : memref<1x64x256xf32, #tpu.memory_space<vmem>>, vector<16xf32>,
        %add3A_353 = vector.broadcast %run_scoped3A : f32 to vector<16xf32>
        %add3A_354 = arith.addf %get3A_308, %add3A_353 : vector<16xf32>
        tpu.vector_store_idx %arg5[%get3A_290], %add3A_354 {add = true} : memref<2048xf32, #tpu.memory_space<vmem>>[vector<16xi32>], vector<16xf32>,
        %scan3A_355 = arith.constant 1018 : i32
        %scan3A_356 = arith.addi %scan3A_263, %scan3A_355 : i32
        %mul3A_357 = arith.constant 1 : i32
        %mul3A_358 = arith.muli %scan3A_356, %mul3A_357 : i32
        %add3A_359 = arith.constant 0 : i32
        %add3A_360 = arith.addi %add3A_359, %mul3A_358 : i32
        %add3A_361 = arith.constant 1 : i32
        %add3A_362 = arith.addi %add3A_360, %add3A_361 : i32
        %shift_right_arithmetic3A_363 = arith.constant 4 : i32
        %shift_right_arithmetic3A_364 = arith.shrsi %add3A_362, %shift_right_arithmetic3A_363 : i32
        %and3A_365 = arith.constant 15 : i32
        %and3A_366 = arith.andi %add3A_362, %and3A_365 : i32
        %mul3A_367 = arith.constant 16 : i32
        %mul3A_368 = arith.muli %and3A_366, %mul3A_367 : i32
        %get3A_369 = arith.constant 0 : i32
        %get3A_370 = arith.constant 0 : i32
        %get3A_371 = arith.constant 0 : i32
        %get3A_372 = arith.constant 0 : i32
        %get3A_373 = tpu.memref_slice %run_scoped3A_14[%rem3A_239, %get3A_370, %get3A_371, %get3A_372] : memref<2x1x64x256xi32, #tpu.memory_space<vmem>> -> memref<1x1x64x256xi32, #tpu.memory_space<vmem>>
        %get3A_374 = tpu.memref_squeeze %get3A_373 : memref<1x1x64x256xi32, #tpu.memory_space<vmem>> -> memref<1x64x256xi32, #tpu.memory_space<vmem>>
        %get3A_375 = arith.index_cast %get3A_369 : i32 to index
        %get3A_376 = arith.index_cast %shift_right_arithmetic3A_364 : i32 to index
        %get3A_377 = arith.index_cast %mul3A_368 : i32 to index
        %get3A_378 = tpu.vector_load %get3A_374[%get3A_375, %get3A_376, %get3A_377] {strides = array<i32>} : memref<1x64x256xi32, #tpu.memory_space<vmem>>, vector<16xi32>,
        %add3A_379 = arith.constant 1 : i32
        %add3A_380 = arith.addi %add3A_360, %add3A_379 : i32
        %shift_right_arithmetic3A_381 = arith.constant 4 : i32
        %shift_right_arithmetic3A_382 = arith.shrsi %add3A_380, %shift_right_arithmetic3A_381 : i32
        %and3A_383 = arith.constant 15 : i32
        %and3A_384 = arith.andi %add3A_380, %and3A_383 : i32
        %mul3A_385 = arith.constant 16 : i32
        %mul3A_386 = arith.muli %and3A_384, %mul3A_385 : i32
        %get3A_387 = arith.constant 0 : i32
        %get3A_388 = arith.constant 0 : i32
        %get3A_389 = arith.constant 0 : i32
        %get3A_390 = arith.constant 0 : i32
        %get3A_391 = tpu.memref_slice %run_scoped3A_16[%rem3A_241, %get3A_388, %get3A_389, %get3A_390] : memref<2x1x64x256xf32, #tpu.memory_space<vmem>> -> memref<1x1x64x256xf32, #tpu.memory_space<vmem>>
        %get3A_392 = tpu.memref_squeeze %get3A_391 : memref<1x1x64x256xf32, #tpu.memory_space<vmem>> -> memref<1x64x256xf32, #tpu.memory_space<vmem>>
        %get3A_393 = arith.index_cast %get3A_387 : i32 to index
        %get3A_394 = arith.index_cast %shift_right_arithmetic3A_382 : i32 to index
        %get3A_395 = arith.index_cast %mul3A_386 : i32 to index
        %get3A_396 = tpu.vector_load %get3A_392[%get3A_393, %get3A_394, %get3A_395] {strides = array<i32>} : memref<1x64x256xf32, #tpu.memory_space<vmem>>, vector<16xf32>,
        %add3A_397 = vector.broadcast %run_scoped3A : f32 to vector<16xf32>
        %add3A_398 = arith.addf %get3A_352, %add3A_397 : vector<16xf32>
        tpu.vector_store_idx %arg5[%get3A_334], %add3A_398 {add = true} : memref<2048xf32, #tpu.memory_space<vmem>>[vector<16xi32>], vector<16xf32>,
        %scan3A_399 = arith.constant 1019 : i32
        %scan3A_400 = arith.addi %scan3A_263, %scan3A_399 : i32
        %mul3A_401 = arith.constant 1 : i32
        %mul3A_402 = arith.muli %scan3A_400, %mul3A_401 : i32
        %add3A_403 = arith.constant 0 : i32
        %add3A_404 = arith.addi %add3A_403, %mul3A_402 : i32
        %add3A_405 = arith.constant 1 : i32
        %add3A_406 = arith.addi %add3A_404, %add3A_405 : i32
        %shift_right_arithmetic3A_407 = arith.constant 4 : i32
        %shift_right_arithmetic3A_408 = arith.shrsi %add3A_406, %shift_right_arithmetic3A_407 : i32
        %and3A_409 = arith.constant 15 : i32
        %and3A_410 = arith.andi %add3A_406, %and3A_409 : i32
        %mul3A_411 = arith.constant 16 : i32
        %mul3A_412 = arith.muli %and3A_410, %mul3A_411 : i32
        %get3A_413 = arith.constant 0 : i32
        %get3A_414 = arith.constant 0 : i32
        %get3A_415 = arith.constant 0 : i32
        %get3A_416 = arith.constant 0 : i32
        %get3A_417 = tpu.memref_slice %run_scoped3A_14[%rem3A_239, %get3A_414, %get3A_415, %get3A_416] : memref<2x1x64x256xi32, #tpu.memory_space<vmem>> -> memref<1x1x64x256xi32, #tpu.memory_space<vmem>>
        %get3A_418 = tpu.memref_squeeze %get3A_417 : memref<1x1x64x256xi32, #tpu.memory_space<vmem>> -> memref<1x64x256xi32, #tpu.memory_space<vmem>>
        %get3A_419 = arith.index_cast %get3A_413 : i32 to index
        %get3A_420 = arith.index_cast %shift_right_arithmetic3A_408 : i32 to index
        %get3A_421 = arith.index_cast %mul3A_412 : i32 to index
        %get3A_422 = tpu.vector_load %get3A_418[%get3A_419, %get3A_420, %get3A_421] {strides = array<i32>} : memref<1x64x256xi32, #tpu.memory_space<vmem>>, vector<16xi32>,
        %add3A_423 = arith.constant 1 : i32
        %add3A_424 = arith.addi %add3A_404, %add3A_423 : i32
        %shift_right_arithmetic3A_425 = arith.constant 4 : i32
        %shift_right_arithmetic3A_426 = arith.shrsi %add3A_424, %shift_right_arithmetic3A_425 : i32
        %and3A_427 = arith.constant 15 : i32
        %and3A_428 = arith.andi %add3A_424, %and3A_427 : i32
        %mul3A_429 = arith.constant 16 : i32
        %mul3A_430 = arith.muli %and3A_428, %mul3A_429 : i32
        %get3A_431 = arith.constant 0 : i32
        %get3A_432 = arith.constant 0 : i32
        %get3A_433 = arith.constant 0 : i32
        %get3A_434 = arith.constant 0 : i32
        %get3A_435 = tpu.memref_slice %run_scoped3A_16[%rem3A_241, %get3A_432, %get3A_433, %get3A_434] : memref<2x1x64x256xf32, #tpu.memory_space<vmem>> -> memref<1x1x64x256xf32, #tpu.memory_space<vmem>>
        %get3A_436 = tpu.memref_squeeze %get3A_435 : memref<1x1x64x256xf32, #tpu.memory_space<vmem>> -> memref<1x64x256xf32, #tpu.memory_space<vmem>>
        %get3A_437 = arith.index_cast %get3A_431 : i32 to index
        %get3A_438 = arith.index_cast %shift_right_arithmetic3A_426 : i32 to index
        %get3A_439 = arith.index_cast %mul3A_430 : i32 to index
        %get3A_440 = tpu.vector_load %get3A_436[%get3A_437, %get3A_438, %get3A_439] {strides = array<i32>} : memref<1x64x256xf32, #tpu.memory_space<vmem>>, vector<16xf32>,
        %add3A_441 = vector.broadcast %run_scoped3A : f32 to vector<16xf32>
        %add3A_442 = arith.addf %get3A_396, %add3A_441 : vector<16xf32>
        tpu.vector_store_idx %arg5[%get3A_378], %add3A_442 {add = true} : memref<2048xf32, #tpu.memory_space<vmem>>[vector<16xi32>], vector<16xf32>,
        %scan3A_443 = arith.constant 1020 : i32
        %scan3A_444 = arith.addi %scan3A_263, %scan3A_443 : i32
        %mul3A_445 = arith.constant 1 : i32
        %mul3A_446 = arith.muli %scan3A_444, %mul3A_445 : i32
        %add3A_447 = arith.constant 0 : i32
        %add3A_448 = arith.addi %add3A_447, %mul3A_446 : i32
        %add3A_449 = arith.constant 1 : i32
        %add3A_450 = arith.addi %add3A_448, %add3A_449 : i32
        %shift_right_arithmetic3A_451 = arith.constant 4 : i32
        %shift_right_arithmetic3A_452 = arith.shrsi %add3A_450, %shift_right_arithmetic3A_451 : i32
        %and3A_453 = arith.constant 15 : i32
        %and3A_454 = arith.andi %add3A_450, %and3A_453 : i32
        %mul3A_455 = arith.constant 16 : i32
        %mul3A_456 = arith.muli %and3A_454, %mul3A_455 : i32
        %get3A_457 = arith.constant 0 : i32
        %get3A_458 = arith.constant 0 : i32
        %get3A_459 = arith.constant 0 : i32
        %get3A_460 = arith.constant 0 : i32
        %get3A_461 = tpu.memref_slice %run_scoped3A_14[%rem3A_239, %get3A_458, %get3A_459, %get3A_460] : memref<2x1x64x256xi32, #tpu.memory_space<vmem>> -> memref<1x1x64x256xi32, #tpu.memory_space<vmem>>
        %get3A_462 = tpu.memref_squeeze %get3A_461 : memref<1x1x64x256xi32, #tpu.memory_space<vmem>> -> memref<1x64x256xi32, #tpu.memory_space<vmem>>
        %get3A_463 = arith.index_cast %get3A_457 : i32 to index
        %get3A_464 = arith.index_cast %shift_right_arithmetic3A_452 : i32 to index
        %get3A_465 = arith.index_cast %mul3A_456 : i32 to index
        %get3A_466 = tpu.vector_load %get3A_462[%get3A_463, %get3A_464, %get3A_465] {strides = array<i32>} : memref<1x64x256xi32, #tpu.memory_space<vmem>>, vector<16xi32>,
        %add3A_467 = arith.constant 1 : i32
        %add3A_468 = arith.addi %add3A_448, %add3A_467 : i32
        %shift_right_arithmetic3A_469 = arith.constant 4 : i32
        %shift_right_arithmetic3A_470 = arith.shrsi %add3A_468, %shift_right_arithmetic3A_469 : i32
        %and3A_471 = arith.constant 15 : i32
        %and3A_472 = arith.andi %add3A_468, %and3A_471 : i32
        %mul3A_473 = arith.constant 16 : i32
        %mul3A_474 = arith.muli %and3A_472, %mul3A_473 : i32
        %get3A_475 = arith.constant 0 : i32
        %get3A_476 = arith.constant 0 : i32
        %get3A_477 = arith.constant 0 : i32
        %get3A_478 = arith.constant 0 : i32
        %get3A_479 = tpu.memref_slice %run_scoped3A_16[%rem3A_241, %get3A_476, %get3A_477, %get3A_478] : memref<2x1x64x256xf32, #tpu.memory_space<vmem>> -> memref<1x1x64x256xf32, #tpu.memory_space<vmem>>
        %get3A_480 = tpu.memref_squeeze %get3A_479 : memref<1x1x64x256xf32, #tpu.memory_space<vmem>> -> memref<1x64x256xf32, #tpu.memory_space<vmem>>
        %get3A_481 = arith.index_cast %get3A_475 : i32 to index
        %get3A_482 = arith.index_cast %shift_right_arithmetic3A_470 : i32 to index
        %get3A_483 = arith.index_cast %mul3A_474 : i32 to index
        %get3A_484 = tpu.vector_load %get3A_480[%get3A_481, %get3A_482, %get3A_483] {strides = array<i32>} : memref<1x64x256xf32, #tpu.memory_space<vmem>>, vector<16xf32>,
        %add3A_485 = vector.broadcast %run_scoped3A : f32 to vector<16xf32>
        %add3A_486 = arith.addf %get3A_440, %add3A_485 : vector<16xf32>
        tpu.vector_store_idx %arg5[%get3A_422], %add3A_486 {add = true} : memref<2048xf32, #tpu.memory_space<vmem>>[vector<16xi32>], vector<16xf32>,
        %scan3A_487 = arith.constant 1021 : i32
        %scan3A_488 = arith.addi %scan3A_263, %scan3A_487 : i32
        %mul3A_489 = arith.constant 1 : i32
        %mul3A_490 = arith.muli %scan3A_488, %mul3A_489 : i32
        %add3A_491 = arith.constant 0 : i32
        %add3A_492 = arith.addi %add3A_491, %mul3A_490 : i32
        %add3A_493 = arith.constant 1 : i32
        %add3A_494 = arith.addi %add3A_492, %add3A_493 : i32
        %shift_right_arithmetic3A_495 = arith.constant 4 : i32
        %shift_right_arithmetic3A_496 = arith.shrsi %add3A_494, %shift_right_arithmetic3A_495 : i32
        %and3A_497 = arith.constant 15 : i32
        %and3A_498 = arith.andi %add3A_494, %and3A_497 : i32
        %mul3A_499 = arith.constant 16 : i32
        %mul3A_500 = arith.muli %and3A_498, %mul3A_499 : i32
        %get3A_501 = arith.constant 0 : i32
        %get3A_502 = arith.constant 0 : i32
        %get3A_503 = arith.constant 0 : i32
        %get3A_504 = arith.constant 0 : i32
        %get3A_505 = tpu.memref_slice %run_scoped3A_14[%rem3A_239, %get3A_502, %get3A_503, %get3A_504] : memref<2x1x64x256xi32, #tpu.memory_space<vmem>> -> memref<1x1x64x256xi32, #tpu.memory_space<vmem>>
        %get3A_506 = tpu.memref_squeeze %get3A_505 : memref<1x1x64x256xi32, #tpu.memory_space<vmem>> -> memref<1x64x256xi32, #tpu.memory_space<vmem>>
        %get3A_507 = arith.index_cast %get3A_501 : i32 to index
        %get3A_508 = arith.index_cast %shift_right_arithmetic3A_496 : i32 to index
        %get3A_509 = arith.index_cast %mul3A_500 : i32 to index
        %get3A_510 = tpu.vector_load %get3A_506[%get3A_507, %get3A_508, %get3A_509] {strides = array<i32>} : memref<1x64x256xi32, #tpu.memory_space<vmem>>, vector<16xi32>,
        %add3A_511 = arith.constant 1 : i32
        %add3A_512 = arith.addi %add3A_492, %add3A_511 : i32
        %shift_right_arithmetic3A_513 = arith.constant 4 : i32
        %shift_right_arithmetic3A_514 = arith.shrsi %add3A_512, %shift_right_arithmetic3A_513 : i32
        %and3A_515 = arith.constant 15 : i32
        %and3A_516 = arith.andi %add3A_512, %and3A_515 : i32
        %mul3A_517 = arith.constant 16 : i32
        %mul3A_518 = arith.muli %and3A_516, %mul3A_517 : i32
        %get3A_519 = arith.constant 0 : i32
        %get3A_520 = arith.constant 0 : i32
        %get3A_521 = arith.constant 0 : i32
        %get3A_522 = arith.constant 0 : i32
        %get3A_523 = tpu.memref_slice %run_scoped3A_16[%rem3A_241, %get3A_520, %get3A_521, %get3A_522] : memref<2x1x64x256xf32, #tpu.memory_space<vmem>> -> memref<1x1x64x256xf32, #tpu.memory_space<vmem>>
        %get3A_524 = tpu.memref_squeeze %get3A_523 : memref<1x1x64x256xf32, #tpu.memory_space<vmem>> -> memref<1x64x256xf32, #tpu.memory_space<vmem>>
        %get3A_525 = arith.index_cast %get3A_519 : i32 to index
        %get3A_526 = arith.index_cast %shift_right_arithmetic3A_514 : i32 to index
        %get3A_527 = arith.index_cast %mul3A_518 : i32 to index
        %get3A_528 = tpu.vector_load %get3A_524[%get3A_525, %get3A_526, %get3A_527] {strides = array<i32>} : memref<1x64x256xf32, #tpu.memory_space<vmem>>, vector<16xf32>,
        %add3A_529 = vector.broadcast %run_scoped3A : f32 to vector<16xf32>
        %add3A_530 = arith.addf %get3A_484, %add3A_529 : vector<16xf32>
        tpu.vector_store_idx %arg5[%get3A_466], %add3A_530 {add = true} : memref<2048xf32, #tpu.memory_space<vmem>>[vector<16xi32>], vector<16xf32>,
        %scan3A_531 = arith.constant 1022 : i32
        %scan3A_532 = arith.addi %scan3A_263, %scan3A_531 : i32
        %mul3A_533 = arith.constant 1 : i32
        %mul3A_534 = arith.muli %scan3A_532, %mul3A_533 : i32
        %add3A_535 = arith.constant 0 : i32
        %add3A_536 = arith.addi %add3A_535, %mul3A_534 : i32
        %add3A_537 = arith.constant 1 : i32
        %add3A_538 = arith.addi %add3A_536, %add3A_537 : i32
        %shift_right_arithmetic3A_539 = arith.constant 4 : i32
        %shift_right_arithmetic3A_540 = arith.shrsi %add3A_538, %shift_right_arithmetic3A_539 : i32
        %and3A_541 = arith.constant 15 : i32
        %and3A_542 = arith.andi %add3A_538, %and3A_541 : i32
        %mul3A_543 = arith.constant 16 : i32
        %mul3A_544 = arith.muli %and3A_542, %mul3A_543 : i32
        %get3A_545 = arith.constant 0 : i32
        %get3A_546 = arith.constant 0 : i32
        %get3A_547 = arith.constant 0 : i32
        %get3A_548 = arith.constant 0 : i32
        %get3A_549 = tpu.memref_slice %run_scoped3A_14[%rem3A_239, %get3A_546, %get3A_547, %get3A_548] : memref<2x1x64x256xi32, #tpu.memory_space<vmem>> -> memref<1x1x64x256xi32, #tpu.memory_space<vmem>>
        %get3A_550 = tpu.memref_squeeze %get3A_549 : memref<1x1x64x256xi32, #tpu.memory_space<vmem>> -> memref<1x64x256xi32, #tpu.memory_space<vmem>>
        %get3A_551 = arith.index_cast %get3A_545 : i32 to index
        %get3A_552 = arith.index_cast %shift_right_arithmetic3A_540 : i32 to index
        %get3A_553 = arith.index_cast %mul3A_544 : i32 to index
        %get3A_554 = tpu.vector_load %get3A_550[%get3A_551, %get3A_552, %get3A_553] {strides = array<i32>} : memref<1x64x256xi32, #tpu.memory_space<vmem>>, vector<16xi32>,
        %add3A_555 = arith.constant 1 : i32
        %add3A_556 = arith.addi %add3A_536, %add3A_555 : i32
        %shift_right_arithmetic3A_557 = arith.constant 4 : i32
        %shift_right_arithmetic3A_558 = arith.shrsi %add3A_556, %shift_right_arithmetic3A_557 : i32
        %and3A_559 = arith.constant 15 : i32
        %and3A_560 = arith.andi %add3A_556, %and3A_559 : i32
        %mul3A_561 = arith.constant 16 : i32
        %mul3A_562 = arith.muli %and3A_560, %mul3A_561 : i32
        %get3A_563 = arith.constant 0 : i32
        %get3A_564 = arith.constant 0 : i32
        %get3A_565 = arith.constant 0 : i32
        %get3A_566 = arith.constant 0 : i32
        %get3A_567 = tpu.memref_slice %run_scoped3A_16[%rem3A_241, %get3A_564, %get3A_565, %get3A_566] : memref<2x1x64x256xf32, #tpu.memory_space<vmem>> -> memref<1x1x64x256xf32, #tpu.memory_space<vmem>>
        %get3A_568 = tpu.memref_squeeze %get3A_567 : memref<1x1x64x256xf32, #tpu.memory_space<vmem>> -> memref<1x64x256xf32, #tpu.memory_space<vmem>>
        %get3A_569 = arith.index_cast %get3A_563 : i32 to index
        %get3A_570 = arith.index_cast %shift_right_arithmetic3A_558 : i32 to index
        %get3A_571 = arith.index_cast %mul3A_562 : i32 to index
        %get3A_572 = tpu.vector_load %get3A_568[%get3A_569, %get3A_570, %get3A_571] {strides = array<i32>} : memref<1x64x256xf32, #tpu.memory_space<vmem>>, vector<16xf32>,
        %add3A_573 = vector.broadcast %run_scoped3A : f32 to vector<16xf32>
        %add3A_574 = arith.addf %get3A_528, %add3A_573 : vector<16xf32>
        tpu.vector_store_idx %arg5[%get3A_510], %add3A_574 {add = true} : memref<2048xf32, #tpu.memory_space<vmem>>[vector<16xi32>], vector<16xf32>,
        %scan3A_575 = arith.constant 1023 : i32
        %add3A_576 = vector.broadcast %run_scoped3A : f32 to vector<16xf32>
        %add3A_577 = arith.addf %get3A_572, %add3A_576 : vector<16xf32>
        tpu.vector_store_idx %arg5[%get3A_554], %add3A_577 {add = true} : memref<2048xf32, #tpu.memory_space<vmem>>[vector<16xi32>], vector<16xf32>,
        "tpu.trace_stop"() : () -> ()
        %ne3A_578 = arith.cmpi ne, %add3A_155, %add3A_173 : i32
        %or3A_579 = arith.constant false
        %or3A_580 = arith.ori %or3A_579, %ne3A_578 : i1
        %or3A_581 = arith.constant false
        %or3A_582 = arith.ori %or3A_580, %or3A_581 : i1
        %or3A_583 = arith.constant false
        %or3A_584 = arith.ori %or3A_582, %or3A_583 : i1
        %or3A_585 = arith.ori %or3A_584, %eq3A_154 : i1
        %convert_element_type3A_586 = arith.extui %or3A_585 : i1 to i32
        %cond3A_587 = arith.constant 0 : i32
        %cond3A_588 = arith.cmpi ne, %convert_element_type3A_586, %cond3A_587 : i32
        scf.if %cond3A_588 {
        } else {
        }
        %and3A_589 = arith.constant false
        %and3A_590 = arith.andi %or3A_585, %and3A_589 : i1
        %ne3A_591 = arith.cmpi ne, %add3A_155, %add3A_173 : i32
        %or3A_592 = arith.constant false
        %or3A_593 = arith.ori %or3A_592, %ne3A_591 : i1
        %or3A_594 = arith.constant false
        %or3A_595 = arith.ori %or3A_593, %or3A_594 : i1
        %or3A_596 = arith.constant false
        %or3A_597 = arith.ori %or3A_595, %or3A_596 : i1
        %or3A_598 = arith.ori %or3A_597, %eq3A_154 : i1
        %convert_element_type3A_599 = arith.extui %or3A_598 : i1 to i32
        %cond3A_600 = arith.constant 0 : i32
        %cond3A_601 = arith.cmpi ne, %convert_element_type3A_599, %cond3A_600 : i32
        scf.if %cond3A_601 {
        } else {
        }
        %and3A_602 = arith.constant false
        %and3A_603 = arith.andi %or3A_598, %and3A_602 : i1
        %ne3A_604 = arith.cmpi ne, %add3A_155, %add3A_164 : i32
        %or3A_605 = arith.constant false
        %or3A_606 = arith.ori %or3A_605, %ne3A_604 : i1
        %or3A_607 = arith.constant false
        %or3A_608 = arith.ori %or3A_606, %or3A_607 : i1
        %or3A_609 = arith.constant false
        %or3A_610 = arith.ori %or3A_608, %or3A_609 : i1
        %not3A_611 = arith.constant true
        %not3A_612 = arith.xori %eq3A_152, %not3A_611 : i1
        %and3A_613 = arith.andi %or3A_610, %not3A_612 : i1
        %convert_element_type3A_614 = arith.extui %and3A_613 : i1 to i32
        %cond3A_615 = arith.constant 0 : i32
        %cond3A_616 = arith.cmpi ne, %convert_element_type3A_614, %cond3A_615 : i32
        scf.if %cond3A_616 {
        } else {
        }
        %and3A_617 = arith.constant false
        %and3A_618 = arith.andi %and3A_613, %and3A_617 : i1
        %ne3A_619 = arith.cmpi ne, %add3A_155, %add3A_164 : i32
        %or3A_620 = arith.constant false
        %or3A_621 = arith.ori %or3A_620, %ne3A_619 : i1
        %or3A_622 = arith.constant false
        %or3A_623 = arith.ori %or3A_621, %or3A_622 : i1
        %or3A_624 = arith.constant false
        %or3A_625 = arith.ori %or3A_623, %or3A_624 : i1
        %not3A_626 = arith.constant true
        %not3A_627 = arith.xori %eq3A_152, %not3A_626 : i1
        %and3A_628 = arith.andi %or3A_625, %not3A_627 : i1
        %convert_element_type3A_629 = arith.extui %and3A_628 : i1 to i32
        %cond3A_630 = arith.constant 0 : i32
        %cond3A_631 = arith.cmpi ne, %convert_element_type3A_629, %cond3A_630 : i32
        scf.if %cond3A_631 {
        } else {
        }
        %and3A_632 = arith.constant false
        %and3A_633 = arith.andi %and3A_628, %and3A_632 : i1
        %ne3A_634 = arith.cmpi ne, %add3A_155, %add3A_173 : i32
        %or3A_635 = arith.constant false
        %or3A_636 = arith.ori %or3A_635, %ne3A_634 : i1
        %or3A_637 = arith.constant false
        %or3A_638 = arith.ori %or3A_636, %or3A_637 : i1
        %or3A_639 = arith.constant false
        %or3A_640 = arith.ori %or3A_638, %or3A_639 : i1
        %or3A_641 = arith.ori %or3A_640, %eq3A_154 : i1
        %add3A_642 = arith.constant 1 : i32
        %add3A_643 = arith.addi %scan3A_147, %add3A_642 : i32
        %select_n3A_644 = arith.select %or3A_641, %add3A_643, %scan3A_147 : i32
        %ne3A_645 = arith.cmpi ne, %add3A_155, %add3A_173 : i32
        %or3A_646 = arith.constant false
        %or3A_647 = arith.ori %or3A_646, %ne3A_645 : i1
        %or3A_648 = arith.constant false
        %or3A_649 = arith.ori %or3A_647, %or3A_648 : i1
        %or3A_650 = arith.constant false
        %or3A_651 = arith.ori %or3A_649, %or3A_650 : i1
        %or3A_652 = arith.ori %or3A_651, %eq3A_154 : i1
        %add3A_653 = arith.constant 1 : i32
        %add3A_654 = arith.addi %scan3A_149, %add3A_653 : i32
        %select_n3A_655 = arith.select %or3A_652, %add3A_654, %scan3A_149 : i32
        %add3A_656 = arith.constant 1 : i32
        %add3A_657 = arith.addi %scan3A_150, %add3A_656 : i32
        %select_n3A_658 = arith.constant true
        %select_n3A_659 = arith.select %select_n3A_658, %add3A_657, %scan3A_150 : i32
        %eq3A_660 = arith.constant 8 : i32
        %eq3A_661 = arith.cmpi eq, %select_n3A_659, %eq3A_660 : i32
        %select_n3A_662 = arith.constant 0 : i32
        %select_n3A_663 = arith.select %eq3A_661, %select_n3A_662, %select_n3A_659 : i32
        scf.yield %select_n3A_195, %select_n3A_644, %select_n3A_215, %select_n3A_655, %select_n3A_663 : i32, i32, i32, i32, i32
      }
      %scan3A_109 = arith.constant 8 : i32
      %sub3A = arith.constant 1 : i32
      %sub3A_110 = arith.subi %scan3A_108#4, %sub3A : i32
      %select_n3A_111 = arith.constant true
      %select_n3A_112 = arith.select %select_n3A_111, %sub3A_110, %scan3A_108#4 : i32
      %eq3A_113 = arith.constant -1 : i32
      %eq3A_114 = arith.cmpi eq, %select_n3A_112, %eq3A_113 : i32
      %select_n3A_115 = arith.constant 7 : i32
      %select_n3A_116 = arith.select %eq3A_114, %select_n3A_115, %select_n3A_112 : i32
      %add3A_117 = arith.addi %select_n3A_116, %mul3A_10 : i32
      %sub3A_118 = arith.constant 1 : i32
      %sub3A_119 = arith.subi %select_n3A_116, %sub3A_118 : i32
      %select_n3A_120 = arith.constant true
      %select_n3A_121 = arith.select %select_n3A_120, %sub3A_119, %select_n3A_116 : i32
      %eq3A_122 = arith.constant -1 : i32
      %eq3A_123 = arith.cmpi eq, %select_n3A_121, %eq3A_122 : i32
      %select_n3A_124 = arith.constant 7 : i32
      %select_n3A_125 = arith.select %eq3A_123, %select_n3A_124, %select_n3A_121 : i32
      %add3A_126 = arith.addi %select_n3A_125, %mul3A_10 : i32
      %add3A_127 = arith.constant 1 : i32
      %add3A_128 = arith.addi %select_n3A_116, %add3A_127 : i32
      %select_n3A_129 = arith.constant true
      %select_n3A_130 = arith.select %select_n3A_129, %add3A_128, %select_n3A_116 : i32
      %eq3A_131 = arith.constant 8 : i32
      %eq3A_132 = arith.cmpi eq, %select_n3A_130, %eq3A_131 : i32
      %select_n3A_133 = arith.constant 0 : i32
      %select_n3A_134 = arith.select %eq3A_132, %select_n3A_133, %select_n3A_130 : i32
      %add3A_135 = arith.addi %select_n3A_134, %mul3A_10 : i32
      %add3A_136 = arith.constant 1 : i32
      %add3A_137 = arith.addi %select_n3A_134, %add3A_136 : i32
      %select_n3A_138 = arith.constant true
      %select_n3A_139 = arith.select %select_n3A_138, %add3A_137, %select_n3A_134 : i32
      %eq3A_140 = arith.constant 8 : i32
      %eq3A_141 = arith.cmpi eq, %select_n3A_139, %eq3A_140 : i32
      %select_n3A_142 = arith.constant 0 : i32
      %select_n3A_143 = arith.select %eq3A_141, %select_n3A_142, %select_n3A_139 : i32
      %add3A_144 = arith.addi %select_n3A_143, %mul3A_10 : i32
      tpu.yield
    }) : () -> ()
    %mul3A_11 = arith.constant 2 : i32
    %mul3A_12 = arith.muli %arg1, %mul3A_11 : i32
    %add3A_13 = arith.addi %mul3A_12, %arg0 : i32
    "tpu.region"() ({
      %run_scoped3A_14 = tpu.sem_alloc : memref<!tpu.dma_semaphore, #tpu.memory_space<semaphore_mem>>
      %dma_start3A = arith.constant 0 : i32
      %dma_start3A_15 = tpu.memref_slice %arg4[%add3A_13, %dma_start3A] : memref<32x2048xf32, #tpu.memory_space<hbm>> -> memref<1x2048xf32, #tpu.memory_space<hbm>>
      %dma_start3A_16 = tpu.memref_squeeze %dma_start3A_15 : memref<1x2048xf32, #tpu.memory_space<hbm>> -> memref<2048xf32, #tpu.memory_space<hbm>>
      %dma_start3A_17 = arith.constant 0 : i32
      %dma_start3A_18 = tpu.memref_slice %arg4[%add3A_13, %dma_start3A_17] : memref<32x2048xf32, #tpu.memory_space<hbm>> -> memref<1x2048xf32, #tpu.memory_space<hbm>>
      %dma_start3A_19 = tpu.memref_squeeze %dma_start3A_18 : memref<1x2048xf32, #tpu.memory_space<hbm>> -> memref<2048xf32, #tpu.memory_space<hbm>>
      tpu.enqueue_dma source(%arg5 : memref<2048xf32, #tpu.memory_space<vmem>>) target(%dma_start3A_19 : memref<2048xf32, #tpu.memory_space<hbm>>) target_semaphore(%run_scoped3A_14 : memref<!tpu.dma_semaphore, #tpu.memory_space<semaphore_mem>>)
      %dma_wait3A = arith.constant 0 : i32
      %dma_wait3A_20 = tpu.memref_slice %arg4[%add3A_13, %dma_wait3A] : memref<32x2048xf32, #tpu.memory_space<hbm>> -> memref<1x2048xf32, #tpu.memory_space<hbm>>
      %dma_wait3A_21 = tpu.memref_squeeze %dma_wait3A_20 : memref<1x2048xf32, #tpu.memory_space<hbm>> -> memref<2048xf32, #tpu.memory_space<hbm>>
      %dma_wait3A_22 = arith.constant 0 : i32
      %dma_wait3A_23 = tpu.memref_slice %arg4[%add3A_13, %dma_wait3A_22] : memref<32x2048xf32, #tpu.memory_space<hbm>> -> memref<1x2048xf32, #tpu.memory_space<hbm>>
      %dma_wait3A_24 = tpu.memref_squeeze %dma_wait3A_23 : memref<1x2048xf32, #tpu.memory_space<hbm>> -> memref<2048xf32, #tpu.memory_space<hbm>>
      tpu.wait_dma2 semaphore(%run_scoped3A_14 : memref<!tpu.dma_semaphore, #tpu.memory_space<semaphore_mem>>) src(%arg5 : memref<2048xf32, #tpu.memory_space<vmem>>) dst(%dma_wait3A_24 : memref<2048xf32, #tpu.memory_space<hbm>>)
      tpu.yield
    }) : () -> ()
    return
  }
}

</mosaic_0001>

<sc_bundles>
// kernel: kernel.4.cloned.1.call-start
scs
__scs_entry_jumppad:
0x0: {  	(pc) =	sbr.rel $0x88, $3  }
0x1: {  	(tag) =	ssettag $0x0;
	lr =	simm.s32 $0x1  }
0x2: {  	[smem:$0x3F9F] =	sst lr;
	_ =	strace $0xD0000000  }
0x3: {  	_ = 	snop  }
0x4: {  	_ = 	snop  }
0x5: {  	_ = 	snop  }
0x6: {  	_ = 	snop  }
0x7: {  	_ = 	snop  }
__scs_overlays_trampoline_lowered:
0x8: {  	[smem:$0x3FAE] =	sst s0  }
0x9: {  	[smem:$0x3FAF] =	sst s1  }
0xa: {  	[smem:$0x3FB0] =	sst s2  }
0xb: {  	[smem:$0x3FB1] =	sst s3  }
0xc: {  	[smem:$0x3FB2] =	sst s4  }
0xd: {  	[smem:$0x3FB3] =	sst s5  }
0xe: {  	[smem:$0x3FB4] =	sst s6  }
0xf: {  	[smem:$0x3FB5] =	sst s7  }
0x10: {  	[smem:$0x3FB6] =	sst s8  }
0x11: {  	[smem:$0x3FB7] =	sst s9;
	s0 =	simm.s32 @!p0 $0x0  }
0x12: {  	s1 =	sld [smem:$0x3F9D];
	s0 =	simm.s32 @p0 $0x1  }
0x13: {  	[smem:$0x3FB8] =	sst s0;
	s0 =	simm.s32 @!p1 $0x0  }
0x14: {  	s2 =	sld [smem:$0x3F9C];
	s0 =	simm.s32 @p1 $0x1  }
0x15: {  	[smem:$0x3FB9] =	sst s0;
	s0 =	simm.s32 @!p2 $0x0  }
0x16: {  	s3 =	sld [smem:$0x3FDB];
	s0 =	simm.s32 @p2 $0x1  }
0x17: {  	s4 =	simm.s32 $0x1BF5;
	[smem:$0x3FBB] =	sst s0  }
0x18: {  	s0 =	sld [smem:$0x3F9E];
	_ =	swait.ge [sflag:s4], $0x0  }
0x19: {  	s7 =	sld [smem:$0x3F9F]  }
0x1a: {  	s8 =	sadd.s32 $0xFFFFE003, lr  }
0x1b: {  	s9 =	sadd.s32 $0xFFFFFEF7, lr;
	s5 =	simm.s32 $0xFFFFFFFF;
	p2 =	slt.u32 s8, $0xFFFFF086  }
0x1c: {  	p1 =	slt.u32 s9, $0xF7A;
	s5 =	simm.s32 @!p2 $0x0  }
0x1d: {  	s5 =	simm.s32 @p1 $0x1;
	p0 =	seq.s32 s7, s2  }
0x1e: {  	s7 =	smul.u32 @!p0 $0xF7A, s2;
	p2 =	seq.s32 @!p0 s5, $0x0  }
0x1f: {  	s9 =	smul.u32 $0xF7A, s1;
	s8 =	simm.s32 @!p0 $0x1BF5;
	p2 =	por !p2, p0  }
0x20: {  	[sflag:s8] =	ssyncset.s32 @!p0 $0xFFFFF086;
	s6 =	sadd.s32 @!p0 s3, s7;
	s7 =	simm.s32 @!p0 $0x108  }
0x21: {  	s3 =	sadd.s32 s3, s9;
	s6 =	sadd.s32 @!p0 $0x88, s6;
	s7 =	simm.s32 @p2 $0x1082  }
0x22: {  	[simem:s7], [sflag:s8] =	dma.local @!p0 [hbm:s6], $0xF7A  }
0x23: {  	s9 =	sor.u32 $0xD0000000, s2;
	s6 =	simm.s32 $0x108;
	_ =	swait.ge @!p0 [sflag:s8], $0x0  }
0x24: {  	s3 =	sadd.s32 $0x88, s3;
	s6 =	simm.s32 @!p1 $0x1082;
	[sflag:s4] =	ssyncset.s32 $0xFFFFF086  }
0x25: {  	[simem:s6], [sflag:s4] =	dma.local [hbm:s3], $0xF7A  }
0x26: {  	[smem:$0x3F9F] =	sst s1;
	(tag) =	ssettag s2;
	_ =	strace s9  }
0x27: {  	s1 =	sld [smem:$0x3FAF]  }
0x28: {  	s2 =	sld [smem:$0x3FB0]  }
0x29: {  	s4 =	sld [smem:$0x3FB2]  }
0x2a: {  	p0 =	seq.s32 s5, $0x0;
	s5 =	sld [smem:$0x3FB3]  }
0x2b: {  	s6 =	sld [smem:$0x3FB4]  }
0x2c: {  	s7 =	sld [smem:$0x3FB5]  }
0x2d: {  	s3 =	simm.s32 $0x108;
	s8 =	sld [smem:$0x3FB6]  }
0x2e: {  	s3 =	simm.s32 @!p0 $0x1082;
	s9 =	sld [smem:$0x3FB7]  }
0x2f: {  	lr =	sadd.s32 s0, s3;
	s0 =	sld [smem:$0x3FAE]  }
0x30: {  	s3 =	sld [smem:$0x3FB1]  }
0x31: {  	[smem:$0x3FBA] =	sst s10  }
0x32: {  	s10 =	sld [smem:$0x3FB8];
	_ =	sdelay $0x3  }
0x33: {  	p0 =	seq.s32 s10, $0x1;
	s10 =	sld [smem:$0x3FBA];
	_ =	sdelay $0x3  }
0x34: {  	[smem:$0x3FBA] =	sst s10  }
0x35: {  	s10 =	sld [smem:$0x3FB9];
	_ =	sdelay $0x3  }
0x36: {  	p1 =	seq.s32 s10, $0x1;
	s10 =	sld [smem:$0x3FBA];
	_ =	sdelay $0x3  }
0x37: {  	[smem:$0x3FBA] =	sst s10  }
0x38: {  	s10 =	sld [smem:$0x3FBB]  }
0x39: {  	_ = 	snop;
	(pc) =	sbr.ind lr, $3  }
0x3a: {  	_ = 	snop  }
0x3b: {  	_ = 	snop  }
0x3c: {  	p2 =	seq.s32 s10, $0x1;
	s10 =	sld [smem:$0x3FBA]  }
0x3d: {  	_ =	shalt  }
0x3e: {  	_ =	shalt  }
0x3f: {  	_ =	shalt  }
0x40: {  	_ =	shalt  }
0x41: {  	_ =	shalt  }
0x42: {  	_ =	shalt  }
0x43: {  	_ =	shalt  }
0x44: {  	_ =	shalt  }
0x45: {  	_ =	shalt  }
0x46: {  	_ =	shalt  }
0x47: {  	_ =	shalt  }
0x48: {  	_ =	shalt  }
0x49: {  	_ =	shalt  }
0x4a: {  	_ =	shalt  }
0x4b: {  	_ =	shalt  }
0x4c: {  	_ =	shalt  }
0x4d: {  	_ =	shalt  }
0x4e: {  	_ =	shalt  }
0x4f: {  	_ =	shalt  }
0x50: {  	_ =	shalt  }
0x51: {  	_ =	shalt  }
0x52: {  	_ =	shalt  }
0x53: {  	_ =	shalt  }
0x54: {  	_ =	shalt  }
0x55: {  	_ =	shalt  }
0x56: {  	_ =	shalt  }
0x57: {  	_ =	shalt  }
0x58: {  	_ =	shalt  }
0x59: {  	_ =	shalt  }
0x5a: {  	_ =	shalt  }
0x5b: {  	_ =	shalt  }
0x5c: {  	_ =	shalt  }
0x5d: {  	_ =	shalt  }
0x5e: {  	_ =	shalt  }
0x5f: {  	_ =	shalt  }
0x60: {  	_ =	shalt  }
0x61: {  	_ =	shalt  }
0x62: {  	_ =	shalt  }
0x63: {  	_ =	shalt  }
0x64: {  	_ =	shalt  }
0x65: {  	_ =	shalt  }
0x66: {  	_ =	shalt  }
0x67: {  	_ =	shalt  }
0x68: {  	_ =	shalt  }
0x69: {  	_ =	shalt  }
0x6a: {  	_ =	shalt  }
0x6b: {  	_ =	shalt  }
0x6c: {  	_ =	shalt  }
0x6d: {  	_ =	shalt  }
0x6e: {  	_ =	shalt  }
0x6f: {  	_ =	shalt  }
0x70: {  	_ =	shalt  }
0x71: {  	_ =	shalt  }
0x72: {  	_ =	shalt  }
0x73: {  	_ =	shalt  }
0x74: {  	_ =	shalt  }
0x75: {  	_ =	shalt  }
0x76: {  	_ =	shalt  }
0x77: {  	_ =	shalt  }
0x78: {  	_ =	shalt  }
0x79: {  	_ =	shalt  }
0x7a: {  	_ =	shalt  }
0x7b: {  	_ =	shalt  }
0x7c: {  	_ =	shalt  }
0x7d: {  	_ =	shalt  }
0x7e: {  	_ =	shalt  }
0x7f: {  	_ =	shalt  }
0x80: {  	_ =	shalt  }
0x81: {  	_ =	shalt  }
0x82: {  	_ =	shalt  }
0x83: {  	_ =	shalt  }
0x84: {  	_ =	shalt  }
0x85: {  	_ =	shalt  }
0x86: {  	_ =	shalt  }
0x87: {  	_ =	shalt  }
.Lfunc_end0:
.L_simem_size_0:
called_computation_lowered:
.L_overlay_start_0:
0x88: {  	s2 =	sld [smem:$0x3FD9]  }
0x89: {  	s3 =	sld [smem:$0x3FFE];
	_ =	sdelay $0x1  }
0x8a: {  	s1 =	srdreg.scid  }
0x8b: {  	s0 =	sand.u32 $0x1, s1  }
0x8c: {  	s17 =	sshll.u32 s0, $0xA;
	s2 =	sadd.s32 s3, s2  }
0x8d: {  	s2 =	sadd.s32 s2, s17  }
0x8e: {  	[smem:$0x3FC6] =	sst s2  }
0x8f: {  	_ = 	snop  }
0x90: {  	s2 =	sld [smem:$0x3FC9]  }
0x91: {  	s18 =	sld [smem:$0x3FC8];
	(tm) =	ssettm $0x1  }
0x92: {  	s4 =	sld [smem:$0x3FFB];
	_ =	sdelay $0x3  }
0x93: {  	_ =	strace s4  }
0x94: {  	s4 =	sld [smem:$0x3FFC];
	_ =	sdelay $0x3  }
0x95: {  	_ =	strace s4  }
0x96: {  	s4 =	sld [smem:$0x3FFD];
	_ =	sdelay $0x3  }
0x97: {  	_ =	strace s4  }
0x98: {  	_ =	strace $0x8FFFFFFF  }
0x99: {  	s19 =	sld [smem:$0x3FDB];
	_ =	sdelay $0x1  }
0x9a: {  	s5 =	simm.s32 $_scs_section_size  }
0x9b: {  	s6 =	simm.s32 $_size__tile_overlayer_lowered;
	s7 =	simm.s32 $_tile_overlayer_lowered  }
0x9c: {  	s22 =	simm.s32 $0x1BFF;
	s21 =	sshll.u32 s7, $0x1;
	s4 =	sadd.s32 s5, s19  }
0x9d: {  	s8 =	simm.s32 $0x0;
	s20 =	sshll.u32 s6, $0x1;
	s6 =	sadd.s32 s21, s4  }
0x9e: {  	[timem:s8], [sflag:s22] =	dma.local [hbm:s6], s20  }
0x9f: {  	_ =	swait.ge [sflag:s22], s20  }
0xa0: {  	s5 =	ssub.s32 $0x0, s20;
	[sflag:s22] =	ssyncset.done $0x0  }
0xa1: {  	[sflag:s22] =	ssyncadd.s32 s5;
	_ =	sdelay $0x1  }
0xa2: {  	s23 =	simm.s32 $0x1B8B  }
0xa3: {  	_ =	swait.ge [sflag:s23], $0x1  }
0xa4: {  	[sflag:s23] =	ssyncset.done $0x0  }
0xa5: {  	s25 =	simm.s32 $0x1B8E;
	s24 =	sld [smem:$0x3FFE];
	[sflag:s23] =	ssyncadd.s32 $0xFFFFFFFF  }
0xa6: {  	s26 =	simm.s32 $execute0_lowered;
	[smem:$0x3FD2] =	sst s25  }
0xa7: {  	s6 =	sshll.u32 s26, $0x1;
	_ =	strace $0x80000046;
	[dreg:$0x1] =	wrdreg $0xFFFFFFFF  }
0xa8: {  	s28 =	simm.s32 $_size_execute0_lowered;
	s4 =	sadd.s32 s4, s6;
	[dreg:$0x0] =	wrdreg $0x0  }
0xa9: {  	s6 =	sshll.u32 s28, $0x1;
	[dreg:$0x2] =	wrdreg s4  }
0xaa: {  	[dreg:$0x3] =	wrdreg s6  }
0xab: {  	[dreg:$0x4] =	wrdreg $0xC0  }
0xac: {  	_ =	task [dreg:s8], $0x5FFFF  }
0xad: {  	[dreg:$0x1] =	wrdreg $0xFFFFFFFF  }
0xae: {  	[dreg:$0x0] =	wrdreg $0x60  }
0xaf: {  	[dreg:$0x2] =	wrdreg s2  }
0xb0: {  	[dreg:$0x3] =	wrdreg s18  }
0xb1: {  	[dreg:$0x4] =	wrdreg s24  }
0xb2: {  	[dreg:$0x5] =	wrdreg $0x9  }
0xb3: {  	_ =	task.clear_ibuf [dreg:s8], $0x6FFFF;
	_ =	strace $0x90000046  }
0xb4: {  	s29 =	simm.s32 $0x9;
	_ =	strace $0x8000004E  }
0xb5: {  	_ =	swait.ge [sflag:s29], $0x1  }
0xb6: {  	[sflag:s29] =	ssyncadd.s32 $0xFFFFFFFF  }
0xb7: {  	_ =	strace $0x9000004E  }
0xb8: {  	_ =	sfence  }
0xb9: {  	s30 =	sld [smem:$0x0];
	_ =	sdelay $0x2  }
0xba: {  	s31 =	sshll.u32 s1, $0xD;
	s1 =	sshrl.u32 s1, $0x2  }
0xbb: {  	s3 =	sand.u32 $0x4000, s31;
	s1 =	sadd.s32 s1, s30  }
0xbc: {  	s0 =	sor.u32 s3, s0;
	s1 =	sshll.u32 s1, $0x11  }
0xbd: {  	s0 =	sor.u32 s1, s0  }
0xbe: {  	s0 =	sadd.s32 $0x8F2B, s0  }
0xbf: {  	[sflag:s0] =	ssyncadd.remote.s32 $0x1  }
0xc0: {  	_ =	sfence.sel $0xFFFF  }
0xc1: {  	[dreg:$0x0] =	wrdreg $0xFFFFFFFF;
	(pc) =	sbr.abs _section_cstart, $3  }
0xc2: {  	[dreg:$0x1] =	wrdreg $0xFFFFFFFF  }
0xc3: {  	_ =	task.clear_ibuf [dreg:s8], $0x2FFFF;
	_ =	strace $0x9FFFFFFF  }
0xc4: {  	(tm) =	ssettm $0x7FFFFFFF  }
0xc5: {  	_ =	shalt  }
tec
execute0_lowered:
.L_overlay_start_1:
0x0: {  	(tag) =	ssettag $0x1  }
0x1: {  	s1 =	rddreg [dreg:$0x0]  }
0x2: {  	s2 =	rddreg [dreg:$0x1]  }
0x3: {  	s4 =	rddreg [dreg:$0x2];
	s3 =	simm.s32 $0x0  }
0x4: {  	s5 =	srdreg.scid;
	s0 =	stileid.u32;
	s14 =	simm.s32 $0x400  }
0x5: {  	s15 =	simm.s32 $0x0;
	[smem:$0x7FF] =	sst s3;
	s5 =	sand.u32 $0x1, s5  }
0x6: {  	s9 =	sshll.u32 s0, $0x3;
	s10 =	sshll.u32 s0, $0x5;
	s30 =	sshll.u32 s0, $0x9  }
0x7: {  	_ =	strace $0x80000047;
	s6 =	sshll.u32 s5, $0x4;
	s7 =	ssub.s32 $0x2, s5  }
0x8: {  	s5 =	sshll.u32 s5, $0x7;
	s10 =	sand.u32 $0x60, s10;
	s6 =	sadd.s32 s6, s4  }
0x9: {  	s8 =	sshrl.u32 s7, $0x1;
	s5 =	sor.u32 s9, s5;
	s9 =	sand.u32 $0x1800, s30  }
0xa: {  	s11 =	sshll.u32 s5, $0xB;
	s10 =	sadd.s32 s10, s6;
	s12 =	ssub.s32 s7, s8  }
0xb: {  	s6 =	sadd.s32 s1, s11;
	s31 =	sadd.s32 s9, s10;
	s7 =	sadd.s32 s2, s11  }
0xc: {  	v0 =	vimm.f32 $0.0e+00;
	s9 =	smax.u32 s12, $0x1;
	s12 =	simm.s32 $0x1;
	s8 =	sadd.s32 $0x800, s31  }
.LBB2_1:
0xd: {  	s16 =	simm.s32 $0x40;
	s17 =	simm.s32 $0x0  }
.LBB2_2:
0xe: {  	p0 =	sne.s32 s16, $0x1FC0;
	[tilespmem:s17+$0x0] =	vst v0;
	s17 =	smov.u32 s16;
	s16 =	sadd.s32 $0x40, s16  }
.Ltmp0:
0xf: {  	(pc) =	sbr.rel @p0 .LBB2_2-.Ltmp0, $2  }
0x10: {  	_ =	sdelay $0x2  }
0x11: {  	s17 =	sshra.s32 s17, $0x2  }
0x12: {  	[tilespmem:s17+$0x0] =	vst v0;
	s22 =	simm.s32 $0x0  }
0x13: {  	s0 =	simm.s32 $0x800;
	s31 =	simm.s32 $0x8800;
	_ =	strace $0x80000048  }
0x14: {  	[tilespmem:s0], [sflag:$0x1] =	stream.linear.gather [hbm4b:s6+s22], $0x4000, $0x200038;
	[tilespmem:$0x10800] =	vst v63  }
0x15: {  	s16 =	simm.s32 $0x1;
	s17 =	simm.s32 $0x0;
	s18 =	simm.s32 $0x1  }
0x16: {  	[tilespmem:s31], [sflag:$0x3] =	stream.linear.gather [hbm4b:s7+s22], $0x4000, $0x200038;
	[tilespmem:$0x10800] =	vst v63  }
0x17: {  	s19 =	simm.s32 $0x0;
	s20 =	simm.s32 $0x0;
	_ =	strace $0x90000048  }
.LBB2_4:
0x18: {  	s21 =	sadd.s32 $0x1, s22  }
0x19: {  	p0 =	seq.s32 s21, $0x8  }
0x1a: {  	s21 =	simm.s32 @p0 $0x0;
	p0 =	seq.s32 s20, $0x7  }
0x1b: {  	p1 =	seq.s32 @!p0 s22, s21  }
0x1c: {  	p2 =	por p1, p0  }
0x1d: {  	s23 =	sadd.s32 @!p2 s5, s21  }
0x1e: {  	s24 =	sand.u32 @!p2 $0x1, s16;
	_ =	strace @!p2 $0x80000049;
	s23 =	sshll.u32 @!p2 s23, $0xB  }
0x1f: {  	s29 =	simm.s32 @!p2 $0x0;
	s25 =	sshll.u32 @!p2 s24, $0xE;
	s23 =	sand.u32 @!p2 $0x1FFFF800, s23  }
0x20: {  	s24 =	sadd.s32 @!p2 $0x1, s24;
	s25 =	sor.u32 @!p2 $0x800, s25;
	s28 =	sadd.s32 @!p2 s1, s23  }
0x21: {  	[tilespmem:s25], [sflag:s24] =	stream.linear.gather @!p2 [hbm4b:s28+s29], $0x4000, $0x200038;
	[tilespmem:$0x10800] =	vst v63  }
0x22: {  	s24 =	sand.u32 @!p2 $0x1, s18  }
0x23: {  	s23 =	sadd.s32 @!p2 s2, s23;
	_ =	strace @!p2 $0x90000049;
	s25 =	sshll.u32 @!p2 s24, $0xE  }
0x24: {  	s24 =	sadd.s32 @!p2 $0x3, s24;
	_ =	strace @!p2 $0x8000004A;
	s25 =	sor.u32 @!p2 $0x8800, s25  }
0x25: {  	[tilespmem:s25], [sflag:s24] =	stream.linear.gather @!p2 [hbm4b:s23+s29], $0x4000, $0x200038;
	[tilespmem:$0x10800] =	vst v63  }
0x26: {  	s11 =	sand.u32 $0x1, s19;
	_ =	strace @!p2 $0x9000004A  }
0x27: {  	s23 =	sadd.s32 $0x1, s11;
	_ =	strace $0x8000004B  }
0x28: {  	_ =	swait.ge [sflag:s23], $0x4000  }
0x29: {  	[sflag:s23] =	ssyncset.done $0x0  }
0x2a: {  	[sflag:s23] =	ssyncadd.s32 $0xFFFFC000  }
0x2b: {  	s13 =	sand.u32 $0x1, s17;
	_ =	strace $0x9000004B  }
0x2c: {  	s23 =	sadd.s32 $0x3, s13;
	_ =	strace $0x8000004C  }
0x2d: {  	_ =	swait.ge [sflag:s23], $0x4000  }
0x2e: {  	[sflag:s23] =	ssyncset.done $0x0  }
0x2f: {  	s24 =	sshll.u32 s19, $0xE;
	[sflag:s23] =	ssyncadd.s32 $0xFFFFC000  }
0x30: {  	s25 =	sshll.u32 s17, $0xE;
	s23 =	sand.u32 $0x4000, s24;
	_ =	strace $0x9000004C  }
0x31: {  	s24 =	sand.u32 $0x4000, s25;
	s0 =	sor.u32 $0x800, s23;
	_ =	strace $0x8000004D  }
0x32: {  	s4 =	simm.s32 $0x0;
	s29 =	simm.s32 $0x0;
	s28 =	sor.u32 $0x8800, s24;
	v1 =	vmov s0;
	v3 =	vld [tilespmem:s23+$0x800]  }
0x33: {  	s25 =	sand.u32 $0x3800, s4;
	v2 =	vmov s28;
	s28 =	sand.u32 $0x400, s29;
	s29 =	simm.s32 $0x0;
	v4 =	vld [tilespmem:s24+$0x8800]  }
0x34: {  	s25 =	sor.u32 s28, s25;
	s28 =	sand.u32 $0x380, s29  }
0x35: {  	s28 =	sor.u32 s28, s25  }
0x36: {  	s25 =	sor.u32 $0x10, s28  }
0x37: {  	v5 =	vld.idx.msk [tilespmem:v1+s25+$0x0 ss:$0x1], $0xffff  }
0x38: {  	v6 =	vld.idx.msk [tilespmem:v2+s25+$0x0 ss:$0x1], $0xffff;
	v4 =	vadd.f32 $8.600000140e-01, v4;
	_ =	sdelay $0x1  }
0x39: {  	s10 =	sor.u32 $0x20, s28;
	[tilespmem:v3+s3+$0x0] =	vst.idx.add.f32.msk $0xffff, v4  }
0x3a: {  	v3 =	vld.idx.msk [tilespmem:v1+s10+$0x0 ss:$0x1], $0xffff  }
0x3b: {  	v4 =	vld.idx.msk [tilespmem:v2+s10+$0x0 ss:$0x1], $0xffff  }
0x3c: {  	v6 =	vadd.f32 $8.600000140e-01, v6;
	_ =	sdelay $0x1  }
0x3d: {  	s11 =	sor.u32 $0x30, s28;
	[tilespmem:v5+s3+$0x0] =	vst.idx.add.f32.msk $0xffff, v6  }
0x3e: {  	v5 =	vld.idx.msk [tilespmem:v1+s11+$0x0 ss:$0x1], $0xffff  }
0x3f: {  	v6 =	vld.idx.msk [tilespmem:v2+s11+$0x0 ss:$0x1], $0xffff;
	v4 =	vadd.f32 $8.600000140e-01, v4;
	_ =	sdelay $0x1  }
0x40: {  	s13 =	sor.u32 $0x40, s28;
	[tilespmem:v3+s3+$0x0] =	vst.idx.add.f32.msk $0xffff, v4  }
0x41: {  	v3 =	vld.idx.msk [tilespmem:v1+s13+$0x0 ss:$0x1], $0xffff  }
0x42: {  	v4 =	vld.idx.msk [tilespmem:v2+s13+$0x0 ss:$0x1], $0xffff  }
0x43: {  	v6 =	vadd.f32 $8.600000140e-01, v6;
	_ =	sdelay $0x1  }
0x44: {  	s29 =	sor.u32 $0x50, s28;
	[tilespmem:v5+s3+$0x0] =	vst.idx.add.f32.msk $0xffff, v6  }
0x45: {  	v6 =	vld.idx.msk [tilespmem:v2+s29+$0x0 ss:$0x1], $0xffff  }
0x46: {  	v5 =	vadd.f32 $8.600000140e-01, v4;
	v4 =	vld.idx.msk [tilespmem:v1+s29+$0x0 ss:$0x1], $0xffff  }
0x47: {  	s31 =	simm.s32 $0x400;
	p1 =	por !p1, p0;
	s30 =	sadd.s32 @!p2 $0x1, s16  }
0x48: {  	s26 =	smov.u32 s16;
	s31 =	sand.u32 $0x400, s31;
	s16 =	smov.u32 @p1 s30  }
0x49: {  	s16 =	smov.u32 @p0 s26;
	s25 =	simm.s32 $0x0;
	s29 =	sor.u32 $0x60, s28;
	[tilespmem:v3+s3+$0x0] =	vst.idx.add.f32.msk $0xffff, v5  }
0x4a: {  	s26 =	simm.s32 $0x0;
	s30 =	sor.u32 $0x70, s28;
	s25 =	simm.s32 @p1 $0x1;
	v3 =	vld.idx.msk [tilespmem:v1+s29+$0x0 ss:$0x1], $0xffff  }
0x4b: {  	s25 =	simm.s32 @p0 $0x0;
	s28 =	simm.s32 $0x800;
	v5 =	vld.idx.msk [tilespmem:v2+s29+$0x0 ss:$0x1], $0xffff;
	v6 =	vadd.f32 $8.600000140e-01, v6;
	s29 =	simm.s32 $0x8  }
.LBB2_5:
0x4c: {  	s0 =	sshll.u32 s29, $0x4  }
0x4d: {  	s4 =	sshll.u32 s29, $0x3;
	s29 =	smov.u32 s26;
	s26 =	sadd.s32 $0x8, s26  }
0x4e: {  	s11 =	sadd.s32 $0xFFFFFC00, s28;
	s10 =	sshll.u32 s26, $0x4;
	[tilespmem:v4+s3+$0x0] =	vst.idx.add.f32.msk $0xffff, v6;
	s4 =	sand.u32 $0x380, s4  }
0x4f: {  	s11 =	sand.u32 $0x400, s11;
	s13 =	sshll.u32 s26, $0x3;
	s10 =	sand.u32 $0x3800, s10;
	v4 =	vld.idx.msk [tilespmem:v1+s30+$0x0 ss:$0x1], $0xffff  }
0x50: {  	s0 =	sand.u32 $0x7800, s0;
	s10 =	sor.u32 s11, s10;
	s11 =	sand.u32 $0x380, s13;
	v6 =	vld.idx.msk [tilespmem:v2+s30+$0x0 ss:$0x1], $0xffff  }
0x51: {  	p1 =	slt.u32 s26, $0x3F0;
	s0 =	sor.u32 s31, s0;
	v5 =	vadd.f32 $8.600000140e-01, v5;
	s30 =	sor.u32 s11, s10  }
0x52: {  	s0 =	sor.u32 s4, s0;
	s10 =	sor.u32 $0x10, s30  }
0x53: {  	[tilespmem:v3+s3+$0x0] =	vst.idx.add.f32.msk $0xffff, v5  }
0x54: {  	v3 =	vld.idx.msk [tilespmem:v1+s0+$0x0 ss:$0x1], $0xffff  }
0x55: {  	v5 =	vld.idx.msk [tilespmem:v2+s0+$0x0 ss:$0x1], $0xffff  }
0x56: {  	v6 =	vadd.f32 $8.600000140e-01, v6;
	_ =	sdelay $0x1  }
0x57: {  	[tilespmem:v4+s3+$0x0] =	vst.idx.add.f32.msk $0xffff, v6  }
0x58: {  	v4 =	vld.idx.msk [tilespmem:v1+s10+$0x0 ss:$0x1], $0xffff  }
0x59: {  	s0 =	sor.u32 $0x20, s30;
	v6 =	vld.idx.msk [tilespmem:v2+s10+$0x0 ss:$0x1], $0xffff;
	v5 =	vadd.f32 $8.600000140e-01, v5;
	_ =	sdelay $0x2  }
0x5a: {  	s4 =	sor.u32 $0x30, s30;
	[tilespmem:v3+s3+$0x0] =	vst.idx.add.f32.msk $0xffff, v5  }
0x5b: {  	v3 =	vld.idx.msk [tilespmem:v2+s0+$0x0 ss:$0x1], $0xffff  }
0x5c: {  	v5 =	vld.idx.msk [tilespmem:v1+s0+$0x0 ss:$0x1], $0xffff  }
0x5d: {  	v6 =	vadd.f32 $8.600000140e-01, v6;
	_ =	sdelay $0x1  }
0x5e: {  	[tilespmem:v4+s3+$0x0] =	vst.idx.add.f32.msk $0xffff, v6  }
0x5f: {  	v4 =	vld.idx.msk [tilespmem:v1+s4+$0x0 ss:$0x1], $0xffff  }
0x60: {  	s0 =	sor.u32 $0x40, s30;
	v6 =	vld.idx.msk [tilespmem:v2+s4+$0x0 ss:$0x1], $0xffff  }
0x61: {  	v3 =	vadd.f32 $8.600000140e-01, v3;
	_ =	sdelay $0x1  }
0x62: {  	s4 =	sor.u32 $0x50, s30;
	[tilespmem:v5+s3+$0x0] =	vst.idx.add.f32.msk $0xffff, v3  }
0x63: {  	v3 =	vld.idx.msk [tilespmem:v2+s0+$0x0 ss:$0x1], $0xffff  }
0x64: {  	v5 =	vld.idx.msk [tilespmem:v1+s0+$0x0 ss:$0x1], $0xffff  }
0x65: {  	v6 =	vadd.f32 $8.600000140e-01, v6;
	_ =	sdelay $0x1  }
0x66: {  	[tilespmem:v4+s3+$0x0] =	vst.idx.add.f32.msk $0xffff, v6  }
0x67: {  	v4 =	vld.idx.msk [tilespmem:v1+s4+$0x0 ss:$0x1], $0xffff  }
0x68: {  	s0 =	sor.u32 $0x60, s30;
	v6 =	vld.idx.msk [tilespmem:v2+s4+$0x0 ss:$0x1], $0xffff  }
0x69: {  	v3 =	vadd.f32 $8.600000140e-01, v3  }
.Ltmp1:
0x6a: {  	(pc) =	sbr.rel @p1 .LBB2_5-.Ltmp1, $4  }
0x6b: {  	s30 =	sor.u32 $0x70, s30;
	[tilespmem:v5+s3+$0x0] =	vst.idx.add.f32.msk $0xffff, v3  }
0x6c: {  	v3 =	vld.idx.msk [tilespmem:v1+s0+$0x0 ss:$0x1], $0xffff  }
0x6d: {  	v5 =	vld.idx.msk [tilespmem:v2+s0+$0x0 ss:$0x1], $0xffff  }
0x6e: {  	s29 =	sadd.s32 $0x10, s29;
	s31 =	sand.u32 $0x400, s28;
	s28 =	sadd.s32 $0x400, s28;
	v6 =	vadd.f32 $8.600000140e-01, v6  }
0x6f: {  	_ =	sdelay $0x3  }
0x70: {  	[tilespmem:v4+s3+$0x0] =	vst.idx.add.f32.msk $0xffff, v6  }
0x71: {  	v4 =	vld.idx.msk [tilespmem:v1+s30+$0x0 ss:$0x1], $0xffff  }
0x72: {  	v6 =	vld.idx.msk [tilespmem:v2+s30+$0x0 ss:$0x1], $0xffff  }
0x73: {  	s0 =	sshll.u32 s29, $0x4  }
0x74: {  	s4 =	sshll.u32 s29, $0x3;
	s0 =	sand.u32 $0x7800, s0;
	v5 =	vadd.f32 $8.600000140e-01, v5  }
0x75: {  	s4 =	sand.u32 $0x380, s4;
	s0 =	sor.u32 s31, s0  }
0x76: {  	s0 =	sor.u32 s4, s0;
	[tilespmem:v3+s3+$0x0] =	vst.idx.add.f32.msk $0xffff, v5  }
0x77: {  	v1 =	vld.idx.msk [tilespmem:v1+s0+$0x0 ss:$0x1], $0xffff;
	v3 =	vadd.f32 $8.600000140e-01, v6  }
0x78: {  	v2 =	vld.idx.msk [tilespmem:v2+s0+$0x0 ss:$0x1], $0xffff  }
0x79: {  	[tilespmem:v4+s3+$0x0] =	vst.idx.add.f32.msk $0xffff, v3  }
0x7a: {  	v3 =	vld [tilespmem:s23+$0x4790]  }
0x7b: {  	v4 =	vld [tilespmem:s24+$0xC790];
	_ =	sdelay $0x1  }
0x7c: {  	v2 =	vadd.f32 $8.600000140e-01, v2;
	_ =	sdelay $0x1  }
0x7d: {  	[tilespmem:v1+s3+$0x0] =	vst.idx.add.f32.msk $0xffff, v2  }
0x7e: {  	v1 =	vld [tilespmem:s23+$0x47A0];
	v2 =	vadd.f32 $8.600000140e-01, v4  }
0x7f: {  	v63 =	vld [tilespmem:s24+$0xC7A0]  }
0x80: {  	[tilespmem:v3+s3+$0x0] =	vst.idx.add.f32.msk $0xffff, v2  }
0x81: {  	v2 =	vld [tilespmem:s23+$0x47B0]  }
0x82: {  	v3 =	vld [tilespmem:s24+$0xC7B0];
	_ =	sdelay $0x1  }
0x83: {  	v4 =	vadd.f32 $8.600000140e-01, v63;
	_ =	sdelay $0x1  }
0x84: {  	[tilespmem:v1+s3+$0x0] =	vst.idx.add.f32.msk $0xffff, v4  }
0x85: {  	v1 =	vld [tilespmem:s23+$0x47C0];
	v3 =	vadd.f32 $8.600000140e-01, v3  }
0x86: {  	v4 =	vld [tilespmem:s24+$0xC7C0]  }
0x87: {  	[tilespmem:v2+s3+$0x0] =	vst.idx.add.f32.msk $0xffff, v3  }
0x88: {  	v2 =	vld [tilespmem:s23+$0x47D0]  }
0x89: {  	v3 =	vld [tilespmem:s24+$0xC7D0];
	_ =	sdelay $0x1  }
0x8a: {  	v4 =	vadd.f32 $8.600000140e-01, v4;
	_ =	sdelay $0x1  }
0x8b: {  	[tilespmem:v1+s3+$0x0] =	vst.idx.add.f32.msk $0xffff, v4  }
0x8c: {  	v1 =	vld [tilespmem:s23+$0x47E0];
	v3 =	vadd.f32 $8.600000140e-01, v3  }
0x8d: {  	v4 =	vld [tilespmem:s24+$0xC7E0]  }
0x8e: {  	[tilespmem:v2+s3+$0x0] =	vst.idx.add.f32.msk $0xffff, v3  }
0x8f: {  	v2 =	vld [tilespmem:s23+$0x47F0]  }
0x90: {  	v3 =	vld [tilespmem:s24+$0xC7F0]  }
0x91: {  	p1 =	sne.s32 s22, s21  }
0x92: {  	s20 =	sadd.s32 $0x1, s20;
	p0 =	por p0, p1;
	s0 =	simm.s32 $0x1  }
0x93: {  	s0 =	simm.s32 @!p0 $0x0;
	p0 =	sne.s32 s20, $0x8  }
.Ltmp2:
0x94: {  	v4 =	vadd.f32 $8.600000140e-01, v4;
	(pc) =	sbr.rel @p0 .LBB2_4-.Ltmp2, $4  }
0x95: {  	v3 =	vadd.f32 $8.600000140e-01, v3  }
0x96: {  	[tilespmem:v1+s3+$0x0] =	vst.idx.add.f32.msk $0xffff, v4  }
0x97: {  	s18 =	sadd.s32 s18, s25;
	s22 =	smov.u32 s21;
	[tilespmem:v2+s3+$0x0] =	vst.idx.add.f32.msk $0xffff, v3  }
0x98: {  	s19 =	sadd.s32 s0, s19;
	s17 =	sadd.s32 s0, s17;
	_ =	strace $0x9000004D  }
0x99: {  	s15 =	sadd.s32 $0x1, s15  }
0x9a: {  	p0 =	sne.s32 s15, s9  }
.Ltmp3:
0x9b: {  	s0 =	simm.s32 $0x80;
	(pc) =	sbr.rel @p0 .LBB2_1-.Ltmp3, $4  }
0x9c: {  	[hbm4b:s8+s0] =	stream.strided.scatter [tilespmem:s3], [sflag:$0x1], $0x800, s14, s0, $0x38;
	[tilespmem:$0x10800] =	vst v63  }
0x9d: {  	_ =	swait.ge [sflag:s12], $0x800  }
0x9e: {  	[sflag:s12] =	ssyncset.done $0x0  }
0x9f: {  	[sflag:s12] =	ssyncadd.s32 $0xFFFFF800  }
0xa0: {  	_ =	sfence.sel $0x180000  }
0xa1: {  	[bflag:$0x0] =	sbarrier.arrive $0xFFFF  }
0xa2: {  	_ =	strace $0x90000047  }
0xa3: {  	s0 =	stileid.u32;
	[bflag:$0x2] =	sbarrier.arrive $0xFFFF  }
0xa4: {  	p0 =	sne.s32 s0, $0x0;
	s0 =	rddreg [dreg:$0x3]  }
0xa5: {  	s0 =	sadd.s32 @!p0 $0x100000, s0  }
0xa6: {  	[sflag:s0] =	ssyncadd.tile.s32 @!p0 $0x1;
	_ =	shalt  }
.Lfunc_end2:
_tile_overlayer_lowered:
.L_overlay_start_2:
0xa7: {  	(tag) =	ssettag $0x2  }
0xa8: {  	s0 =	rddreg [dreg:$0x0];
	s2 =	stileid.u32  }
0xa9: {  	s1 =	rddreg [dreg:$0x1];
	p0 =	sne.s32 s2, $0x0  }
0xaa: {  	s3 =	rddreg [dreg:$0x2];
	[bflag:$0x3] =	sbarrier.arrive $0xFFFF;
	s2 =	simm.s32 @!p0 $0x1C01  }
0xab: {  	[timem:s3], [sflag:s2] =	dma.local @!p0 [hbm:s0], s1  }
0xac: {  	s0 =	simm.s32 @!p0 $0x1  }
0xad: {  	_ =	swait.ge @!p0 [sflag:s0], s1  }
0xae: {  	s1 =	ssub.s32 @!p0 $0x0, s1;
	[sflag:s0] =	ssyncset.done @!p0 $0x0  }
0xaf: {  	[sflag:s0] =	ssyncadd.s32 @!p0 s1  }
0xb0: {  	[bflag:$0x3] =	sbarrier.arrive $0xFFFF  }
0xb1: {  	_ =	shalt  }

// kernel: kernel.7.cloned.1.call-start
scs
__scs_entry_jumppad:
0x0: {  	(pc) =	sbr.rel $0x88, $3  }
0x1: {  	(tag) =	ssettag $0x0;
	lr =	simm.s32 $0x1  }
0x2: {  	[smem:$0x3F9F] =	sst lr;
	_ =	strace $0xD0000000  }
0x3: {  	_ = 	snop  }
0x4: {  	_ = 	snop  }
0x5: {  	_ = 	snop  }
0x6: {  	_ = 	snop  }
0x7: {  	_ = 	snop  }
__scs_overlays_trampoline_lowered:
0x8: {  	[smem:$0x3FAE] =	sst s0  }
0x9: {  	[smem:$0x3FAF] =	sst s1  }
0xa: {  	[smem:$0x3FB0] =	sst s2  }
0xb: {  	[smem:$0x3FB1] =	sst s3  }
0xc: {  	[smem:$0x3FB2] =	sst s4  }
0xd: {  	[smem:$0x3FB3] =	sst s5  }
0xe: {  	[smem:$0x3FB4] =	sst s6  }
0xf: {  	[smem:$0x3FB5] =	sst s7  }
0x10: {  	[smem:$0x3FB6] =	sst s8  }
0x11: {  	[smem:$0x3FB7] =	sst s9;
	s0 =	simm.s32 @!p0 $0x0  }
0x12: {  	s1 =	sld [smem:$0x3F9D];
	s0 =	simm.s32 @p0 $0x1  }
0x13: {  	[smem:$0x3FB8] =	sst s0;
	s0 =	simm.s32 @!p1 $0x0  }
0x14: {  	s2 =	sld [smem:$0x3F9C];
	s0 =	simm.s32 @p1 $0x1  }
0x15: {  	[smem:$0x3FB9] =	sst s0;
	s0 =	simm.s32 @!p2 $0x0  }
0x16: {  	s3 =	sld [smem:$0x3FDB];
	s0 =	simm.s32 @p2 $0x1  }
0x17: {  	s4 =	simm.s32 $0x1BF5;
	[smem:$0x3FBB] =	sst s0  }
0x18: {  	s0 =	sld [smem:$0x3F9E];
	_ =	swait.ge [sflag:s4], $0x0  }
0x19: {  	s7 =	sld [smem:$0x3F9F]  }
0x1a: {  	s8 =	sadd.s32 $0xFFFFE003, lr  }
0x1b: {  	s9 =	sadd.s32 $0xFFFFFEF7, lr;
	s5 =	simm.s32 $0xFFFFFFFF;
	p2 =	slt.u32 s8, $0xFFFFF086  }
0x1c: {  	p1 =	slt.u32 s9, $0xF7A;
	s5 =	simm.s32 @!p2 $0x0  }
0x1d: {  	s5 =	simm.s32 @p1 $0x1;
	p0 =	seq.s32 s7, s2  }
0x1e: {  	s7 =	smul.u32 @!p0 $0xF7A, s2;
	p2 =	seq.s32 @!p0 s5, $0x0  }
0x1f: {  	s9 =	smul.u32 $0xF7A, s1;
	s8 =	simm.s32 @!p0 $0x1BF5;
	p2 =	por !p2, p0  }
0x20: {  	[sflag:s8] =	ssyncset.s32 @!p0 $0xFFFFF086;
	s6 =	sadd.s32 @!p0 s3, s7;
	s7 =	simm.s32 @!p0 $0x108  }
0x21: {  	s3 =	sadd.s32 s3, s9;
	s6 =	sadd.s32 @!p0 $0x88, s6;
	s7 =	simm.s32 @p2 $0x1082  }
0x22: {  	[simem:s7], [sflag:s8] =	dma.local @!p0 [hbm:s6], $0xF7A  }
0x23: {  	s9 =	sor.u32 $0xD0000000, s2;
	s6 =	simm.s32 $0x108;
	_ =	swait.ge @!p0 [sflag:s8], $0x0  }
0x24: {  	s3 =	sadd.s32 $0x88, s3;
	s6 =	simm.s32 @!p1 $0x1082;
	[sflag:s4] =	ssyncset.s32 $0xFFFFF086  }
0x25: {  	[simem:s6], [sflag:s4] =	dma.local [hbm:s3], $0xF7A  }
0x26: {  	[smem:$0x3F9F] =	sst s1;
	(tag) =	ssettag s2;
	_ =	strace s9  }
0x27: {  	s1 =	sld [smem:$0x3FAF]  }
0x28: {  	s2 =	sld [smem:$0x3FB0]  }
0x29: {  	s4 =	sld [smem:$0x3FB2]  }
0x2a: {  	p0 =	seq.s32 s5, $0x0;
	s5 =	sld [smem:$0x3FB3]  }
0x2b: {  	s6 =	sld [smem:$0x3FB4]  }
0x2c: {  	s7 =	sld [smem:$0x3FB5]  }
0x2d: {  	s3 =	simm.s32 $0x108;
	s8 =	sld [smem:$0x3FB6]  }
0x2e: {  	s3 =	simm.s32 @!p0 $0x1082;
	s9 =	sld [smem:$0x3FB7]  }
0x2f: {  	lr =	sadd.s32 s0, s3;
	s0 =	sld [smem:$0x3FAE]  }
0x30: {  	s3 =	sld [smem:$0x3FB1]  }
0x31: {  	[smem:$0x3FBA] =	sst s10  }
0x32: {  	s10 =	sld [smem:$0x3FB8];
	_ =	sdelay $0x3  }
0x33: {  	p0 =	seq.s32 s10, $0x1;
	s10 =	sld [smem:$0x3FBA];
	_ =	sdelay $0x3  }
0x34: {  	[smem:$0x3FBA] =	sst s10  }
0x35: {  	s10 =	sld [smem:$0x3FB9];
	_ =	sdelay $0x3  }
0x36: {  	p1 =	seq.s32 s10, $0x1;
	s10 =	sld [smem:$0x3FBA];
	_ =	sdelay $0x3  }
0x37: {  	[smem:$0x3FBA] =	sst s10  }
0x38: {  	s10 =	sld [smem:$0x3FBB]  }
0x39: {  	_ = 	snop;
	(pc) =	sbr.ind lr, $3  }
0x3a: {  	_ = 	snop  }
0x3b: {  	_ = 	snop  }
0x3c: {  	p2 =	seq.s32 s10, $0x1;
	s10 =	sld [smem:$0x3FBA]  }
0x3d: {  	_ =	shalt  }
0x3e: {  	_ =	shalt  }
0x3f: {  	_ =	shalt  }
0x40: {  	_ =	shalt  }
0x41: {  	_ =	shalt  }
0x42: {  	_ =	shalt  }
0x43: {  	_ =	shalt  }
0x44: {  	_ =	shalt  }
0x45: {  	_ =	shalt  }
0x46: {  	_ =	shalt  }
0x47: {  	_ =	shalt  }
0x48: {  	_ =	shalt  }
0x49: {  	_ =	shalt  }
0x4a: {  	_ =	shalt  }
0x4b: {  	_ =	shalt  }
0x4c: {  	_ =	shalt  }
0x4d: {  	_ =	shalt  }
0x4e: {  	_ =	shalt  }
0x4f: {  	_ =	shalt  }
0x50: {  	_ =	shalt  }
0x51: {  	_ =	shalt  }
0x52: {  	_ =	shalt  }
0x53: {  	_ =	shalt  }
0x54: {  	_ =	shalt  }
0x55: {  	_ =	shalt  }
0x56: {  	_ =	shalt  }
0x57: {  	_ =	shalt  }
0x58: {  	_ =	shalt  }
0x59: {  	_ =	shalt  }
0x5a: {  	_ =	shalt  }
0x5b: {  	_ =	shalt  }
0x5c: {  	_ =	shalt  }
0x5d: {  	_ =	shalt  }
0x5e: {  	_ =	shalt  }
0x5f: {  	_ =	shalt  }
0x60: {  	_ =	shalt  }
0x61: {  	_ =	shalt  }
0x62: {  	_ =	shalt  }
0x63: {  	_ =	shalt  }
0x64: {  	_ =	shalt  }
0x65: {  	_ =	shalt  }
0x66: {  	_ =	shalt  }
0x67: {  	_ =	shalt  }
0x68: {  	_ =	shalt  }
0x69: {  	_ =	shalt  }
0x6a: {  	_ =	shalt  }
0x6b: {  	_ =	shalt  }
0x6c: {  	_ =	shalt  }
0x6d: {  	_ =	shalt  }
0x6e: {  	_ =	shalt  }
0x6f: {  	_ =	shalt  }
0x70: {  	_ =	shalt  }
0x71: {  	_ =	shalt  }
0x72: {  	_ =	shalt  }
0x73: {  	_ =	shalt  }
0x74: {  	_ =	shalt  }
0x75: {  	_ =	shalt  }
0x76: {  	_ =	shalt  }
0x77: {  	_ =	shalt  }
0x78: {  	_ =	shalt  }
0x79: {  	_ =	shalt  }
0x7a: {  	_ =	shalt  }
0x7b: {  	_ =	shalt  }
0x7c: {  	_ =	shalt  }
0x7d: {  	_ =	shalt  }
0x7e: {  	_ =	shalt  }
0x7f: {  	_ =	shalt  }
0x80: {  	_ =	shalt  }
0x81: {  	_ =	shalt  }
0x82: {  	_ =	shalt  }
0x83: {  	_ =	shalt  }
0x84: {  	_ =	shalt  }
0x85: {  	_ =	shalt  }
0x86: {  	_ =	shalt  }
0x87: {  	_ =	shalt  }
.Lfunc_end0:
.L_simem_size_0:
called_computation.1_lowered:
.L_overlay_start_0:
0x88: {  	s2 =	sld [smem:$0x3FD9]  }
0x89: {  	s3 =	sld [smem:$0x3FFE];
	_ =	sdelay $0x1  }
0x8a: {  	s1 =	srdreg.scid  }
0x8b: {  	s0 =	sand.u32 $0x1, s1  }
0x8c: {  	s17 =	sshll.u32 s0, $0xA;
	s2 =	sadd.s32 s3, s2  }
0x8d: {  	s2 =	sadd.s32 s2, s17  }
0x8e: {  	[smem:$0x3FC6] =	sst s2  }
0x8f: {  	_ = 	snop  }
0x90: {  	s2 =	sld [smem:$0x3FC9]  }
0x91: {  	s18 =	sld [smem:$0x3FD0];
	(tm) =	ssettm $0x1  }
0x92: {  	s4 =	sld [smem:$0x3FFB];
	_ =	sdelay $0x3  }
0x93: {  	_ =	strace s4  }
0x94: {  	s4 =	sld [smem:$0x3FFC];
	_ =	sdelay $0x3  }
0x95: {  	_ =	strace s4  }
0x96: {  	s4 =	sld [smem:$0x3FFD];
	_ =	sdelay $0x3  }
0x97: {  	_ =	strace s4  }
0x98: {  	_ =	strace $0x8FFFFFFF  }
0x99: {  	s19 =	sld [smem:$0x3FDB];
	_ =	sdelay $0x1  }
0x9a: {  	s5 =	simm.s32 $_scs_section_size  }
0x9b: {  	s6 =	simm.s32 $_size__tile_overlayer_lowered;
	s7 =	simm.s32 $_tile_overlayer_lowered  }
0x9c: {  	s22 =	simm.s32 $0x1BFF;
	s21 =	sshll.u32 s7, $0x1;
	s4 =	sadd.s32 s5, s19  }
0x9d: {  	s8 =	simm.s32 $0x0;
	s20 =	sshll.u32 s6, $0x1;
	s6 =	sadd.s32 s21, s4  }
0x9e: {  	[timem:s8], [sflag:s22] =	dma.local [hbm:s6], s20  }
0x9f: {  	_ =	swait.ge [sflag:s22], s20  }
0xa0: {  	s5 =	ssub.s32 $0x0, s20;
	[sflag:s22] =	ssyncset.done $0x0  }
0xa1: {  	[sflag:s22] =	ssyncadd.s32 s5;
	_ =	sdelay $0x1  }
0xa2: {  	s23 =	simm.s32 $0x1B8B  }
0xa3: {  	_ =	swait.ge [sflag:s23], $0x1  }
0xa4: {  	[sflag:s23] =	ssyncset.done $0x0  }
0xa5: {  	s25 =	simm.s32 $0x1B8E;
	s24 =	sld [smem:$0x3FFE];
	[sflag:s23] =	ssyncadd.s32 $0xFFFFFFFF  }
0xa6: {  	s26 =	simm.s32 $execute0_lowered;
	[smem:$0x3FD2] =	sst s25  }
0xa7: {  	s6 =	sshll.u32 s26, $0x1;
	_ =	strace $0x8000004F;
	[dreg:$0x1] =	wrdreg $0xFFFFFFFF  }
0xa8: {  	s28 =	simm.s32 $_size_execute0_lowered;
	s4 =	sadd.s32 s4, s6;
	[dreg:$0x0] =	wrdreg $0x0  }
0xa9: {  	s6 =	sshll.u32 s28, $0x1;
	[dreg:$0x2] =	wrdreg s4  }
0xaa: {  	[dreg:$0x3] =	wrdreg s6  }
0xab: {  	[dreg:$0x4] =	wrdreg $0xC0  }
0xac: {  	_ =	task [dreg:s8], $0x5FFFF  }
0xad: {  	[dreg:$0x1] =	wrdreg $0xFFFFFFFF  }
0xae: {  	[dreg:$0x0] =	wrdreg $0x60  }
0xaf: {  	[dreg:$0x2] =	wrdreg s2  }
0xb0: {  	[dreg:$0x3] =	wrdreg s24  }
0xb1: {  	[dreg:$0x4] =	wrdreg s18  }
0xb2: {  	[dreg:$0x5] =	wrdreg $0x18800  }
0xb3: {  	[dreg:$0x6] =	wrdreg $0x9  }
0xb4: {  	_ =	task.clear_ibuf [dreg:s8], $0x7FFFF;
	_ =	strace $0x9000004F  }
0xb5: {  	s29 =	simm.s32 $0x9;
	_ =	strace $0x80000058  }
0xb6: {  	_ =	swait.ge [sflag:s29], $0x1  }
0xb7: {  	[sflag:s29] =	ssyncadd.s32 $0xFFFFFFFF  }
0xb8: {  	_ =	strace $0x90000058  }
0xb9: {  	_ =	sfence  }
0xba: {  	s30 =	sld [smem:$0x0];
	_ =	sdelay $0x2  }
0xbb: {  	s31 =	sshll.u32 s1, $0xD;
	s1 =	sshrl.u32 s1, $0x2  }
0xbc: {  	s3 =	sand.u32 $0x4000, s31;
	s1 =	sadd.s32 s1, s30  }
0xbd: {  	s0 =	sor.u32 s3, s0;
	s1 =	sshll.u32 s1, $0x11  }
0xbe: {  	s0 =	sor.u32 s1, s0  }
0xbf: {  	s0 =	sadd.s32 $0x8F2B, s0  }
0xc0: {  	[sflag:s0] =	ssyncadd.remote.s32 $0x1  }
0xc1: {  	_ =	sfence.sel $0xFFFF  }
0xc2: {  	[dreg:$0x0] =	wrdreg $0xFFFFFFFF;
	(pc) =	sbr.abs _section_cstart, $3  }
0xc3: {  	[dreg:$0x1] =	wrdreg $0xFFFFFFFF  }
0xc4: {  	_ =	task.clear_ibuf [dreg:s8], $0x2FFFF;
	_ =	strace $0x9FFFFFFF  }
0xc5: {  	(tm) =	ssettm $0x7FFFFFFF  }
tec
execute0_lowered:
.L_overlay_start_1:
0x0: {  	(tag) =	ssettag $0x1  }
0x1: {  	s1 =	rddreg [dreg:$0x0]  }
0x2: {  	s0 =	rddreg [dreg:$0x1]  }
0x3: {  	s2 =	rddreg [dreg:$0x2]  }
0x4: {  	s9 =	rddreg [dreg:$0x3];
	s3 =	simm.s32 $0x0;
	s25 =	srdreg.scid  }
0x5: {  	s6 =	stileid.u32;
	[smem:$0x7FF] =	sst s3;
	s3 =	sand.u32 $0x1, s25  }
0x6: {  	s5 =	sshll.u32 s6, $0x3;
	s6 =	sshll.u32 s6, $0x7;
	_ =	strace $0x80000050  }
0x7: {  	s4 =	ssub.s32 $0x2, s3;
	s3 =	sshll.u32 s3, $0x7;
	s0 =	sadd.s32 s6, s0  }
0x8: {  	s29 =	sadd.s32 s6, s9;
	s8 =	sshrl.u32 s4, $0x1;
	s7 =	sor.u32 s5, s3  }
0x9: {  	s0 =	sadd.s32 $0x800, s0;
	[dreg:$0x6] =	wrdreg s29;
	s28 =	sshll.u32 s7, $0xB  }
0xa: {  	s26 =	ssub.s32 s4, s8;
	[dreg:$0x5] =	wrdreg s0;
	s30 =	sadd.s32 s1, s28  }
0xb: {  	s16 =	simm.s32 $0x1080;
	s31 =	smax.u32 s26, $0x1;
	[dreg:$0x7] =	wrdreg s30  }
0xc: {  	v0 =	vlaneseq.u32;
	s18 =	simm.s32 $0x4;
	s19 =	simm.s32 $0x0;
	[dreg:$0x8] =	wrdreg s31  }
.LBB2_1:
0xd: {  	s0 =	simm.s32 $0x0;
	s3 =	rddreg [dreg:$0x5]  }
0xe: {  	s4 =	simm.s32 $0x400;
	s5 =	simm.s32 $0x4000;
	s30 =	simm.s32 $0x1  }
0xf: {  	[tilespmem:s0], [sflag:$0x1] =	stream.strided.gather [hbm4b:s3+s4], $0x1000, s5, s4, $0x38;
	[tilespmem:$0x11900] =	vst v63  }
0x10: {  	_ =	swait.ge [sflag:s30], $0x1000  }
0x11: {  	[sflag:s30] =	ssyncset.done $0x0  }
0x12: {  	s31 =	simm.s32 $0x0;
	[sflag:s30] =	ssyncadd.s32 $0xFFFFF000  }
0x13: {  	v1 =	vld [tilespmem:s31+$0x0];
	_ =	sdelay $0x1  }
0x14: {  	v2 =	vld [tilespmem:s31+$0x80];
	_ =	sdelay $0x1  }
0x15: {  	v3 =	vld [tilespmem:s31+$0x100]  }
0x16: {  	v1 =	vadd.f32 $0.0e+00, v1  }
0x17: {  	v4 =	vld [tilespmem:s31+$0x180]  }
0x18: {  	v1 =	vadd.f32 v2, v1  }
0x19: {  	v2 =	vld [tilespmem:s31+$0x200]  }
0x1a: {  	v1 =	vadd.f32 v3, v1  }
0x1b: {  	v3 =	vld [tilespmem:s31+$0x280]  }
0x1c: {  	v1 =	vadd.f32 v4, v1  }
0x1d: {  	v4 =	vld [tilespmem:s31+$0x300]  }
0x1e: {  	v1 =	vadd.f32 v2, v1  }
0x1f: {  	v2 =	vld [tilespmem:s31+$0x380]  }
0x20: {  	v1 =	vadd.f32 v3, v1  }
0x21: {  	v3 =	vld [tilespmem:s31+$0x400]  }
0x22: {  	v1 =	vadd.f32 v4, v1  }
0x23: {  	v4 =	vld [tilespmem:s31+$0x480]  }
0x24: {  	v1 =	vadd.f32 v2, v1  }
0x25: {  	v2 =	vld [tilespmem:s31+$0x500]  }
0x26: {  	v1 =	vadd.f32 v3, v1  }
0x27: {  	v3 =	vld [tilespmem:s31+$0x580]  }
0x28: {  	v1 =	vadd.f32 v4, v1  }
0x29: {  	v4 =	vld [tilespmem:s31+$0x600]  }
0x2a: {  	v1 =	vadd.f32 v2, v1  }
0x2b: {  	v2 =	vld [tilespmem:s31+$0x680]  }
0x2c: {  	v1 =	vadd.f32 v3, v1  }
0x2d: {  	v3 =	vld [tilespmem:s31+$0x700]  }
0x2e: {  	v1 =	vadd.f32 v4, v1  }
0x2f: {  	v4 =	vld [tilespmem:s31+$0x780]  }
0x30: {  	s21 =	simm.s32 $0x10;
	v5 =	vld [tilespmem:s31+$0x800];
	v1 =	vadd.f32 v2, v1  }
0x31: {  	v2 =	vld [tilespmem:s21+$0x0]  }
0x32: {  	v6 =	vld [tilespmem:s31+$0x880];
	v1 =	vadd.f32 v3, v1  }
0x33: {  	v3 =	vld [tilespmem:s21+$0x80]  }
0x34: {  	v7 =	vld [tilespmem:s31+$0x900];
	v1 =	vadd.f32 v4, v1  }
0x35: {  	v4 =	vld [tilespmem:s21+$0x100]  }
0x36: {  	v8 =	vld [tilespmem:s31+$0x980];
	v2 =	vadd.f32 $0.0e+00, v2;
	v1 =	vadd.f32 v5, v1  }
0x37: {  	v5 =	vld [tilespmem:s21+$0x180]  }
0x38: {  	v9 =	vld [tilespmem:s31+$0xA00];
	v2 =	vadd.f32 v3, v2;
	v1 =	vadd.f32 v6, v1  }
0x39: {  	v3 =	vld [tilespmem:s21+$0x200]  }
0x3a: {  	v6 =	vld [tilespmem:s31+$0xA80];
	v2 =	vadd.f32 v4, v2;
	v1 =	vadd.f32 v7, v1  }
0x3b: {  	v4 =	vld [tilespmem:s21+$0x280]  }
0x3c: {  	v7 =	vld [tilespmem:s31+$0xB00];
	v2 =	vadd.f32 v5, v2;
	v1 =	vadd.f32 v8, v1  }
0x3d: {  	v5 =	vld [tilespmem:s21+$0x300]  }
0x3e: {  	v8 =	vld [tilespmem:s31+$0xB80];
	v2 =	vadd.f32 v3, v2;
	v1 =	vadd.f32 v9, v1  }
0x3f: {  	v3 =	vld [tilespmem:s21+$0x380]  }
0x40: {  	v59 =	vld [tilespmem:s31+$0xC00];
	v2 =	vadd.f32 v4, v2;
	v1 =	vadd.f32 v6, v1  }
0x41: {  	v4 =	vld [tilespmem:s21+$0x400]  }
0x42: {  	v6 =	vld [tilespmem:s31+$0xC80];
	v2 =	vadd.f32 v5, v2;
	v1 =	vadd.f32 v7, v1  }
0x43: {  	v5 =	vld [tilespmem:s21+$0x480]  }
0x44: {  	v7 =	vld [tilespmem:s31+$0xD00];
	v2 =	vadd.f32 v3, v2;
	v1 =	vadd.f32 v8, v1  }
0x45: {  	v3 =	vld [tilespmem:s21+$0x500]  }
0x46: {  	v8 =	vld [tilespmem:s31+$0xD80];
	v2 =	vadd.f32 v4, v2;
	v1 =	vadd.f32 v59, v1  }
0x47: {  	v4 =	vld [tilespmem:s21+$0x580]  }
0x48: {  	v60 =	vld [tilespmem:s31+$0xE00];
	v2 =	vadd.f32 v5, v2;
	v1 =	vadd.f32 v6, v1  }
0x49: {  	v5 =	vld [tilespmem:s21+$0x600]  }
0x4a: {  	v6 =	vld [tilespmem:s31+$0xE80];
	v2 =	vadd.f32 v3, v2;
	v1 =	vadd.f32 v7, v1  }
0x4b: {  	v3 =	vld [tilespmem:s21+$0x680]  }
0x4c: {  	v7 =	vld [tilespmem:s31+$0xF00];
	v2 =	vadd.f32 v4, v2;
	v1 =	vadd.f32 v8, v1  }
0x4d: {  	v4 =	vld [tilespmem:s21+$0x700]  }
0x4e: {  	v8 =	vld [tilespmem:s31+$0xF80];
	v2 =	vadd.f32 v5, v2;
	v1 =	vadd.f32 v60, v1  }
0x4f: {  	v5 =	vld [tilespmem:s21+$0x780]  }
0x50: {  	s20 =	simm.s32 $0x20;
	v61 =	vld [tilespmem:s21+$0x800];
	v2 =	vadd.f32 v3, v2;
	v1 =	vadd.f32 v6, v1  }
0x51: {  	v3 =	vld [tilespmem:s20+$0x0]  }
0x52: {  	v6 =	vld [tilespmem:s21+$0x880];
	v2 =	vadd.f32 v4, v2;
	v1 =	vadd.f32 v7, v1  }
0x53: {  	v4 =	vld [tilespmem:s20+$0x80]  }
0x54: {  	v7 =	vld [tilespmem:s21+$0x900];
	v2 =	vadd.f32 v5, v2;
	v1 =	vadd.f32 v8, v1  }
0x55: {  	v5 =	vld [tilespmem:s20+$0x100];
	v8 =	vor.u32 s6, v0  }
0x56: {  	v10 =	vld [tilespmem:s21+$0x980];
	v3 =	vadd.f32 $0.0e+00, v3;
	v2 =	vadd.f32 v61, v2;
	vm0 =	vge.f32 v1, $0.0e+00  }
0x57: {  	v1 =	vld [tilespmem:s20+$0x180];
	v8 =	vnsel vm0, $0x0, v8  }
0x58: {  	v62 =	vld [tilespmem:s21+$0xA00];
	v3 =	vadd.f32 v4, v3;
	v2 =	vadd.f32 v6, v2;
	[tilespmem:s31+$0x1000] =	vst v8  }
0x59: {  	v4 =	vld [tilespmem:s20+$0x200]  }
0x5a: {  	v3 =	vadd.f32 v5, v3;
	v2 =	vadd.f32 v7, v2;
	v5 =	vld [tilespmem:s21+$0xA80]  }
0x5b: {  	v6 =	vld [tilespmem:s20+$0x280]  }
0x5c: {  	v7 =	vld [tilespmem:s20+$0x300];
	v1 =	vadd.f32 v1, v3;
	v2 =	vadd.f32 v10, v2  }
0x5d: {  	v3 =	vld [tilespmem:s21+$0xB00]  }
0x5e: {  	v8 =	vld [tilespmem:s20+$0x380];
	v2 =	vadd.f32 v62, v2;
	v1 =	vadd.f32 v4, v1  }
0x5f: {  	v4 =	vld [tilespmem:s21+$0xB80]  }
0x60: {  	v2 =	vadd.f32 v5, v2;
	v5 =	vld [tilespmem:s21+$0xC00];
	v1 =	vadd.f32 v6, v1  }
0x61: {  	v6 =	vld [tilespmem:s20+$0x400]  }
0x62: {  	v2 =	vadd.f32 v3, v2;
	v3 =	vld [tilespmem:s21+$0xC80];
	v1 =	vadd.f32 v7, v1  }
0x63: {  	v7 =	vld [tilespmem:s20+$0x480]  }
0x64: {  	v2 =	vadd.f32 v4, v2;
	v4 =	vld [tilespmem:s21+$0xD00];
	v1 =	vadd.f32 v8, v1  }
0x65: {  	v8 =	vld [tilespmem:s20+$0x500]  }
0x66: {  	v2 =	vadd.f32 v5, v2;
	v5 =	vld [tilespmem:s21+$0xD80];
	v1 =	vadd.f32 v6, v1  }
0x67: {  	v6 =	vld [tilespmem:s20+$0x580]  }
0x68: {  	v2 =	vadd.f32 v3, v2;
	v3 =	vld [tilespmem:s21+$0xE00];
	v1 =	vadd.f32 v7, v1  }
0x69: {  	v7 =	vld [tilespmem:s20+$0x600]  }
0x6a: {  	v63 =	vld [tilespmem:s20+$0x680];
	v2 =	vadd.f32 v4, v2;
	v1 =	vadd.f32 v8, v1  }
0x6b: {  	v8 =	vld [tilespmem:s21+$0xE80]  }
0x6c: {  	v4 =	vld [tilespmem:s20+$0x700];
	v5 =	vadd.f32 v5, v2;
	v1 =	vadd.f32 v6, v1  }
0x6d: {  	v2 =	vld [tilespmem:s21+$0xF00]  }
0x6e: {  	v1 =	vadd.f32 v7, v1;
	v7 =	vadd.f32 v3, v5;
	v3 =	vld [tilespmem:s21+$0xF80]  }
0x6f: {  	v5 =	vld [tilespmem:s20+$0x780]  }
0x70: {  	s0 =	simm.s32 $0x30;
	s4 =	simm.s32 $0x100;
	s3 =	smov.u32 s6;
	v6 =	vadd.f32 v63, v1;
	v1 =	vld [tilespmem:s20+$0x800];
	v7 =	vadd.f32 v8, v7  }
.LBB2_2:
0x71: {  	p0 =	sne.s32 s4, $0x1C0;
	v8 =	vld [tilespmem:s0+$0x0]  }
0x72: {  	v4 =	vadd.f32 v4, v6;
	v6 =	vld [tilespmem:s20+$0x880];
	v2 =	vadd.f32 v2, v7  }
0x73: {  	v7 =	vld [tilespmem:s0+$0x80]  }
0x74: {  	s3 =	sadd.s32 $0x10, s3;
	v4 =	vadd.f32 v5, v4;
	v5 =	vld [tilespmem:s20+$0x900];
	v2 =	vadd.f32 v3, v2  }
0x75: {  	v9 =	vor.u32 s3, v0;
	v3 =	vld [tilespmem:s0+$0x100]  }
0x76: {  	v8 =	vadd.f32 $0.0e+00, v8;
	v1 =	vadd.f32 v1, v4;
	v4 =	vld [tilespmem:s20+$0x980];
	vm0 =	vge.f32 v2, $0.0e+00  }
0x77: {  	v2 =	vld [tilespmem:s0+$0x180];
	v9 =	vnsel vm0, $0x0, v9  }
0x78: {  	v7 =	vadd.f32 v7, v8;
	v1 =	vadd.f32 v6, v1;
	v6 =	vld [tilespmem:s20+$0xA00];
	[tilespmem:s21+$0x1000] =	vst v9;
	s21 =	smov.u32 s20;
	s20 =	smov.u32 s0  }
0x79: {  	v8 =	vld [tilespmem:s20+$0x200]  }
0x7a: {  	v3 =	vadd.f32 v3, v7;
	v1 =	vadd.f32 v5, v1;
	v5 =	vld [tilespmem:s21+$0xA80]  }
0x7b: {  	v7 =	vld [tilespmem:s20+$0x280]  }
0x7c: {  	v2 =	vadd.f32 v2, v3;
	v1 =	vadd.f32 v4, v1;
	v3 =	vld [tilespmem:s21+$0xB00]  }
0x7d: {  	v4 =	vld [tilespmem:s20+$0x300]  }
0x7e: {  	v2 =	vadd.f32 v8, v2;
	v1 =	vadd.f32 v6, v1;
	v6 =	vld [tilespmem:s21+$0xB80]  }
0x7f: {  	v8 =	vld [tilespmem:s20+$0x380]  }
0x80: {  	v2 =	vadd.f32 v7, v2;
	v1 =	vadd.f32 v5, v1;
	v5 =	vld [tilespmem:s21+$0xC00]  }
0x81: {  	v7 =	vld [tilespmem:s20+$0x400]  }
0x82: {  	v2 =	vadd.f32 v4, v2;
	v1 =	vadd.f32 v3, v1;
	v3 =	vld [tilespmem:s21+$0xC80]  }
0x83: {  	v4 =	vld [tilespmem:s20+$0x480]  }
0x84: {  	v2 =	vadd.f32 v8, v2;
	v1 =	vadd.f32 v6, v1;
	v6 =	vld [tilespmem:s21+$0xD00]  }
0x85: {  	v8 =	vld [tilespmem:s20+$0x500]  }
0x86: {  	v2 =	vadd.f32 v7, v2;
	v1 =	vadd.f32 v5, v1;
	v5 =	vld [tilespmem:s21+$0xD80]  }
0x87: {  	v7 =	vld [tilespmem:s20+$0x580]  }
0x88: {  	v2 =	vadd.f32 v4, v2;
	v1 =	vadd.f32 v3, v1;
	v3 =	vld [tilespmem:s21+$0xE00]  }
0x89: {  	v9 =	vld [tilespmem:s20+$0x600]  }
0x8a: {  	v2 =	vadd.f32 v8, v2;
	v1 =	vadd.f32 v6, v1;
	v8 =	vld [tilespmem:s21+$0xE80]  }
0x8b: {  	v6 =	vld [tilespmem:s20+$0x680]  }
.Ltmp0:
0x8c: {  	v7 =	vadd.f32 v7, v2;
	v1 =	vadd.f32 v5, v1;
	v2 =	vld [tilespmem:s21+$0xF00];
	(pc) =	sbr.rel @p0 .LBB2_2-.Ltmp0, $4  }
0x8d: {  	v4 =	vld [tilespmem:s20+$0x700]  }
0x8e: {  	v7 =	vadd.f32 v9, v7;
	v9 =	vadd.f32 v3, v1;
	v3 =	vld [tilespmem:s21+$0xF80]  }
0x8f: {  	v5 =	vld [tilespmem:s20+$0x780]  }
0x90: {  	s0 =	sshra.s32 s4, $0x2;
	s4 =	sadd.s32 $0x40, s4;
	v6 =	vadd.f32 v6, v7;
	v1 =	vld [tilespmem:s20+$0x800];
	v7 =	vadd.f32 v8, v9  }
0x91: {  	v8 =	vld [tilespmem:s0+$0x0]  }
0x92: {  	v9 =	vld [tilespmem:s20+$0x880];
	v2 =	vadd.f32 v2, v7  }
0x93: {  	v33 =	vld [tilespmem:s0+$0x80]  }
0x94: {  	v34 =	vld [tilespmem:s20+$0x900];
	s3 =	sadd.s32 $0x10, s3;
	v4 =	vadd.f32 v4, v6;
	v2 =	vadd.f32 v3, v2  }
0x95: {  	v10 =	vor.u32 s3, v0;
	v3 =	vld [tilespmem:s0+$0x100]  }
0x96: {  	v35 =	vld [tilespmem:s20+$0x980];
	v4 =	vadd.f32 v5, v4;
	v8 =	vadd.f32 $0.0e+00, v8;
	vm0 =	vge.f32 v2, $0.0e+00  }
0x97: {  	v2 =	vld [tilespmem:s0+$0x180];
	v10 =	vnsel vm0, $0x0, v10  }
0x98: {  	v11 =	vld [tilespmem:s20+$0xA00];
	v1 =	vadd.f32 v1, v4;
	v36 =	vadd.f32 v33, v8;
	[tilespmem:s21+$0x1000] =	vst v10  }
0x99: {  	v37 =	vld [tilespmem:s0+$0x200]  }
0x9a: {  	v1 =	vadd.f32 v9, v1;
	v3 =	vadd.f32 v3, v36  }
0x9b: {  	v38 =	vld [tilespmem:s0+$0x280]  }
0x9c: {  	v39 =	vld [tilespmem:s20+$0xA80];
	v1 =	vadd.f32 v34, v1;
	v2 =	vadd.f32 v2, v3  }
0x9d: {  	v3 =	vld [tilespmem:s0+$0x300]  }
0x9e: {  	v40 =	vld [tilespmem:s20+$0xB00];
	v1 =	vadd.f32 v35, v1;
	v2 =	vadd.f32 v37, v2  }
0x9f: {  	v41 =	vld [tilespmem:s0+$0x380]  }
0xa0: {  	v42 =	vld [tilespmem:s20+$0xB80];
	v1 =	vadd.f32 v11, v1;
	v2 =	vadd.f32 v38, v2  }
0xa1: {  	v43 =	vld [tilespmem:s0+$0x400]  }
0xa2: {  	v44 =	vld [tilespmem:s20+$0xC00];
	v1 =	vadd.f32 v39, v1;
	v2 =	vadd.f32 v3, v2  }
0xa3: {  	v3 =	vld [tilespmem:s0+$0x480]  }
0xa4: {  	v45 =	vld [tilespmem:s20+$0xC80];
	v1 =	vadd.f32 v40, v1;
	v2 =	vadd.f32 v41, v2  }
0xa5: {  	v46 =	vld [tilespmem:s0+$0x500]  }
0xa6: {  	v47 =	vld [tilespmem:s20+$0xD00];
	v1 =	vadd.f32 v42, v1;
	v2 =	vadd.f32 v43, v2  }
0xa7: {  	v48 =	vld [tilespmem:s0+$0x580]  }
0xa8: {  	v49 =	vld [tilespmem:s20+$0xD80];
	v1 =	vadd.f32 v44, v1;
	v2 =	vadd.f32 v3, v2  }
0xa9: {  	v3 =	vld [tilespmem:s0+$0x600]  }
0xaa: {  	v50 =	vld [tilespmem:s20+$0xE00];
	v1 =	vadd.f32 v45, v1;
	v2 =	vadd.f32 v46, v2  }
0xab: {  	v51 =	vld [tilespmem:s0+$0x680]  }
0xac: {  	v52 =	vld [tilespmem:s20+$0xE80];
	v1 =	vadd.f32 v47, v1;
	v2 =	vadd.f32 v48, v2  }
0xad: {  	v53 =	vld [tilespmem:s0+$0x700]  }
0xae: {  	v54 =	vld [tilespmem:s20+$0xF00];
	v1 =	vadd.f32 v49, v1;
	v2 =	vadd.f32 v3, v2  }
0xaf: {  	v3 =	vld [tilespmem:s0+$0x780]  }
0xb0: {  	v55 =	vld [tilespmem:s20+$0xF80];
	v1 =	vadd.f32 v50, v1;
	v2 =	vadd.f32 v51, v2  }
0xb1: {  	v56 =	vld [tilespmem:s0+$0x800]  }
0xb2: {  	v1 =	vadd.f32 v52, v1;
	v2 =	vadd.f32 v53, v2  }
0xb3: {  	v57 =	vld [tilespmem:s0+$0x880]  }
0xb4: {  	v1 =	vadd.f32 v54, v1;
	v2 =	vadd.f32 v3, v2  }
0xb5: {  	v3 =	vld [tilespmem:s0+$0x900]  }
0xb6: {  	v1 =	vadd.f32 v55, v1;
	v2 =	vadd.f32 v56, v2  }
0xb7: {  	s3 =	sadd.s32 $0x10, s3;
	v58 =	vld [tilespmem:s0+$0x980]  }
0xb8: {  	v59 =	vor.u32 s3, v0;
	vm14 =	vge.f32 v1, $0.0e+00;
	v1 =	vadd.f32 v57, v2  }
0xb9: {  	v60 =	vld [tilespmem:s0+$0xA00];
	v2 =	vnsel vm14, $0x0, v59  }
0xba: {  	[tilespmem:s20+$0x1000] =	vst v2;
	v1 =	vadd.f32 v3, v1  }
0xbb: {  	v2 =	vld [tilespmem:s0+$0xA80]  }
0xbc: {  	v1 =	vadd.f32 v58, v1  }
0xbd: {  	v3 =	vld [tilespmem:s0+$0xB00]  }
0xbe: {  	v1 =	vadd.f32 v60, v1  }
0xbf: {  	v61 =	vld [tilespmem:s0+$0xB80]  }
0xc0: {  	v1 =	vadd.f32 v2, v1  }
0xc1: {  	v2 =	vld [tilespmem:s0+$0xC00]  }
0xc2: {  	v1 =	vadd.f32 v3, v1  }
0xc3: {  	v3 =	vld [tilespmem:s0+$0xC80]  }
0xc4: {  	v1 =	vadd.f32 v61, v1  }
0xc5: {  	v62 =	vld [tilespmem:s0+$0xD00]  }
0xc6: {  	v1 =	vadd.f32 v2, v1  }
0xc7: {  	v2 =	vld [tilespmem:s0+$0xD80]  }
0xc8: {  	v1 =	vadd.f32 v3, v1  }
0xc9: {  	v3 =	vld [tilespmem:s0+$0xE00]  }
0xca: {  	v1 =	vadd.f32 v62, v1  }
0xcb: {  	v63 =	vld [tilespmem:s0+$0xE80]  }
0xcc: {  	v1 =	vadd.f32 v2, v1  }
0xcd: {  	v2 =	vld [tilespmem:s0+$0xF00]  }
0xce: {  	v1 =	vadd.f32 v3, v1  }
0xcf: {  	v3 =	vld [tilespmem:s0+$0xF80]  }
0xd0: {  	v1 =	vadd.f32 v63, v1;
	_ =	sdelay $0x1  }
0xd1: {  	v1 =	vadd.f32 v2, v1;
	_ =	sdelay $0x1  }
0xd2: {  	v1 =	vadd.f32 v3, v1  }
0xd3: {  	s3 =	sadd.s32 $0x10, s3  }
0xd4: {  	v2 =	vor.u32 s3, v0;
	vm15 =	vge.f32 v1, $0.0e+00  }
0xd5: {  	v1 =	vnsel vm15, $0x0, v2  }
0xd6: {  	s26 =	rddreg [dreg:$0x6];
	s28 =	simm.s32 $0x1000;
	s20 =	simm.s32 $0x1;
	[tilespmem:s0+$0x1000] =	vst v1  }
0xd7: {  	[spmem:s26] =	stream.linear.scatter [tilespmem:s28], [sflag:$0x1], $0x80, $0x38;
	[tilespmem:$0x11900] =	vst v63  }
0xd8: {  	_ =	swait.ge [sflag:s20], $0x80  }
0xd9: {  	[sflag:s20] =	ssyncset.done $0x0  }
0xda: {  	[sflag:s20] =	ssyncadd.s32 $0xFFFFFF80  }
0xdb: {  	[bflag:$0x0] =	sbarrier.arrive $0xFFFF  }
0xdc: {  	s29 =	rddreg [dreg:$0x3]  }
0xdd: {  	[tilespmem:s16], [sflag:$0x1] =	stream.linear.gather [spmem:s29], $0x800, $0x38;
	[tilespmem:$0x11900] =	vst v63  }
0xde: {  	_ =	swait.ge [sflag:s20], $0x800  }
0xdf: {  	[sflag:s20] =	ssyncset.done $0x0  }
0xe0: {  	[sflag:s20] =	ssyncadd.s32 $0xFFFFF800  }
0xe1: {  	s31 =	simm.s32 $0x1900;
	s22 =	simm.s32 $0x0;
	_ =	strace $0x80000051  }
0xe2: {  	s23 =	simm.s32 $0x0;
	s21 =	simm.s32 $0x0;
	s30 =	rddreg [dreg:$0x7]  }
0xe3: {  	[tilespmem:s31], [sflag:$0x1] =	stream.linear.gather [hbm4b:s30+s21], $0x4000, $0x200038;
	[tilespmem:$0x11900] =	vst v63  }
0xe4: {  	s24 =	simm.s32 $0x0;
	s25 =	simm.s32 $0x0;
	_ =	strace $0x90000051  }
.LBB2_4:
0xe5: {  	s3 =	smov.u32 s21;
	s21 =	sadd.s32 $0x1, s21  }
0xe6: {  	p0 =	seq.s32 s21, $0x8  }
0xe7: {  	s21 =	simm.s32 @p0 $0x0  }
0xe8: {  	p6 =	sne.s32 s25, $0x7;
	p1 =	sne.s32 s3, s21  }
0xe9: {  	p0 =	por !p6, !p1  }
0xea: {  	p0 =	por !p0, !p0  }
0xeb: {  	s4 =	sadd.s32 @p0 s7, s21  }
0xec: {  	s0 =	sand.u32 @p0 $0x1, s20;
	_ =	strace @p0 $0x80000052;
	s4 =	sshll.u32 @p0 s4, $0xB  }
0xed: {  	s12 =	simm.s32 @p0 $0x0;
	s5 =	sshll.u32 @p0 s0, $0xE;
	s4 =	sand.u32 @p0 $0x1FFFF800, s4  }
0xee: {  	s0 =	sadd.s32 @p0 $0x1, s0;
	s5 =	sor.u32 @p0 $0x1900, s5;
	s4 =	sadd.s32 @p0 s1, s4  }
0xef: {  	[tilespmem:s5], [sflag:s0] =	stream.linear.gather @p0 [hbm4b:s4+s12], $0x4000, $0x200038;
	[tilespmem:$0x11900] =	vst v63  }
0xf0: {  	s13 =	sand.u32 $0x1, s24;
	_ =	strace @p0 $0x90000052  }
0xf1: {  	s0 =	sadd.s32 $0x1, s13;
	_ =	strace $0x80000053  }
0xf2: {  	_ =	swait.ge [sflag:s0], $0x4000  }
0xf3: {  	[sflag:s0] =	ssyncset.done $0x0  }
0xf4: {  	[sflag:s0] =	ssyncadd.s32 $0xFFFFC000  }
0xf5: {  	s14 =	sshll.u32 s24, $0xE;
	_ =	strace $0x90000053  }
0xf6: {  	s29 =	sand.u32 $0x4000, s14;
	_ =	strace $0x80000054  }
0xf7: {  	v1 =	vld [tilespmem:s29+$0x1900];
	_ =	sdelay $0x4  }
0xf8: {  	v2 =	vld [tilespmem:s29+$0x1910];
	_ =	sdelay $0x1  }
0xf9: {  	s26 =	sand.u32 $0x1, s23;
	v3 =	vld [tilespmem:s29+$0x1920]  }
0xfa: {  	s15 =	simm.s32 $0x0;
	s30 =	sshll.u32 s26, $0xE;
	s0 =	sor.u32 $0x1900, s29;
	v4 =	vld.idx.msk [tilespmem:v1+s16+$0x0], $0xffff  }
0xfb: {  	s17 =	simm.s32 $0x0;
	s28 =	sor.u32 $0x9900, s30;
	s4 =	sand.u32 $0x3800, s15;
	v1 =	vmov s0  }
0xfc: {  	s8 =	simm.s32 $0x0;
	s5 =	sand.u32 $0x400, s17;
	s13 =	sadd.s32 s4, s28  }
0xfd: {  	s12 =	sand.u32 $0x380, s8;
	s4 =	sor.u32 s5, s4;
	s13 =	sadd.s32 s5, s13  }
0xfe: {  	s4 =	sor.u32 s12, s4;
	s9 =	sadd.s32 s12, s13;
	v5 =	vld [tilespmem:s29+$0x1930]  }
0xff: {  	s13 =	sor.u32 $0x40, s4;
	v2 =	vld.idx.msk [tilespmem:v2+s16+$0x0], $0xffff;
	[tilespmem:s9+$0x0] =	vst v4  }
0x100: {  	v4 =	vld.idx.msk [tilespmem:v1+s13+$0x0 ss:$0x1], $0xffff  }
0x101: {  	v3 =	vld.idx.msk [tilespmem:v3+s16+$0x0], $0xffff;
	_ =	sdelay $0x2  }
0x102: {  	s15 =	sor.u32 $0x50, s4;
	[tilespmem:s9+$0x10] =	vst v2  }
0x103: {  	v6 =	vld.idx.msk [tilespmem:v1+s15+$0x0 ss:$0x1], $0xffff  }
0x104: {  	s17 =	sor.u32 $0x60, s4;
	v5 =	vld.idx.msk [tilespmem:v5+s16+$0x0], $0xffff;
	[tilespmem:s9+$0x20] =	vst v3  }
0x105: {  	v3 =	vld.idx.msk [tilespmem:v1+s17+$0x0 ss:$0x1], $0xffff;
	_ =	sdelay $0x1  }
0x106: {  	v2 =	vmov s28;
	v4 =	vld.idx.msk [tilespmem:v4+s16+$0x0], $0xffff  }
0x107: {  	s10 =	simm.s32 $0x80;
	s11 =	simm.s32 $0x580;
	s31 =	sadd.s32 s7, s3  }
0x108: {  	s14 =	simm.s32 $0x400;
	s8 =	simm.s32 $0x40;
	s3 =	sor.u32 $0x70, s4;
	[tilespmem:s9+$0x30] =	vst v5  }
0x109: {  	s8 =	sand.u32 $0x380, s8;
	s4 =	sand.u32 $0x7800, s10;
	s12 =	sand.u32 $0x400, s14;
	v5 =	vld.idx.msk [tilespmem:v1+s3+$0x0 ss:$0x1], $0xffff  }
0x10a: {  	s10 =	simm.s32 $0x90;
	s14 =	simm.s32 $0x480;
	s9 =	sadd.s32 s4, s0;
	v6 =	vld.idx.msk [tilespmem:v6+s16+$0x0], $0xffff  }
0x10b: {  	s4 =	simm.s32 $0x0;
	s9 =	sadd.s32 s12, s9;
	s12 =	sand.u32 $0x400, s11;
	[tilespmem:v2+s13+$0x0 ss:$0x1] =	vst.idx.msk $0xffff, v4  }
0x10c: {  	s11 =	simm.s32 $0x48;
	s9 =	sadd.s32 s8, s9;
	s8 =	sand.u32 $0x7800, s10;
	v7 =	vld.idx.msk [tilespmem:v3+s16+$0x0], $0xffff  }
0x10d: {  	s10 =	sand.u32 $0x400, s14;
	s14 =	simm.s32 $0x500;
	s8 =	sadd.s32 s8, s0;
	v3 =	vld [tilespmem:s9+$0x0]  }
0x10e: {  	s8 =	sadd.s32 s10, s8;
	s10 =	simm.s32 $0xA0;
	s9 =	sand.u32 $0x380, s11  }
0x10f: {  	s13 =	simm.s32 $0x980;
	[tilespmem:v2+s15+$0x0 ss:$0x1] =	vst.idx.msk $0xffff, v6;
	s11 =	sand.u32 $0x7800, s10;
	s5 =	sadd.s32 s9, s8  }
0x110: {  	s15 =	simm.s32 $0x50;
	s9 =	sand.u32 $0x400, s14;
	s8 =	sadd.s32 s11, s0;
	v4 =	vld [tilespmem:s5+$0x10]  }
0x111: {  	s11 =	sand.u32 $0x380, s15;
	s14 =	simm.s32 $0xB0;
	s8 =	sadd.s32 s9, s8;
	v5 =	vld.idx.msk [tilespmem:v5+s16+$0x0], $0xffff  }
0x112: {  	s5 =	sand.u32 $0x7800, s14;
	s15 =	sadd.s32 s11, s8;
	[tilespmem:v2+s17+$0x0 ss:$0x1] =	vst.idx.msk $0xffff, v7;
	s17 =	simm.s32 $0x58  }
.LBB2_5:
0x113: {  	s8 =	sand.u32 $0x380, s17;
	s9 =	sadd.s32 s5, s0  }
0x114: {  	v6 =	vld [tilespmem:s15+$0x20];
	s15 =	smov.u32 s4;
	s4 =	sadd.s32 $0x8, s4;
	s5 =	smov.u32 s13  }
0x115: {  	s10 =	sshll.u32 s4, $0x4;
	s17 =	sshll.u32 s4, $0x3;
	v3 =	vld.idx.msk [tilespmem:v3+s16+$0x0], $0xffff;
	s9 =	sadd.s32 s12, s9  }
0x116: {  	s12 =	sadd.s32 $0xFFFFFA80, s13;
	s10 =	sand.u32 $0x3800, s10;
	[tilespmem:v2+s3+$0x0 ss:$0x1] =	vst.idx.msk $0xffff, v5;
	s3 =	sadd.s32 s8, s9  }
0x117: {  	s8 =	sand.u32 $0x400, s12;
	s12 =	sand.u32 $0x400, s13;
	s9 =	sadd.s32 s10, s28;
	v5 =	vld [tilespmem:s3+$0x30]  }
0x118: {  	s3 =	sand.u32 $0x380, s17;
	s9 =	sadd.s32 s8, s9;
	s8 =	sor.u32 s8, s10;
	v4 =	vld.idx.msk [tilespmem:v4+s16+$0x0], $0xffff  }
0x119: {  	p2 =	slt.u32 s4, $0x3F0;
	s9 =	sadd.s32 s3, s9;
	s3 =	sor.u32 s3, s8  }
0x11a: {  	[tilespmem:s9+$0x0] =	vst v3;
	s8 =	sor.u32 $0x40, s3  }
0x11b: {  	v3 =	vld.idx.msk [tilespmem:v1+s8+$0x0 ss:$0x1], $0xffff  }
0x11c: {  	v6 =	vld.idx.msk [tilespmem:v6+s16+$0x0], $0xffff  }
0x11d: {  	s10 =	sor.u32 $0x50, s3;
	[tilespmem:s9+$0x10] =	vst v4  }
0x11e: {  	v4 =	vld.idx.msk [tilespmem:v1+s10+$0x0 ss:$0x1], $0xffff  }
0x11f: {  	v5 =	vld.idx.msk [tilespmem:v5+s16+$0x0], $0xffff;
	_ =	sdelay $0x2  }
0x120: {  	s17 =	sor.u32 $0x60, s3;
	[tilespmem:s9+$0x20] =	vst v6  }
0x121: {  	v6 =	vld.idx.msk [tilespmem:v1+s17+$0x0 ss:$0x1], $0xffff  }
0x122: {  	v3 =	vld.idx.msk [tilespmem:v3+s16+$0x0], $0xffff  }
0x123: {  	s3 =	sor.u32 $0x70, s3;
	[tilespmem:s9+$0x30] =	vst v5;
	s9 =	sadd.s32 $0x10, s15  }
0x124: {  	v5 =	vld.idx.msk [tilespmem:v1+s3+$0x0 ss:$0x1], $0xffff;
	s11 =	sshll.u32 s9, $0x4;
	s9 =	sshll.u32 s9, $0x3  }
0x125: {  	s14 =	sadd.s32 $0xFFFFFE80, s13;
	v4 =	vld.idx.msk [tilespmem:v4+s16+$0x0], $0xffff;
	s11 =	sand.u32 $0x7800, s11  }
0x126: {  	s14 =	sand.u32 $0x400, s14;
	s11 =	sadd.s32 s11, s0  }
0x127: {  	s9 =	sand.u32 $0x380, s9;
	s11 =	sadd.s32 s14, s11;
	s14 =	sadd.s32 $0x11, s15  }
0x128: {  	[tilespmem:v2+s8+$0x0 ss:$0x1] =	vst.idx.msk $0xffff, v3;
	s8 =	sadd.s32 s9, s11;
	s9 =	sshll.u32 s14, $0x4;
	s11 =	sshll.u32 s14, $0x3  }
0x129: {  	v3 =	vld [tilespmem:s8+$0x0];
	s8 =	sand.u32 $0x7800, s9;
	s9 =	sadd.s32 $0xFFFFFF00, s13  }
0x12a: {  	s13 =	sadd.s32 $0x400, s13;
	v6 =	vld.idx.msk [tilespmem:v6+s16+$0x0], $0xffff;
	s9 =	sand.u32 $0x400, s9;
	s8 =	sadd.s32 s8, s0  }
0x12b: {  	[tilespmem:v2+s10+$0x0 ss:$0x1] =	vst.idx.msk $0xffff, v4;
	s10 =	sand.u32 $0x380, s11;
	s8 =	sadd.s32 s9, s8;
	s9 =	sadd.s32 $0x12, s15  }
.Ltmp1:
0x12c: {  	v5 =	vld.idx.msk [tilespmem:v5+s16+$0x0], $0xffff;
	s8 =	sadd.s32 s10, s8;
	s10 =	sshll.u32 s9, $0x4;
	(pc) =	sbr.rel @p2 .LBB2_5-.Ltmp1, $4  }
0x12d: {  	s5 =	sadd.s32 $0xFFFFFF80, s5;
	s9 =	sshll.u32 s9, $0x3;
	v4 =	vld [tilespmem:s8+$0x10];
	s8 =	sand.u32 $0x7800, s10  }
0x12e: {  	s5 =	sand.u32 $0x400, s5;
	s10 =	sadd.s32 $0x13, s15;
	s8 =	sadd.s32 s8, s0  }
0x12f: {  	s9 =	sand.u32 $0x380, s9;
	s5 =	sadd.s32 s5, s8;
	s8 =	sshll.u32 s10, $0x4  }
0x130: {  	[tilespmem:v2+s17+$0x0 ss:$0x1] =	vst.idx.msk $0xffff, v6;
	s15 =	sadd.s32 s9, s5;
	s5 =	sand.u32 $0x7800, s8;
	s17 =	sshll.u32 s10, $0x3  }
0x131: {  	_ =	sdelay $0x2  }
0x132: {  	v1 =	vld [tilespmem:s15+$0x20]  }
0x133: {  	s0 =	sadd.s32 s5, s0;
	v3 =	vld.idx.msk [tilespmem:v3+s16+$0x0], $0xffff  }
0x134: {  	s4 =	sand.u32 $0x380, s17;
	[tilespmem:v2+s3+$0x0 ss:$0x1] =	vst.idx.msk $0xffff, v5;
	s0 =	sadd.s32 s12, s0  }
0x135: {  	v4 =	vld.idx.msk [tilespmem:v4+s16+$0x0], $0xffff;
	s0 =	sadd.s32 s4, s0  }
0x136: {  	v2 =	vld [tilespmem:s0+$0x30];
	_ =	sdelay $0x1  }
0x137: {  	[tilespmem:s30+$0xD880] =	vst v3  }
0x138: {  	v3 =	vld [tilespmem:s29+$0x58C0];
	_ =	sdelay $0x1  }
0x139: {  	v1 =	vld.idx.msk [tilespmem:v1+s16+$0x0], $0xffff;
	[tilespmem:s30+$0xD890] =	vst v4  }
0x13a: {  	v4 =	vld [tilespmem:s29+$0x58D0];
	_ =	sdelay $0x1  }
0x13b: {  	v2 =	vld.idx.msk [tilespmem:v2+s16+$0x0], $0xffff;
	_ =	sdelay $0x1  }
0x13c: {  	[tilespmem:s30+$0xD8A0] =	vst v1  }
0x13d: {  	v1 =	vld.idx.msk [tilespmem:v3+s16+$0x0], $0xffff  }
0x13e: {  	v3 =	vld [tilespmem:s29+$0x58E0]  }
0x13f: {  	[tilespmem:s30+$0xD8B0] =	vst v2  }
0x140: {  	v2 =	vld.idx.msk [tilespmem:v4+s16+$0x0], $0xffff;
	_ =	sdelay $0x3  }
0x141: {  	v63 =	vld [tilespmem:s29+$0x58F0];
	[tilespmem:s30+$0xD8C0] =	vst v1  }
0x142: {  	[tilespmem:s30+$0xD8D0] =	vst v2  }
0x143: {  	v1 =	vld.idx.msk [tilespmem:v3+s16+$0x0], $0xffff;
	_ =	sdelay $0x4  }
0x144: {  	[tilespmem:s30+$0xD8E0] =	vst v1  }
0x145: {  	v1 =	vld.idx.msk [tilespmem:v63+s16+$0x0], $0xffff;
	_ =	sdelay $0x1  }
0x146: {  	p2 =	seq.s32 s25, $0x7  }
0x147: {  	p1 =	por p2, p1  }
0x148: {  	s3 =	sshll.u32 @p1 s31, $0xB;
	s4 =	sadd.s32 @p1 $0x3, s26  }
0x149: {  	s5 =	simm.s32 @p1 $0x0;
	s0 =	simm.s32 $0x1;
	s3 =	sand.u32 @p1 $0x1FFFF800, s3;
	[tilespmem:s30+$0xD8F0] =	vst v1  }
0x14a: {  	s0 =	simm.s32 @!p0 $0x0;
	s3 =	sadd.s32 @p1 s2, s3;
	_ =	strace $0x90000054  }
0x14b: {  	s20 =	sadd.s32 s0, s20;
	s0 =	simm.s32 $0x1;
	_ =	strace @p1 $0x80000055  }
0x14c: {  	[hbm4b:s3+s5] =	stream.linear.scatter @p1 [tilespmem:s28], [sflag:s4], $0x4000, $0x200038;
	[tilespmem:$0x11900] =	vst v63  }
0x14d: {  	p0 =	seq.s32 s25, $0x0;
	s0 =	simm.s32 @!p1 $0x0;
	s4 =	simm.s32 $0x1  }
0x14e: {  	_ =	strace @p1 $0x90000055;
	p1 =	sne.s32 s25, $0x0;
	s25 =	sadd.s32 $0x1, s25  }
0x14f: {  	s3 =	sand.u32 @!p0 $0x1, s22;
	s4 =	simm.s32 @!p1 $0x0;
	p1 =	sne.s32 s25, $0x8  }
.Ltmp2:
0x150: {  	s3 =	sadd.s32 @!p0 $0x3, s3;
	_ =	strace @!p0 $0x80000056;
	(pc) =	sbr.rel @p1 .LBB2_4-.Ltmp2, $4  }
0x151: {  	_ =	swait.ge @!p0 [sflag:s3], $0x4000  }
0x152: {  	[sflag:s3] =	ssyncset.done @!p0 $0x0  }
0x153: {  	s23 =	sadd.s32 s0, s23;
	[sflag:s3] =	ssyncadd.s32 @!p0 $0xFFFFC000  }
0x154: {  	s24 =	sadd.s32 s0, s24;
	s22 =	sadd.s32 s4, s22;
	_ =	strace @!p0 $0x90000056  }
0x155: {  	_ =	strace $0x80000057  }
0x156: {  	_ =	swait.ge [sflag:s18], $0x4000  }
0x157: {  	s19 =	sadd.s32 $0x1, s19;
	s0 =	rddreg [dreg:$0x8]  }
0x158: {  	p0 =	sne.s32 s19, s0  }
.Ltmp3:
0x159: {  	_ = 	snop;
	(pc) =	sbr.rel @p0 .LBB2_1-.Ltmp3, $4  }
0x15a: {  	_ = 	snop  }
0x15b: {  	[sflag:s18] =	ssyncset.done $0x0  }
0x15c: {  	[sflag:s18] =	ssyncadd.s32 $0xFFFFC000  }
0x15d: {  	_ =	strace $0x90000057  }
0x15e: {  	_ =	sfence.sel $0x180000  }
0x15f: {  	[bflag:$0x0] =	sbarrier.arrive $0xFFFF  }
0x160: {  	_ =	strace $0x90000050  }
0x161: {  	s0 =	stileid.u32;
	[bflag:$0x2] =	sbarrier.arrive $0xFFFF  }
0x162: {  	p0 =	sne.s32 s0, $0x0;
	s0 =	rddreg [dreg:$0x4]  }
0x163: {  	s0 =	sadd.s32 @!p0 $0x100000, s0  }
0x164: {  	[sflag:s0] =	ssyncadd.tile.s32 @!p0 $0x1;
	_ =	shalt  }
.Lfunc_end2:
_tile_overlayer_lowered:
.L_overlay_start_2:
0x165: {  	(tag) =	ssettag $0x2  }
0x166: {  	s0 =	rddreg [dreg:$0x0];
	s2 =	stileid.u32  }
0x167: {  	s1 =	rddreg [dreg:$0x1];
	p0 =	sne.s32 s2, $0x0  }
0x168: {  	s3 =	rddreg [dreg:$0x2];
	[bflag:$0x3] =	sbarrier.arrive $0xFFFF;
	s2 =	simm.s32 @!p0 $0x1C01  }
0x169: {  	[timem:s3], [sflag:s2] =	dma.local @!p0 [hbm:s0], s1  }
0x16a: {  	s0 =	simm.s32 @!p0 $0x1  }
0x16b: {  	_ =	swait.ge @!p0 [sflag:s0], s1  }
0x16c: {  	s1 =	ssub.s32 @!p0 $0x0, s1;
	[sflag:s0] =	ssyncset.done @!p0 $0x0  }
0x16d: {  	[sflag:s0] =	ssyncadd.s32 @!p0 s1  }
0x16e: {  	[bflag:$0x3] =	sbarrier.arrive $0xFFFF  }
0x16f: {  	_ =	shalt  }

</sc_bundles>
